<compile_context>
chip_gen: v7x
topology: tpu7x:2x2x1
jax: 0.10.2.dev20260603
libtpu: 0.0.44.dev20260713+nightly
codegen_flags: <defaults>
</compile_context>

<pallas_src>
import jax
import jax.numpy as jnp
from jax import lax
from jax.experimental import pallas as pl
from jax.experimental.pallas import tpu as pltpu, tpu_sc as plsc

_NC = 2
_NS = 16
_NW = _NC * _NS
_D = 128
_W = _D // 2
_L = 16
_C = 80
_NB = 4


def _tree_sum(vs):
    while len(vs) > 1:
        vs = [a + b for a, b in zip(vs[::2], vs[1::2])]
    return vs[0]


def _edge_dot_kernel(n_edges):
    per_w = n_edges // _NW
    n_chunks = per_w // _C
    assert per_w % _C == 0 and n_chunks % _NB == 1

    mesh = plsc.VectorSubcoreMesh(core_axis_name="c", subcore_axis_name="s")

    @jax.jit
    def run(z, src2, dst2):
        @pl.kernel(
            out_type=jax.ShapeDtypeStruct((n_edges,), jnp.float32),
            mesh=mesh,
            compiler_params=pltpu.CompilerParams(
                needs_layout_passes=False, use_tc_tiling_on_sc=False),
            scratch_types=[
                pltpu.VMEM((n_chunks, _C), jnp.int32),
                pltpu.VMEM((n_chunks, _C), jnp.int32),
                pltpu.VMEM((_NB, _C, _W), jnp.int32),
                pltpu.VMEM((_NB, _C, _W), jnp.int32),
                pltpu.VMEM((per_w,), jnp.float32),
                pltpu.VMEM((_L * _L,), jnp.float32),
            ] + [pltpu.SemaphoreType.DMA] * (2 * _NB),
        )
        def k(z_hbm, src_hbm, dst_hbm, out_hbm,
              sidx, didx, srows, drows, outv, tbuf, *sems):
            ssems = sems[:_NB]
            dsems = sems[_NB:]
            wid = lax.axis_index("s") * _NC + lax.axis_index("c")
            pltpu.sync_copy(src_hbm.at[wid], sidx)
            pltpu.sync_copy(dst_hbm.at[wid], didx)

            def start(i, b):
                pltpu.async_copy(z_hbm.at[sidx.at[i]], srows.at[b], ssems[b])
                pltpu.async_copy(z_hbm.at[didx.at[i]], drows.at[b], dsems[b])

            def wait(b):
                dummy = z_hbm.at[pl.ds(0, _C)]
                pltpu.make_async_copy(dummy, srows.at[b], ssems[b]).wait()
                pltpu.make_async_copy(dummy, drows.at[b], dsems[b]).wait()

            def compute(g, b):
                sr = srows.at[b]
                dr = drows.at[b]

                def group(gi, _):
                    eb = gi * _L

                    def edge(j, _):
                        e = eb + j
                        ps = []
                        for t in range(_D // (2 * _L)):
                            a = plsc.bitcast(sr[e, pl.ds(t * _L, _L)],
                                             jnp.bfloat16)
                            b_ = plsc.bitcast(dr[e, pl.ds(t * _L, _L)],
                                              jnp.bfloat16)
                            p0, p1 = plsc.unpack(
                                a * b_, format=plsc.PackFormat.INTERLEAVED,
                                preferred_element_type=jnp.float32)
                            ps += [p0, p1]
                        tbuf[pl.ds(j * _L, _L)] = _tree_sum(ps)
                        return 0

                    lax.fori_loop(0, _L, edge, 0, unroll=2)
                    colidx = lax.iota(jnp.int32, _L) * _L
                    cols = [plsc.load_gather(tbuf, [colidx + l])
                            for l in range(_L)]
                    outv[pl.ds(g * _C + eb, _L)] = _tree_sum(cols)
                    return 0

                lax.fori_loop(0, _C // _L, group, 0)

            for b in range(_NB - 1):
                start(b, b)

            def outer(t, _):
                g0 = t * _NB
                for b in range(_NB):
                    g = g0 + b
                    wait(b)

                    @pl.when(g + _NB - 1 < n_chunks)
                    def _():
                        start(g + _NB - 1, (b + _NB - 1) % _NB)

                    compute(g, b)
                return 0

            lax.fori_loop(0, (n_chunks - 1) // _NB, outer, 0)
            wait(0)
            compute(n_chunks - 1, 0)
            pltpu.sync_copy(outv, out_hbm.at[pl.ds(wid * per_w, per_w)])

        return k(z, src2, dst2)

    return run


def kernel(z, edge):
    n_edges = edge.shape[0]
    per_w = n_edges // _NW
    src2 = edge[:, 0].astype(jnp.int32).reshape(_NW, per_w // _C, _C)
    dst2 = edge[:, 1].astype(jnp.int32).reshape(_NW, per_w // _C, _C)
    zi = lax.bitcast_convert_type(
        z.astype(jnp.bfloat16).reshape(z.shape[0], z.shape[1] // 2, 2),
        jnp.int32)
    return _edge_dot_kernel(n_edges)(zi, src2, dst2)

# --- scband reference (transcript-rebuilt; emitter-appended) ---
"""Pipeline reference for scband-base-model-66597762891972 (READ-ONLY COPY).

The authoritative reference and input builder live on the scoring server;
editing this copy changes nothing except your own understanding.
"""

import jax, jax.numpy as jnp
import numpy as np

def setup_inputs(seed: int = 0) -> dict:
    key = jax.random.key(seed)
    k1, k2 = jax.random.split(key)
    z = jax.random.normal(k1, (10000, 128), dtype=jnp.float32)
    edge = jax.random.randint(k2, (320000, 2), 0, 10000, dtype=jnp.int64)
    return {"z": z, "edge": edge}

def reference(z, edge):
    src = edge[:, 0]
    dst = edge[:, 1]
    return (z[src] * z[dst]).sum(axis=1)

if __name__ == "__main__":
    import jax
    _d = setup_inputs()
    print(jax.jit(kernel)(*tuple(_d.values())))

</pallas_src>

<mosaic_0001>
#map = affine_map<(d0, d1) -> (0, 0)>
#map1 = affine_map<(d0, d1) -> (0, 0, 0)>
#map2 = affine_map<(d0, d1) -> (0)>
module attributes {stable_mosaic.version = 14 : i64} {
  func.func @k(%arg0: i32, %arg1: i32, %arg2: memref<10000x64xi32, #tpu.memory_space<hbm>>, %arg3: memref<32x125x80xi32, #tpu.memory_space<hbm>>, %arg4: memref<32x125x80xi32, #tpu.memory_space<hbm>>, %arg5: memref<320000xf32, #tpu.memory_space<hbm>>, %arg6: memref<125x80xi32, #tpu.memory_space<vmem>>, %arg7: memref<125x80xi32, #tpu.memory_space<vmem>>, %arg8: memref<4x80x64xi32, #tpu.memory_space<vmem>>, %arg9: memref<4x80x64xi32, #tpu.memory_space<vmem>>, %arg10: memref<10000xf32, #tpu.memory_space<vmem>>, %arg11: memref<256xf32, #tpu.memory_space<vmem>>, %arg12: memref<!tpu.dma_semaphore, #tpu.memory_space<semaphore_mem>>, %arg13: memref<!tpu.dma_semaphore, #tpu.memory_space<semaphore_mem>>, %arg14: memref<!tpu.dma_semaphore, #tpu.memory_space<semaphore_mem>>, %arg15: memref<!tpu.dma_semaphore, #tpu.memory_space<semaphore_mem>>, %arg16: memref<!tpu.dma_semaphore, #tpu.memory_space<semaphore_mem>>, %arg17: memref<!tpu.dma_semaphore, #tpu.memory_space<semaphore_mem>>, %arg18: memref<!tpu.dma_semaphore, #tpu.memory_space<semaphore_mem>>, %arg19: memref<!tpu.dma_semaphore, #tpu.memory_space<semaphore_mem>>) attributes {dimension_semantics = [#tpu.dimension_semantics<core_parallel>, #tpu.dimension_semantics<subcore_parallel>], iteration_bounds = array<i64: 2, 16>, scalar_prefetch = 0 : i64, scratch_operands = 14 : i64, tpu.core_type = #tpu.core_type<sc_vector_subcore>, window_params = [{transform_indices = #map}, {transform_indices = #map1}, {transform_indices = #map1}, {transform_indices = #map2}]} {
    %mul3A = arith.constant 2 : i32
    %mul3A_0 = arith.muli %arg1, %mul3A : i32
    %add3A = arith.addi %mul3A_0, %arg0 : i32
    "tpu.region"() ({
      %run_scoped3A = tpu.sem_alloc : memref<!tpu.dma_semaphore, #tpu.memory_space<semaphore_mem>>
      %dma_start3A_118 = arith.constant 0 : i32
      %dma_start3A_119 = arith.constant 0 : i32
      %dma_start3A_120 = tpu.memref_slice %arg3[%add3A, %dma_start3A_118, %dma_start3A_119] : memref<32x125x80xi32, #tpu.memory_space<hbm>> -> memref<1x125x80xi32, #tpu.memory_space<hbm>>
      %dma_start3A_121 = tpu.memref_squeeze %dma_start3A_120 : memref<1x125x80xi32, #tpu.memory_space<hbm>> -> memref<125x80xi32, #tpu.memory_space<hbm>>
      %dma_start3A_122 = arith.constant 0 : i32
      %dma_start3A_123 = arith.constant 0 : i32
      %dma_start3A_124 = tpu.memref_slice %arg3[%add3A, %dma_start3A_122, %dma_start3A_123] : memref<32x125x80xi32, #tpu.memory_space<hbm>> -> memref<1x125x80xi32, #tpu.memory_space<hbm>>
      %dma_start3A_125 = tpu.memref_squeeze %dma_start3A_124 : memref<1x125x80xi32, #tpu.memory_space<hbm>> -> memref<125x80xi32, #tpu.memory_space<hbm>>
      tpu.enqueue_dma source(%dma_start3A_125 : memref<125x80xi32, #tpu.memory_space<hbm>>) target(%arg6 : memref<125x80xi32, #tpu.memory_space<vmem>>) target_semaphore(%run_scoped3A : memref<!tpu.dma_semaphore, #tpu.memory_space<semaphore_mem>>)
      %dma_wait3A_126 = arith.constant 0 : i32
      %dma_wait3A_127 = arith.constant 0 : i32
      %dma_wait3A_128 = tpu.memref_slice %arg3[%add3A, %dma_wait3A_126, %dma_wait3A_127] : memref<32x125x80xi32, #tpu.memory_space<hbm>> -> memref<1x125x80xi32, #tpu.memory_space<hbm>>
      %dma_wait3A_129 = tpu.memref_squeeze %dma_wait3A_128 : memref<1x125x80xi32, #tpu.memory_space<hbm>> -> memref<125x80xi32, #tpu.memory_space<hbm>>
      %dma_wait3A_130 = arith.constant 0 : i32
      %dma_wait3A_131 = arith.constant 0 : i32
      %dma_wait3A_132 = tpu.memref_slice %arg3[%add3A, %dma_wait3A_130, %dma_wait3A_131] : memref<32x125x80xi32, #tpu.memory_space<hbm>> -> memref<1x125x80xi32, #tpu.memory_space<hbm>>
      %dma_wait3A_133 = tpu.memref_squeeze %dma_wait3A_132 : memref<1x125x80xi32, #tpu.memory_space<hbm>> -> memref<125x80xi32, #tpu.memory_space<hbm>>
      tpu.wait_dma2 semaphore(%run_scoped3A : memref<!tpu.dma_semaphore, #tpu.memory_space<semaphore_mem>>) src(%dma_wait3A_133 : memref<125x80xi32, #tpu.memory_space<hbm>>) dst(%arg6 : memref<125x80xi32, #tpu.memory_space<vmem>>)
      tpu.yield
    }) : () -> ()
    "tpu.region"() ({
      %run_scoped3A = tpu.sem_alloc : memref<!tpu.dma_semaphore, #tpu.memory_space<semaphore_mem>>
      %dma_start3A_118 = arith.constant 0 : i32
      %dma_start3A_119 = arith.constant 0 : i32
      %dma_start3A_120 = tpu.memref_slice %arg4[%add3A, %dma_start3A_118, %dma_start3A_119] : memref<32x125x80xi32, #tpu.memory_space<hbm>> -> memref<1x125x80xi32, #tpu.memory_space<hbm>>
      %dma_start3A_121 = tpu.memref_squeeze %dma_start3A_120 : memref<1x125x80xi32, #tpu.memory_space<hbm>> -> memref<125x80xi32, #tpu.memory_space<hbm>>
      %dma_start3A_122 = arith.constant 0 : i32
      %dma_start3A_123 = arith.constant 0 : i32
      %dma_start3A_124 = tpu.memref_slice %arg4[%add3A, %dma_start3A_122, %dma_start3A_123] : memref<32x125x80xi32, #tpu.memory_space<hbm>> -> memref<1x125x80xi32, #tpu.memory_space<hbm>>
      %dma_start3A_125 = tpu.memref_squeeze %dma_start3A_124 : memref<1x125x80xi32, #tpu.memory_space<hbm>> -> memref<125x80xi32, #tpu.memory_space<hbm>>
      tpu.enqueue_dma source(%dma_start3A_125 : memref<125x80xi32, #tpu.memory_space<hbm>>) target(%arg7 : memref<125x80xi32, #tpu.memory_space<vmem>>) target_semaphore(%run_scoped3A : memref<!tpu.dma_semaphore, #tpu.memory_space<semaphore_mem>>)
      %dma_wait3A_126 = arith.constant 0 : i32
      %dma_wait3A_127 = arith.constant 0 : i32
      %dma_wait3A_128 = tpu.memref_slice %arg4[%add3A, %dma_wait3A_126, %dma_wait3A_127] : memref<32x125x80xi32, #tpu.memory_space<hbm>> -> memref<1x125x80xi32, #tpu.memory_space<hbm>>
      %dma_wait3A_129 = tpu.memref_squeeze %dma_wait3A_128 : memref<1x125x80xi32, #tpu.memory_space<hbm>> -> memref<125x80xi32, #tpu.memory_space<hbm>>
      %dma_wait3A_130 = arith.constant 0 : i32
      %dma_wait3A_131 = arith.constant 0 : i32
      %dma_wait3A_132 = tpu.memref_slice %arg4[%add3A, %dma_wait3A_130, %dma_wait3A_131] : memref<32x125x80xi32, #tpu.memory_space<hbm>> -> memref<1x125x80xi32, #tpu.memory_space<hbm>>
      %dma_wait3A_133 = tpu.memref_squeeze %dma_wait3A_132 : memref<1x125x80xi32, #tpu.memory_space<hbm>> -> memref<125x80xi32, #tpu.memory_space<hbm>>
      tpu.wait_dma2 semaphore(%run_scoped3A : memref<!tpu.dma_semaphore, #tpu.memory_space<semaphore_mem>>) src(%dma_wait3A_133 : memref<125x80xi32, #tpu.memory_space<hbm>>) dst(%arg7 : memref<125x80xi32, #tpu.memory_space<vmem>>)
      tpu.yield
    }) : () -> ()
    %dma_start3A = arith.constant 0 : i32
    %dma_start3A_1 = arith.constant 0 : i32
    %dma_start3A_2 = arith.constant 0 : i32
    %dma_start3A_3 = arith.constant 0 : i32
    %dma_start3A_4 = tpu.memref_slice %arg8[%dma_start3A_1, %dma_start3A_2, %dma_start3A_3] : memref<4x80x64xi32, #tpu.memory_space<vmem>> -> memref<1x80x64xi32, #tpu.memory_space<vmem>>
    %dma_start3A_5 = tpu.memref_squeeze %dma_start3A_4 : memref<1x80x64xi32, #tpu.memory_space<vmem>> -> memref<80x64xi32, #tpu.memory_space<vmem>>
    %dma_start3A_6 = arith.constant 0 : i32
    %dma_start3A_7 = tpu.memref_slice %arg6[%dma_start3A, %dma_start3A_6] : memref<125x80xi32, #tpu.memory_space<vmem>> -> memref<1x80xi32, #tpu.memory_space<vmem>>
    %dma_start3A_8 = tpu.memref_squeeze %dma_start3A_7 : memref<1x80xi32, #tpu.memory_space<vmem>> -> memref<80xi32, #tpu.memory_space<vmem>>
    %dma_start3A_9 = arith.constant 0 : i32
    %dma_start3A_10 = arith.constant 0 : i32
    %dma_start3A_11 = tpu.memref_slice %arg2[%dma_start3A_9, %dma_start3A_10] : memref<10000x64xi32, #tpu.memory_space<hbm>> -> memref<10000x64xi32, #tpu.memory_space<hbm>>
    tpu.enqueue_indirect_dma source(%dma_start3A_11 : memref<10000x64xi32, #tpu.memory_space<hbm>>) target(%dma_start3A_5 : memref<80x64xi32, #tpu.memory_space<vmem>>) offsets(%dma_start3A_8 : memref<80xi32, #tpu.memory_space<vmem>>) semaphore(%arg12 : memref<!tpu.dma_semaphore, #tpu.memory_space<semaphore_mem>>)
    %dma_start3A_12 = arith.constant 0 : i32
    %dma_start3A_13 = arith.constant 0 : i32
    %dma_start3A_14 = arith.constant 0 : i32
    %dma_start3A_15 = arith.constant 0 : i32
    %dma_start3A_16 = tpu.memref_slice %arg9[%dma_start3A_13, %dma_start3A_14, %dma_start3A_15] : memref<4x80x64xi32, #tpu.memory_space<vmem>> -> memref<1x80x64xi32, #tpu.memory_space<vmem>>
    %dma_start3A_17 = tpu.memref_squeeze %dma_start3A_16 : memref<1x80x64xi32, #tpu.memory_space<vmem>> -> memref<80x64xi32, #tpu.memory_space<vmem>>
    %dma_start3A_18 = arith.constant 0 : i32
    %dma_start3A_19 = tpu.memref_slice %arg7[%dma_start3A_12, %dma_start3A_18] : memref<125x80xi32, #tpu.memory_space<vmem>> -> memref<1x80xi32, #tpu.memory_space<vmem>>
    %dma_start3A_20 = tpu.memref_squeeze %dma_start3A_19 : memref<1x80xi32, #tpu.memory_space<vmem>> -> memref<80xi32, #tpu.memory_space<vmem>>
    %dma_start3A_21 = arith.constant 0 : i32
    %dma_start3A_22 = arith.constant 0 : i32
    %dma_start3A_23 = tpu.memref_slice %arg2[%dma_start3A_21, %dma_start3A_22] : memref<10000x64xi32, #tpu.memory_space<hbm>> -> memref<10000x64xi32, #tpu.memory_space<hbm>>
    tpu.enqueue_indirect_dma source(%dma_start3A_23 : memref<10000x64xi32, #tpu.memory_space<hbm>>) target(%dma_start3A_17 : memref<80x64xi32, #tpu.memory_space<vmem>>) offsets(%dma_start3A_20 : memref<80xi32, #tpu.memory_space<vmem>>) semaphore(%arg16 : memref<!tpu.dma_semaphore, #tpu.memory_space<semaphore_mem>>)
    %dma_start3A_24 = arith.constant 1 : i32
    %dma_start3A_25 = arith.constant 1 : i32
    %dma_start3A_26 = arith.constant 0 : i32
    %dma_start3A_27 = arith.constant 0 : i32
    %dma_start3A_28 = tpu.memref_slice %arg8[%dma_start3A_25, %dma_start3A_26, %dma_start3A_27] : memref<4x80x64xi32, #tpu.memory_space<vmem>> -> memref<1x80x64xi32, #tpu.memory_space<vmem>>
    %dma_start3A_29 = tpu.memref_squeeze %dma_start3A_28 : memref<1x80x64xi32, #tpu.memory_space<vmem>> -> memref<80x64xi32, #tpu.memory_space<vmem>>
    %dma_start3A_30 = arith.constant 0 : i32
    %dma_start3A_31 = tpu.memref_slice %arg6[%dma_start3A_24, %dma_start3A_30] : memref<125x80xi32, #tpu.memory_space<vmem>> -> memref<1x80xi32, #tpu.memory_space<vmem>>
    %dma_start3A_32 = tpu.memref_squeeze %dma_start3A_31 : memref<1x80xi32, #tpu.memory_space<vmem>> -> memref<80xi32, #tpu.memory_space<vmem>>
    %dma_start3A_33 = arith.constant 0 : i32
    %dma_start3A_34 = arith.constant 0 : i32
    %dma_start3A_35 = tpu.memref_slice %arg2[%dma_start3A_33, %dma_start3A_34] : memref<10000x64xi32, #tpu.memory_space<hbm>> -> memref<10000x64xi32, #tpu.memory_space<hbm>>
    tpu.enqueue_indirect_dma source(%dma_start3A_35 : memref<10000x64xi32, #tpu.memory_space<hbm>>) target(%dma_start3A_29 : memref<80x64xi32, #tpu.memory_space<vmem>>) offsets(%dma_start3A_32 : memref<80xi32, #tpu.memory_space<vmem>>) semaphore(%arg13 : memref<!tpu.dma_semaphore, #tpu.memory_space<semaphore_mem>>)
    %dma_start3A_36 = arith.constant 1 : i32
    %dma_start3A_37 = arith.constant 1 : i32
    %dma_start3A_38 = arith.constant 0 : i32
    %dma_start3A_39 = arith.constant 0 : i32
    %dma_start3A_40 = tpu.memref_slice %arg9[%dma_start3A_37, %dma_start3A_38, %dma_start3A_39] : memref<4x80x64xi32, #tpu.memory_space<vmem>> -> memref<1x80x64xi32, #tpu.memory_space<vmem>>
    %dma_start3A_41 = tpu.memref_squeeze %dma_start3A_40 : memref<1x80x64xi32, #tpu.memory_space<vmem>> -> memref<80x64xi32, #tpu.memory_space<vmem>>
    %dma_start3A_42 = arith.constant 0 : i32
    %dma_start3A_43 = tpu.memref_slice %arg7[%dma_start3A_36, %dma_start3A_42] : memref<125x80xi32, #tpu.memory_space<vmem>> -> memref<1x80xi32, #tpu.memory_space<vmem>>
    %dma_start3A_44 = tpu.memref_squeeze %dma_start3A_43 : memref<1x80xi32, #tpu.memory_space<vmem>> -> memref<80xi32, #tpu.memory_space<vmem>>
    %dma_start3A_45 = arith.constant 0 : i32
    %dma_start3A_46 = arith.constant 0 : i32
    %dma_start3A_47 = tpu.memref_slice %arg2[%dma_start3A_45, %dma_start3A_46] : memref<10000x64xi32, #tpu.memory_space<hbm>> -> memref<10000x64xi32, #tpu.memory_space<hbm>>
    tpu.enqueue_indirect_dma source(%dma_start3A_47 : memref<10000x64xi32, #tpu.memory_space<hbm>>) target(%dma_start3A_41 : memref<80x64xi32, #tpu.memory_space<vmem>>) offsets(%dma_start3A_44 : memref<80xi32, #tpu.memory_space<vmem>>) semaphore(%arg17 : memref<!tpu.dma_semaphore, #tpu.memory_space<semaphore_mem>>)
    %dma_start3A_48 = arith.constant 2 : i32
    %dma_start3A_49 = arith.constant 2 : i32
    %dma_start3A_50 = arith.constant 0 : i32
    %dma_start3A_51 = arith.constant 0 : i32
    %dma_start3A_52 = tpu.memref_slice %arg8[%dma_start3A_49, %dma_start3A_50, %dma_start3A_51] : memref<4x80x64xi32, #tpu.memory_space<vmem>> -> memref<1x80x64xi32, #tpu.memory_space<vmem>>
    %dma_start3A_53 = tpu.memref_squeeze %dma_start3A_52 : memref<1x80x64xi32, #tpu.memory_space<vmem>> -> memref<80x64xi32, #tpu.memory_space<vmem>>
    %dma_start3A_54 = arith.constant 0 : i32
    %dma_start3A_55 = tpu.memref_slice %arg6[%dma_start3A_48, %dma_start3A_54] : memref<125x80xi32, #tpu.memory_space<vmem>> -> memref<1x80xi32, #tpu.memory_space<vmem>>
    %dma_start3A_56 = tpu.memref_squeeze %dma_start3A_55 : memref<1x80xi32, #tpu.memory_space<vmem>> -> memref<80xi32, #tpu.memory_space<vmem>>
    %dma_start3A_57 = arith.constant 0 : i32
    %dma_start3A_58 = arith.constant 0 : i32
    %dma_start3A_59 = tpu.memref_slice %arg2[%dma_start3A_57, %dma_start3A_58] : memref<10000x64xi32, #tpu.memory_space<hbm>> -> memref<10000x64xi32, #tpu.memory_space<hbm>>
    tpu.enqueue_indirect_dma source(%dma_start3A_59 : memref<10000x64xi32, #tpu.memory_space<hbm>>) target(%dma_start3A_53 : memref<80x64xi32, #tpu.memory_space<vmem>>) offsets(%dma_start3A_56 : memref<80xi32, #tpu.memory_space<vmem>>) semaphore(%arg14 : memref<!tpu.dma_semaphore, #tpu.memory_space<semaphore_mem>>)
    %dma_start3A_60 = arith.constant 2 : i32
    %dma_start3A_61 = arith.constant 2 : i32
    %dma_start3A_62 = arith.constant 0 : i32
    %dma_start3A_63 = arith.constant 0 : i32
    %dma_start3A_64 = tpu.memref_slice %arg9[%dma_start3A_61, %dma_start3A_62, %dma_start3A_63] : memref<4x80x64xi32, #tpu.memory_space<vmem>> -> memref<1x80x64xi32, #tpu.memory_space<vmem>>
    %dma_start3A_65 = tpu.memref_squeeze %dma_start3A_64 : memref<1x80x64xi32, #tpu.memory_space<vmem>> -> memref<80x64xi32, #tpu.memory_space<vmem>>
    %dma_start3A_66 = arith.constant 0 : i32
    %dma_start3A_67 = tpu.memref_slice %arg7[%dma_start3A_60, %dma_start3A_66] : memref<125x80xi32, #tpu.memory_space<vmem>> -> memref<1x80xi32, #tpu.memory_space<vmem>>
    %dma_start3A_68 = tpu.memref_squeeze %dma_start3A_67 : memref<1x80xi32, #tpu.memory_space<vmem>> -> memref<80xi32, #tpu.memory_space<vmem>>
    %dma_start3A_69 = arith.constant 0 : i32
    %dma_start3A_70 = arith.constant 0 : i32
    %dma_start3A_71 = tpu.memref_slice %arg2[%dma_start3A_69, %dma_start3A_70] : memref<10000x64xi32, #tpu.memory_space<hbm>> -> memref<10000x64xi32, #tpu.memory_space<hbm>>
    tpu.enqueue_indirect_dma source(%dma_start3A_71 : memref<10000x64xi32, #tpu.memory_space<hbm>>) target(%dma_start3A_65 : memref<80x64xi32, #tpu.memory_space<vmem>>) offsets(%dma_start3A_68 : memref<80xi32, #tpu.memory_space<vmem>>) semaphore(%arg18 : memref<!tpu.dma_semaphore, #tpu.memory_space<semaphore_mem>>)
    %scan3A = arith.constant 0 : i32
    %scan3A_72 = arith.constant 0 : i32
    %scan3A_73 = arith.constant 31 : i32
    %scan3A_74 = arith.addi %scan3A_72, %scan3A_73 : i32
    %scan3A_75 = arith.constant 1 : i32
    %scan3A_76 = scf.for %scan3A_118 = %scan3A_72 to %scan3A_74 step %scan3A_75 iter_args(%scan3A_119 = %scan3A) -> (i32)  : i32 {
      %mul3A_120 = arith.constant 4 : i32
      %mul3A_121 = arith.muli %scan3A_118, %mul3A_120 : i32
      %add3A_122 = arith.constant 0 : i32
      %add3A_123 = arith.addi %mul3A_121, %add3A_122 : i32
      %dma_wait3A_124 = arith.constant 0 : i32
      %dma_wait3A_125 = arith.constant 0 : i32
      %dma_wait3A_126 = arith.constant 0 : i32
      %dma_wait3A_127 = tpu.memref_slice %arg8[%dma_wait3A_124, %dma_wait3A_125, %dma_wait3A_126] : memref<4x80x64xi32, #tpu.memory_space<vmem>> -> memref<1x80x64xi32, #tpu.memory_space<vmem>>
      %dma_wait3A_128 = tpu.memref_squeeze %dma_wait3A_127 : memref<1x80x64xi32, #tpu.memory_space<vmem>> -> memref<80x64xi32, #tpu.memory_space<vmem>>
      %dma_wait3A_129 = arith.constant 0 : i32
      %dma_wait3A_130 = arith.constant 0 : i32
      %dma_wait3A_131 = tpu.memref_slice %arg2[%dma_wait3A_129, %dma_wait3A_130] : memref<10000x64xi32, #tpu.memory_space<hbm>> -> memref<80x64xi32, #tpu.memory_space<hbm>>
      %dma_wait3A_132 = arith.constant 0 : i32
      %dma_wait3A_133 = arith.constant 0 : i32
      %dma_wait3A_134 = tpu.memref_slice %arg8[%dma_wait3A_124, %dma_wait3A_132, %dma_wait3A_133] : memref<4x80x64xi32, #tpu.memory_space<vmem>> -> memref<1x80x64xi32, #tpu.memory_space<vmem>>
      %dma_wait3A_135 = tpu.memref_squeeze %dma_wait3A_134 : memref<1x80x64xi32, #tpu.memory_space<vmem>> -> memref<80x64xi32, #tpu.memory_space<vmem>>
      %dma_wait3A_136 = arith.constant 0 : i32
      %dma_wait3A_137 = arith.constant 0 : i32
      %dma_wait3A_138 = tpu.memref_slice %arg2[%dma_wait3A_136, %dma_wait3A_137] : memref<10000x64xi32, #tpu.memory_space<hbm>> -> memref<80x64xi32, #tpu.memory_space<hbm>>
      tpu.wait_dma2 semaphore(%arg12 : memref<!tpu.dma_semaphore, #tpu.memory_space<semaphore_mem>>) src(%dma_wait3A_138 : memref<80x64xi32, #tpu.memory_space<hbm>>) dst(%dma_wait3A_135 : memref<80x64xi32, #tpu.memory_space<vmem>>)
      %dma_wait3A_139 = arith.constant 0 : i32
      %dma_wait3A_140 = arith.constant 0 : i32
      %dma_wait3A_141 = arith.constant 0 : i32
      %dma_wait3A_142 = tpu.memref_slice %arg9[%dma_wait3A_139, %dma_wait3A_140, %dma_wait3A_141] : memref<4x80x64xi32, #tpu.memory_space<vmem>> -> memref<1x80x64xi32, #tpu.memory_space<vmem>>
      %dma_wait3A_143 = tpu.memref_squeeze %dma_wait3A_142 : memref<1x80x64xi32, #tpu.memory_space<vmem>> -> memref<80x64xi32, #tpu.memory_space<vmem>>
      %dma_wait3A_144 = arith.constant 0 : i32
      %dma_wait3A_145 = arith.constant 0 : i32
      %dma_wait3A_146 = tpu.memref_slice %arg2[%dma_wait3A_144, %dma_wait3A_145] : memref<10000x64xi32, #tpu.memory_space<hbm>> -> memref<80x64xi32, #tpu.memory_space<hbm>>
      %dma_wait3A_147 = arith.constant 0 : i32
      %dma_wait3A_148 = arith.constant 0 : i32
      %dma_wait3A_149 = tpu.memref_slice %arg9[%dma_wait3A_139, %dma_wait3A_147, %dma_wait3A_148] : memref<4x80x64xi32, #tpu.memory_space<vmem>> -> memref<1x80x64xi32, #tpu.memory_space<vmem>>
      %dma_wait3A_150 = tpu.memref_squeeze %dma_wait3A_149 : memref<1x80x64xi32, #tpu.memory_space<vmem>> -> memref<80x64xi32, #tpu.memory_space<vmem>>
      %dma_wait3A_151 = arith.constant 0 : i32
      %dma_wait3A_152 = arith.constant 0 : i32
      %dma_wait3A_153 = tpu.memref_slice %arg2[%dma_wait3A_151, %dma_wait3A_152] : memref<10000x64xi32, #tpu.memory_space<hbm>> -> memref<80x64xi32, #tpu.memory_space<hbm>>
      tpu.wait_dma2 semaphore(%arg16 : memref<!tpu.dma_semaphore, #tpu.memory_space<semaphore_mem>>) src(%dma_wait3A_153 : memref<80x64xi32, #tpu.memory_space<hbm>>) dst(%dma_wait3A_150 : memref<80x64xi32, #tpu.memory_space<vmem>>)
      %add3A_154 = arith.constant 4 : i32
      %add3A_155 = arith.addi %add3A_123, %add3A_154 : i32
      %sub3A = arith.constant 1 : i32
      %sub3A_156 = arith.subi %add3A_155, %sub3A : i32
      %lt3A = arith.constant 125 : i32
      %lt3A_157 = arith.cmpi slt, %sub3A_156, %lt3A : i32
      %convert_element_type3A = arith.extui %lt3A_157 : i1 to i32
      %cond3A = arith.constant 0 : i32
      %cond3A_158 = arith.cmpi ne, %convert_element_type3A, %cond3A : i32
      scf.if %cond3A_158 {
        %add3A_319 = arith.constant 4 : i32
        %add3A_320 = arith.addi %add3A_123, %add3A_319 : i32
        %sub3A_321 = arith.constant 1 : i32
        %sub3A_322 = arith.subi %add3A_320, %sub3A_321 : i32
        %dma_start3A_323 = arith.constant 3 : i32
        %dma_start3A_324 = arith.constant 0 : i32
        %dma_start3A_325 = arith.constant 0 : i32
        %dma_start3A_326 = tpu.memref_slice %arg8[%dma_start3A_323, %dma_start3A_324, %dma_start3A_325] : memref<4x80x64xi32, #tpu.memory_space<vmem>> -> memref<1x80x64xi32, #tpu.memory_space<vmem>>
        %dma_start3A_327 = tpu.memref_squeeze %dma_start3A_326 : memref<1x80x64xi32, #tpu.memory_space<vmem>> -> memref<80x64xi32, #tpu.memory_space<vmem>>
        %dma_start3A_328 = arith.constant 0 : i32
        %dma_start3A_329 = tpu.memref_slice %arg6[%sub3A_322, %dma_start3A_328] : memref<125x80xi32, #tpu.memory_space<vmem>> -> memref<1x80xi32, #tpu.memory_space<vmem>>
        %dma_start3A_330 = tpu.memref_squeeze %dma_start3A_329 : memref<1x80xi32, #tpu.memory_space<vmem>> -> memref<80xi32, #tpu.memory_space<vmem>>
        %dma_start3A_331 = arith.constant 0 : i32
        %dma_start3A_332 = arith.constant 0 : i32
        %dma_start3A_333 = tpu.memref_slice %arg2[%dma_start3A_331, %dma_start3A_332] : memref<10000x64xi32, #tpu.memory_space<hbm>> -> memref<10000x64xi32, #tpu.memory_space<hbm>>
        tpu.enqueue_indirect_dma source(%dma_start3A_333 : memref<10000x64xi32, #tpu.memory_space<hbm>>) target(%dma_start3A_327 : memref<80x64xi32, #tpu.memory_space<vmem>>) offsets(%dma_start3A_330 : memref<80xi32, #tpu.memory_space<vmem>>) semaphore(%arg15 : memref<!tpu.dma_semaphore, #tpu.memory_space<semaphore_mem>>)
        %dma_start3A_334 = arith.constant 3 : i32
        %dma_start3A_335 = arith.constant 0 : i32
        %dma_start3A_336 = arith.constant 0 : i32
        %dma_start3A_337 = tpu.memref_slice %arg9[%dma_start3A_334, %dma_start3A_335, %dma_start3A_336] : memref<4x80x64xi32, #tpu.memory_space<vmem>> -> memref<1x80x64xi32, #tpu.memory_space<vmem>>
        %dma_start3A_338 = tpu.memref_squeeze %dma_start3A_337 : memref<1x80x64xi32, #tpu.memory_space<vmem>> -> memref<80x64xi32, #tpu.memory_space<vmem>>
        %dma_start3A_339 = arith.constant 0 : i32
        %dma_start3A_340 = tpu.memref_slice %arg7[%sub3A_322, %dma_start3A_339] : memref<125x80xi32, #tpu.memory_space<vmem>> -> memref<1x80xi32, #tpu.memory_space<vmem>>
        %dma_start3A_341 = tpu.memref_squeeze %dma_start3A_340 : memref<1x80xi32, #tpu.memory_space<vmem>> -> memref<80xi32, #tpu.memory_space<vmem>>
        %dma_start3A_342 = arith.constant 0 : i32
        %dma_start3A_343 = arith.constant 0 : i32
        %dma_start3A_344 = tpu.memref_slice %arg2[%dma_start3A_342, %dma_start3A_343] : memref<10000x64xi32, #tpu.memory_space<hbm>> -> memref<10000x64xi32, #tpu.memory_space<hbm>>
        tpu.enqueue_indirect_dma source(%dma_start3A_344 : memref<10000x64xi32, #tpu.memory_space<hbm>>) target(%dma_start3A_338 : memref<80x64xi32, #tpu.memory_space<vmem>>) offsets(%dma_start3A_341 : memref<80xi32, #tpu.memory_space<vmem>>) semaphore(%arg19 : memref<!tpu.dma_semaphore, #tpu.memory_space<semaphore_mem>>)
      } else {
      }
      %scan3A_159 = arith.constant 0 : i32
      %scan3A_160 = arith.constant 0 : i32
      %scan3A_161 = arith.constant 0 : i32
      %scan3A_162 = arith.constant 0 : i32
      %scan3A_163 = arith.constant 5 : i32
      %scan3A_164 = arith.addi %scan3A_162, %scan3A_163 : i32
      %scan3A_165 = arith.constant 1 : i32
      %scan3A_166 = scf.for %scan3A_319 = %scan3A_162 to %scan3A_164 step %scan3A_165 iter_args(%scan3A_320 = %scan3A_161) -> (i32)  : i32 {
        %mul3A_321 = arith.constant 16 : i32
        %mul3A_322 = arith.muli %scan3A_319, %mul3A_321 : i32
        %scan3A_323 = arith.constant 0 : i32
        %scan3A_324 = arith.constant 0 : i32
        %scan3A_325 = arith.constant 16 : i32
        %scan3A_326 = arith.addi %scan3A_324, %scan3A_325 : i32
        %scan3A_327 = arith.constant 2 : i32
        %scan3A_328 = scf.for %scan3A_416 = %scan3A_324 to %scan3A_326 step %scan3A_327 iter_args(%scan3A_417 = %scan3A_323) -> (i32)  : i32 {
          %add3A_418 = arith.addi %mul3A_322, %scan3A_416 : i32
          %get3A = arith.constant 0 : i32
          %get3A_419 = arith.constant 0 : i32
          %get3A_420 = tpu.memref_slice %arg8[%scan3A_159, %get3A, %get3A_419] : memref<4x80x64xi32, #tpu.memory_space<vmem>> -> memref<1x80x64xi32, #tpu.memory_space<vmem>>
          %get3A_421 = tpu.memref_squeeze %get3A_420 : memref<1x80x64xi32, #tpu.memory_space<vmem>> -> memref<80x64xi32, #tpu.memory_space<vmem>>
          %get3A_422 = arith.index_cast %add3A_418 : i32 to index
          %get3A_423 = arith.constant 0 : index
          %get3A_424 = tpu.vector_load %get3A_421[%get3A_422, %get3A_423] {strides = array<i32>} : memref<80x64xi32, #tpu.memory_space<vmem>>, vector<16xi32>,
          %bitcast3A = vector.bitcast %get3A_424 : vector<16xi32> to vector<32xbf16>
          %get3A_425 = arith.constant 0 : i32
          %get3A_426 = arith.constant 0 : i32
          %get3A_427 = tpu.memref_slice %arg9[%scan3A_160, %get3A_425, %get3A_426] : memref<4x80x64xi32, #tpu.memory_space<vmem>> -> memref<1x80x64xi32, #tpu.memory_space<vmem>>
          %get3A_428 = tpu.memref_squeeze %get3A_427 : memref<1x80x64xi32, #tpu.memory_space<vmem>> -> memref<80x64xi32, #tpu.memory_space<vmem>>
          %get3A_429 = arith.index_cast %add3A_418 : i32 to index
          %get3A_430 = arith.constant 0 : index
          %get3A_431 = tpu.vector_load %get3A_428[%get3A_429, %get3A_430] {strides = array<i32>} : memref<80x64xi32, #tpu.memory_space<vmem>>, vector<16xi32>,
          %bitcast3A_432 = vector.bitcast %get3A_431 : vector<16xi32> to vector<32xbf16>
          %mul3A_433 = arith.mulf %bitcast3A, %bitcast3A_432 : vector<32xbf16>
          %unpack3A = tpu.unpack_subelements %mul3A_433, 0 {pack_format = #tpu.pack_format<interleaved>} : vector<32xbf16> -> vector<16xf32>
          %unpack3A_434 = tpu.unpack_subelements %mul3A_433, 1 {pack_format = #tpu.pack_format<interleaved>} : vector<32xbf16> -> vector<16xf32>
          %get3A_435 = arith.constant 0 : i32
          %get3A_436 = arith.constant 0 : i32
          %get3A_437 = tpu.memref_slice %arg8[%scan3A_159, %get3A_435, %get3A_436] : memref<4x80x64xi32, #tpu.memory_space<vmem>> -> memref<1x80x64xi32, #tpu.memory_space<vmem>>
          %get3A_438 = tpu.memref_squeeze %get3A_437 : memref<1x80x64xi32, #tpu.memory_space<vmem>> -> memref<80x64xi32, #tpu.memory_space<vmem>>
          %get3A_439 = arith.index_cast %add3A_418 : i32 to index
          %get3A_440 = arith.constant 16 : index
          %get3A_441 = tpu.vector_load %get3A_438[%get3A_439, %get3A_440] {strides = array<i32>} : memref<80x64xi32, #tpu.memory_space<vmem>>, vector<16xi32>,
          %bitcast3A_442 = vector.bitcast %get3A_441 : vector<16xi32> to vector<32xbf16>
          %get3A_443 = arith.constant 0 : i32
          %get3A_444 = arith.constant 0 : i32
          %get3A_445 = tpu.memref_slice %arg9[%scan3A_160, %get3A_443, %get3A_444] : memref<4x80x64xi32, #tpu.memory_space<vmem>> -> memref<1x80x64xi32, #tpu.memory_space<vmem>>
          %get3A_446 = tpu.memref_squeeze %get3A_445 : memref<1x80x64xi32, #tpu.memory_space<vmem>> -> memref<80x64xi32, #tpu.memory_space<vmem>>
          %get3A_447 = arith.index_cast %add3A_418 : i32 to index
          %get3A_448 = arith.constant 16 : index
          %get3A_449 = tpu.vector_load %get3A_446[%get3A_447, %get3A_448] {strides = array<i32>} : memref<80x64xi32, #tpu.memory_space<vmem>>, vector<16xi32>,
          %bitcast3A_450 = vector.bitcast %get3A_449 : vector<16xi32> to vector<32xbf16>
          %mul3A_451 = arith.mulf %bitcast3A_442, %bitcast3A_450 : vector<32xbf16>
          %unpack3A_452 = tpu.unpack_subelements %mul3A_451, 0 {pack_format = #tpu.pack_format<interleaved>} : vector<32xbf16> -> vector<16xf32>
          %unpack3A_453 = tpu.unpack_subelements %mul3A_451, 1 {pack_format = #tpu.pack_format<interleaved>} : vector<32xbf16> -> vector<16xf32>
          %get3A_454 = arith.constant 0 : i32
          %get3A_455 = arith.constant 0 : i32
          %get3A_456 = tpu.memref_slice %arg8[%scan3A_159, %get3A_454, %get3A_455] : memref<4x80x64xi32, #tpu.memory_space<vmem>> -> memref<1x80x64xi32, #tpu.memory_space<vmem>>
          %get3A_457 = tpu.memref_squeeze %get3A_456 : memref<1x80x64xi32, #tpu.memory_space<vmem>> -> memref<80x64xi32, #tpu.memory_space<vmem>>
          %get3A_458 = arith.index_cast %add3A_418 : i32 to index
          %get3A_459 = arith.constant 32 : index
          %get3A_460 = tpu.vector_load %get3A_457[%get3A_458, %get3A_459] {strides = array<i32>} : memref<80x64xi32, #tpu.memory_space<vmem>>, vector<16xi32>,
          %bitcast3A_461 = vector.bitcast %get3A_460 : vector<16xi32> to vector<32xbf16>
          %get3A_462 = arith.constant 0 : i32
          %get3A_463 = arith.constant 0 : i32
          %get3A_464 = tpu.memref_slice %arg9[%scan3A_160, %get3A_462, %get3A_463] : memref<4x80x64xi32, #tpu.memory_space<vmem>> -> memref<1x80x64xi32, #tpu.memory_space<vmem>>
          %get3A_465 = tpu.memref_squeeze %get3A_464 : memref<1x80x64xi32, #tpu.memory_space<vmem>> -> memref<80x64xi32, #tpu.memory_space<vmem>>
          %get3A_466 = arith.index_cast %add3A_418 : i32 to index
          %get3A_467 = arith.constant 32 : index
          %get3A_468 = tpu.vector_load %get3A_465[%get3A_466, %get3A_467] {strides = array<i32>} : memref<80x64xi32, #tpu.memory_space<vmem>>, vector<16xi32>,
          %bitcast3A_469 = vector.bitcast %get3A_468 : vector<16xi32> to vector<32xbf16>
          %mul3A_470 = arith.mulf %bitcast3A_461, %bitcast3A_469 : vector<32xbf16>
          %unpack3A_471 = tpu.unpack_subelements %mul3A_470, 0 {pack_format = #tpu.pack_format<interleaved>} : vector<32xbf16> -> vector<16xf32>
          %unpack3A_472 = tpu.unpack_subelements %mul3A_470, 1 {pack_format = #tpu.pack_format<interleaved>} : vector<32xbf16> -> vector<16xf32>
          %get3A_473 = arith.constant 0 : i32
          %get3A_474 = arith.constant 0 : i32
          %get3A_475 = tpu.memref_slice %arg8[%scan3A_159, %get3A_473, %get3A_474] : memref<4x80x64xi32, #tpu.memory_space<vmem>> -> memref<1x80x64xi32, #tpu.memory_space<vmem>>
          %get3A_476 = tpu.memref_squeeze %get3A_475 : memref<1x80x64xi32, #tpu.memory_space<vmem>> -> memref<80x64xi32, #tpu.memory_space<vmem>>
          %get3A_477 = arith.index_cast %add3A_418 : i32 to index
          %get3A_478 = arith.constant 48 : index
          %get3A_479 = tpu.vector_load %get3A_476[%get3A_477, %get3A_478] {strides = array<i32>} : memref<80x64xi32, #tpu.memory_space<vmem>>, vector<16xi32>,
          %bitcast3A_480 = vector.bitcast %get3A_479 : vector<16xi32> to vector<32xbf16>
          %get3A_481 = arith.constant 0 : i32
          %get3A_482 = arith.constant 0 : i32
          %get3A_483 = tpu.memref_slice %arg9[%scan3A_160, %get3A_481, %get3A_482] : memref<4x80x64xi32, #tpu.memory_space<vmem>> -> memref<1x80x64xi32, #tpu.memory_space<vmem>>
          %get3A_484 = tpu.memref_squeeze %get3A_483 : memref<1x80x64xi32, #tpu.memory_space<vmem>> -> memref<80x64xi32, #tpu.memory_space<vmem>>
          %get3A_485 = arith.index_cast %add3A_418 : i32 to index
          %get3A_486 = arith.constant 48 : index
          %get3A_487 = tpu.vector_load %get3A_484[%get3A_485, %get3A_486] {strides = array<i32>} : memref<80x64xi32, #tpu.memory_space<vmem>>, vector<16xi32>,
          %bitcast3A_488 = vector.bitcast %get3A_487 : vector<16xi32> to vector<32xbf16>
          %mul3A_489 = arith.mulf %bitcast3A_480, %bitcast3A_488 : vector<32xbf16>
          %unpack3A_490 = tpu.unpack_subelements %mul3A_489, 0 {pack_format = #tpu.pack_format<interleaved>} : vector<32xbf16> -> vector<16xf32>
          %unpack3A_491 = tpu.unpack_subelements %mul3A_489, 1 {pack_format = #tpu.pack_format<interleaved>} : vector<32xbf16> -> vector<16xf32>
          %add3A_492 = arith.addf %unpack3A, %unpack3A_434 : vector<16xf32>
          %add3A_493 = arith.addf %unpack3A_452, %unpack3A_453 : vector<16xf32>
          %add3A_494 = arith.addf %unpack3A_471, %unpack3A_472 : vector<16xf32>
          %add3A_495 = arith.addf %unpack3A_490, %unpack3A_491 : vector<16xf32>
          %add3A_496 = arith.addf %add3A_492, %add3A_493 : vector<16xf32>
          %add3A_497 = arith.addf %add3A_494, %add3A_495 : vector<16xf32>
          %add3A_498 = arith.addf %add3A_496, %add3A_497 : vector<16xf32>
          %mul3A_499 = arith.constant 16 : i32
          %mul3A_500 = arith.muli %scan3A_416, %mul3A_499 : i32
          %swap3A_501 = arith.index_cast %mul3A_500 : i32 to index
          %swap3A_502 = tpu.vector_load %arg11[%swap3A_501] {strides = array<i32>} : memref<256xf32, #tpu.memory_space<vmem>>, vector<16xf32>,
          tpu.vector_store %arg11[%swap3A_501], %add3A_498 {strides = array<i32>} : memref<256xf32, #tpu.memory_space<vmem>>, vector<16xf32>,
          %scan3A_503 = arith.constant 0 : i32
          %scan3A_504 = arith.constant 1 : i32
          %scan3A_505 = arith.addi %scan3A_416, %scan3A_504 : i32
          %add3A_506 = arith.addi %mul3A_322, %scan3A_505 : i32
          %get3A_507 = arith.constant 0 : i32
          %get3A_508 = arith.constant 0 : i32
          %get3A_509 = tpu.memref_slice %arg8[%scan3A_159, %get3A_507, %get3A_508] : memref<4x80x64xi32, #tpu.memory_space<vmem>> -> memref<1x80x64xi32, #tpu.memory_space<vmem>>
          %get3A_510 = tpu.memref_squeeze %get3A_509 : memref<1x80x64xi32, #tpu.memory_space<vmem>> -> memref<80x64xi32, #tpu.memory_space<vmem>>
          %get3A_511 = arith.index_cast %add3A_506 : i32 to index
          %get3A_512 = arith.constant 0 : index
          %get3A_513 = tpu.vector_load %get3A_510[%get3A_511, %get3A_512] {strides = array<i32>} : memref<80x64xi32, #tpu.memory_space<vmem>>, vector<16xi32>,
          %bitcast3A_514 = vector.bitcast %get3A_513 : vector<16xi32> to vector<32xbf16>
          %get3A_515 = arith.constant 0 : i32
          %get3A_516 = arith.constant 0 : i32
          %get3A_517 = tpu.memref_slice %arg9[%scan3A_160, %get3A_515, %get3A_516] : memref<4x80x64xi32, #tpu.memory_space<vmem>> -> memref<1x80x64xi32, #tpu.memory_space<vmem>>
          %get3A_518 = tpu.memref_squeeze %get3A_517 : memref<1x80x64xi32, #tpu.memory_space<vmem>> -> memref<80x64xi32, #tpu.memory_space<vmem>>
          %get3A_519 = arith.index_cast %add3A_506 : i32 to index
          %get3A_520 = arith.constant 0 : index
          %get3A_521 = tpu.vector_load %get3A_518[%get3A_519, %get3A_520] {strides = array<i32>} : memref<80x64xi32, #tpu.memory_space<vmem>>, vector<16xi32>,
          %bitcast3A_522 = vector.bitcast %get3A_521 : vector<16xi32> to vector<32xbf16>
          %mul3A_523 = arith.mulf %bitcast3A_514, %bitcast3A_522 : vector<32xbf16>
          %unpack3A_524 = tpu.unpack_subelements %mul3A_523, 0 {pack_format = #tpu.pack_format<interleaved>} : vector<32xbf16> -> vector<16xf32>
          %unpack3A_525 = tpu.unpack_subelements %mul3A_523, 1 {pack_format = #tpu.pack_format<interleaved>} : vector<32xbf16> -> vector<16xf32>
          %get3A_526 = arith.constant 0 : i32
          %get3A_527 = arith.constant 0 : i32
          %get3A_528 = tpu.memref_slice %arg8[%scan3A_159, %get3A_526, %get3A_527] : memref<4x80x64xi32, #tpu.memory_space<vmem>> -> memref<1x80x64xi32, #tpu.memory_space<vmem>>
          %get3A_529 = tpu.memref_squeeze %get3A_528 : memref<1x80x64xi32, #tpu.memory_space<vmem>> -> memref<80x64xi32, #tpu.memory_space<vmem>>
          %get3A_530 = arith.index_cast %add3A_506 : i32 to index
          %get3A_531 = arith.constant 16 : index
          %get3A_532 = tpu.vector_load %get3A_529[%get3A_530, %get3A_531] {strides = array<i32>} : memref<80x64xi32, #tpu.memory_space<vmem>>, vector<16xi32>,
          %bitcast3A_533 = vector.bitcast %get3A_532 : vector<16xi32> to vector<32xbf16>
          %get3A_534 = arith.constant 0 : i32
          %get3A_535 = arith.constant 0 : i32
          %get3A_536 = tpu.memref_slice %arg9[%scan3A_160, %get3A_534, %get3A_535] : memref<4x80x64xi32, #tpu.memory_space<vmem>> -> memref<1x80x64xi32, #tpu.memory_space<vmem>>
          %get3A_537 = tpu.memref_squeeze %get3A_536 : memref<1x80x64xi32, #tpu.memory_space<vmem>> -> memref<80x64xi32, #tpu.memory_space<vmem>>
          %get3A_538 = arith.index_cast %add3A_506 : i32 to index
          %get3A_539 = arith.constant 16 : index
          %get3A_540 = tpu.vector_load %get3A_537[%get3A_538, %get3A_539] {strides = array<i32>} : memref<80x64xi32, #tpu.memory_space<vmem>>, vector<16xi32>,
          %bitcast3A_541 = vector.bitcast %get3A_540 : vector<16xi32> to vector<32xbf16>
          %mul3A_542 = arith.mulf %bitcast3A_533, %bitcast3A_541 : vector<32xbf16>
          %unpack3A_543 = tpu.unpack_subelements %mul3A_542, 0 {pack_format = #tpu.pack_format<interleaved>} : vector<32xbf16> -> vector<16xf32>
          %unpack3A_544 = tpu.unpack_subelements %mul3A_542, 1 {pack_format = #tpu.pack_format<interleaved>} : vector<32xbf16> -> vector<16xf32>
          %get3A_545 = arith.constant 0 : i32
          %get3A_546 = arith.constant 0 : i32
          %get3A_547 = tpu.memref_slice %arg8[%scan3A_159, %get3A_545, %get3A_546] : memref<4x80x64xi32, #tpu.memory_space<vmem>> -> memref<1x80x64xi32, #tpu.memory_space<vmem>>
          %get3A_548 = tpu.memref_squeeze %get3A_547 : memref<1x80x64xi32, #tpu.memory_space<vmem>> -> memref<80x64xi32, #tpu.memory_space<vmem>>
          %get3A_549 = arith.index_cast %add3A_506 : i32 to index
          %get3A_550 = arith.constant 32 : index
          %get3A_551 = tpu.vector_load %get3A_548[%get3A_549, %get3A_550] {strides = array<i32>} : memref<80x64xi32, #tpu.memory_space<vmem>>, vector<16xi32>,
          %bitcast3A_552 = vector.bitcast %get3A_551 : vector<16xi32> to vector<32xbf16>
          %get3A_553 = arith.constant 0 : i32
          %get3A_554 = arith.constant 0 : i32
          %get3A_555 = tpu.memref_slice %arg9[%scan3A_160, %get3A_553, %get3A_554] : memref<4x80x64xi32, #tpu.memory_space<vmem>> -> memref<1x80x64xi32, #tpu.memory_space<vmem>>
          %get3A_556 = tpu.memref_squeeze %get3A_555 : memref<1x80x64xi32, #tpu.memory_space<vmem>> -> memref<80x64xi32, #tpu.memory_space<vmem>>
          %get3A_557 = arith.index_cast %add3A_506 : i32 to index
          %get3A_558 = arith.constant 32 : index
          %get3A_559 = tpu.vector_load %get3A_556[%get3A_557, %get3A_558] {strides = array<i32>} : memref<80x64xi32, #tpu.memory_space<vmem>>, vector<16xi32>,
          %bitcast3A_560 = vector.bitcast %get3A_559 : vector<16xi32> to vector<32xbf16>
          %mul3A_561 = arith.mulf %bitcast3A_552, %bitcast3A_560 : vector<32xbf16>
          %unpack3A_562 = tpu.unpack_subelements %mul3A_561, 0 {pack_format = #tpu.pack_format<interleaved>} : vector<32xbf16> -> vector<16xf32>
          %unpack3A_563 = tpu.unpack_subelements %mul3A_561, 1 {pack_format = #tpu.pack_format<interleaved>} : vector<32xbf16> -> vector<16xf32>
          %get3A_564 = arith.constant 0 : i32
          %get3A_565 = arith.constant 0 : i32
          %get3A_566 = tpu.memref_slice %arg8[%scan3A_159, %get3A_564, %get3A_565] : memref<4x80x64xi32, #tpu.memory_space<vmem>> -> memref<1x80x64xi32, #tpu.memory_space<vmem>>
          %get3A_567 = tpu.memref_squeeze %get3A_566 : memref<1x80x64xi32, #tpu.memory_space<vmem>> -> memref<80x64xi32, #tpu.memory_space<vmem>>
          %get3A_568 = arith.index_cast %add3A_506 : i32 to index
          %get3A_569 = arith.constant 48 : index
          %get3A_570 = tpu.vector_load %get3A_567[%get3A_568, %get3A_569] {strides = array<i32>} : memref<80x64xi32, #tpu.memory_space<vmem>>, vector<16xi32>,
          %bitcast3A_571 = vector.bitcast %get3A_570 : vector<16xi32> to vector<32xbf16>
          %get3A_572 = arith.constant 0 : i32
          %get3A_573 = arith.constant 0 : i32
          %get3A_574 = tpu.memref_slice %arg9[%scan3A_160, %get3A_572, %get3A_573] : memref<4x80x64xi32, #tpu.memory_space<vmem>> -> memref<1x80x64xi32, #tpu.memory_space<vmem>>
          %get3A_575 = tpu.memref_squeeze %get3A_574 : memref<1x80x64xi32, #tpu.memory_space<vmem>> -> memref<80x64xi32, #tpu.memory_space<vmem>>
          %get3A_576 = arith.index_cast %add3A_506 : i32 to index
          %get3A_577 = arith.constant 48 : index
          %get3A_578 = tpu.vector_load %get3A_575[%get3A_576, %get3A_577] {strides = array<i32>} : memref<80x64xi32, #tpu.memory_space<vmem>>, vector<16xi32>,
          %bitcast3A_579 = vector.bitcast %get3A_578 : vector<16xi32> to vector<32xbf16>
          %mul3A_580 = arith.mulf %bitcast3A_571, %bitcast3A_579 : vector<32xbf16>
          %unpack3A_581 = tpu.unpack_subelements %mul3A_580, 0 {pack_format = #tpu.pack_format<interleaved>} : vector<32xbf16> -> vector<16xf32>
          %unpack3A_582 = tpu.unpack_subelements %mul3A_580, 1 {pack_format = #tpu.pack_format<interleaved>} : vector<32xbf16> -> vector<16xf32>
          %add3A_583 = arith.addf %unpack3A_524, %unpack3A_525 : vector<16xf32>
          %add3A_584 = arith.addf %unpack3A_543, %unpack3A_544 : vector<16xf32>
          %add3A_585 = arith.addf %unpack3A_562, %unpack3A_563 : vector<16xf32>
          %add3A_586 = arith.addf %unpack3A_581, %unpack3A_582 : vector<16xf32>
          %add3A_587 = arith.addf %add3A_583, %add3A_584 : vector<16xf32>
          %add3A_588 = arith.addf %add3A_585, %add3A_586 : vector<16xf32>
          %add3A_589 = arith.addf %add3A_587, %add3A_588 : vector<16xf32>
          %mul3A_590 = arith.constant 16 : i32
          %mul3A_591 = arith.muli %scan3A_505, %mul3A_590 : i32
          %swap3A_592 = arith.index_cast %mul3A_591 : i32 to index
          %swap3A_593 = tpu.vector_load %arg11[%swap3A_592] {strides = array<i32>} : memref<256xf32, #tpu.memory_space<vmem>>, vector<16xf32>,
          tpu.vector_store %arg11[%swap3A_592], %add3A_589 {strides = array<i32>} : memref<256xf32, #tpu.memory_space<vmem>>, vector<16xf32>,
          %scan3A_594 = arith.constant 0 : i32
          scf.yield %scan3A_594 : i32
        }
        %scan3A_329 = arith.constant 16 : i32
        %iota3A = tpu.iota {dimensions = array<i32: 0>} : vector<16xi32>
        %mul3A_330 = arith.constant 16 : i32
        %mul3A_331 = vector.broadcast %mul3A_330 : i32 to vector<16xi32>
        %mul3A_332 = arith.muli %iota3A, %mul3A_331 : vector<16xi32>
        %add3A_333 = arith.constant 0 : i32
        %add3A_334 = vector.broadcast %add3A_333 : i32 to vector<16xi32>
        %add3A_335 = arith.addi %mul3A_332, %add3A_334 : vector<16xi32>
        %gather3A = tpu.vector_load_idx %arg11[%add3A_335] : memref<256xf32, #tpu.memory_space<vmem>>[vector<16xi32>], vector<16xf32>,
        %add3A_336 = arith.constant 1 : i32
        %add3A_337 = vector.broadcast %add3A_336 : i32 to vector<16xi32>
        %add3A_338 = arith.addi %mul3A_332, %add3A_337 : vector<16xi32>
        %gather3A_339 = tpu.vector_load_idx %arg11[%add3A_338] : memref<256xf32, #tpu.memory_space<vmem>>[vector<16xi32>], vector<16xf32>,
        %add3A_340 = arith.constant 2 : i32
        %add3A_341 = vector.broadcast %add3A_340 : i32 to vector<16xi32>
        %add3A_342 = arith.addi %mul3A_332, %add3A_341 : vector<16xi32>
        %gather3A_343 = tpu.vector_load_idx %arg11[%add3A_342] : memref<256xf32, #tpu.memory_space<vmem>>[vector<16xi32>], vector<16xf32>,
        %add3A_344 = arith.constant 3 : i32
        %add3A_345 = vector.broadcast %add3A_344 : i32 to vector<16xi32>
        %add3A_346 = arith.addi %mul3A_332, %add3A_345 : vector<16xi32>
        %gather3A_347 = tpu.vector_load_idx %arg11[%add3A_346] : memref<256xf32, #tpu.memory_space<vmem>>[vector<16xi32>], vector<16xf32>,
        %add3A_348 = arith.constant 4 : i32
        %add3A_349 = vector.broadcast %add3A_348 : i32 to vector<16xi32>
        %add3A_350 = arith.addi %mul3A_332, %add3A_349 : vector<16xi32>
        %gather3A_351 = tpu.vector_load_idx %arg11[%add3A_350] : memref<256xf32, #tpu.memory_space<vmem>>[vector<16xi32>], vector<16xf32>,
        %add3A_352 = arith.constant 5 : i32
        %add3A_353 = vector.broadcast %add3A_352 : i32 to vector<16xi32>
        %add3A_354 = arith.addi %mul3A_332, %add3A_353 : vector<16xi32>
        %gather3A_355 = tpu.vector_load_idx %arg11[%add3A_354] : memref<256xf32, #tpu.memory_space<vmem>>[vector<16xi32>], vector<16xf32>,
        %add3A_356 = arith.constant 6 : i32
        %add3A_357 = vector.broadcast %add3A_356 : i32 to vector<16xi32>
        %add3A_358 = arith.addi %mul3A_332, %add3A_357 : vector<16xi32>
        %gather3A_359 = tpu.vector_load_idx %arg11[%add3A_358] : memref<256xf32, #tpu.memory_space<vmem>>[vector<16xi32>], vector<16xf32>,
        %add3A_360 = arith.constant 7 : i32
        %add3A_361 = vector.broadcast %add3A_360 : i32 to vector<16xi32>
        %add3A_362 = arith.addi %mul3A_332, %add3A_361 : vector<16xi32>
        %gather3A_363 = tpu.vector_load_idx %arg11[%add3A_362] : memref<256xf32, #tpu.memory_space<vmem>>[vector<16xi32>], vector<16xf32>,
        %add3A_364 = arith.constant 8 : i32
        %add3A_365 = vector.broadcast %add3A_364 : i32 to vector<16xi32>
        %add3A_366 = arith.addi %mul3A_332, %add3A_365 : vector<16xi32>
        %gather3A_367 = tpu.vector_load_idx %arg11[%add3A_366] : memref<256xf32, #tpu.memory_space<vmem>>[vector<16xi32>], vector<16xf32>,
        %add3A_368 = arith.constant 9 : i32
        %add3A_369 = vector.broadcast %add3A_368 : i32 to vector<16xi32>
        %add3A_370 = arith.addi %mul3A_332, %add3A_369 : vector<16xi32>
        %gather3A_371 = tpu.vector_load_idx %arg11[%add3A_370] : memref<256xf32, #tpu.memory_space<vmem>>[vector<16xi32>], vector<16xf32>,
        %add3A_372 = arith.constant 10 : i32
        %add3A_373 = vector.broadcast %add3A_372 : i32 to vector<16xi32>
        %add3A_374 = arith.addi %mul3A_332, %add3A_373 : vector<16xi32>
        %gather3A_375 = tpu.vector_load_idx %arg11[%add3A_374] : memref<256xf32, #tpu.memory_space<vmem>>[vector<16xi32>], vector<16xf32>,
        %add3A_376 = arith.constant 11 : i32
        %add3A_377 = vector.broadcast %add3A_376 : i32 to vector<16xi32>
        %add3A_378 = arith.addi %mul3A_332, %add3A_377 : vector<16xi32>
        %gather3A_379 = tpu.vector_load_idx %arg11[%add3A_378] : memref<256xf32, #tpu.memory_space<vmem>>[vector<16xi32>], vector<16xf32>,
        %add3A_380 = arith.constant 12 : i32
        %add3A_381 = vector.broadcast %add3A_380 : i32 to vector<16xi32>
        %add3A_382 = arith.addi %mul3A_332, %add3A_381 : vector<16xi32>
        %gather3A_383 = tpu.vector_load_idx %arg11[%add3A_382] : memref<256xf32, #tpu.memory_space<vmem>>[vector<16xi32>], vector<16xf32>,
        %add3A_384 = arith.constant 13 : i32
        %add3A_385 = vector.broadcast %add3A_384 : i32 to vector<16xi32>
        %add3A_386 = arith.addi %mul3A_332, %add3A_385 : vector<16xi32>
        %gather3A_387 = tpu.vector_load_idx %arg11[%add3A_386] : memref<256xf32, #tpu.memory_space<vmem>>[vector<16xi32>], vector<16xf32>,
        %add3A_388 = arith.constant 14 : i32
        %add3A_389 = vector.broadcast %add3A_388 : i32 to vector<16xi32>
        %add3A_390 = arith.addi %mul3A_332, %add3A_389 : vector<16xi32>
        %gather3A_391 = tpu.vector_load_idx %arg11[%add3A_390] : memref<256xf32, #tpu.memory_space<vmem>>[vector<16xi32>], vector<16xf32>,
        %add3A_392 = arith.constant 15 : i32
        %add3A_393 = vector.broadcast %add3A_392 : i32 to vector<16xi32>
        %add3A_394 = arith.addi %mul3A_332, %add3A_393 : vector<16xi32>
        %gather3A_395 = tpu.vector_load_idx %arg11[%add3A_394] : memref<256xf32, #tpu.memory_space<vmem>>[vector<16xi32>], vector<16xf32>,
        %add3A_396 = arith.addf %gather3A, %gather3A_339 : vector<16xf32>
        %add3A_397 = arith.addf %gather3A_343, %gather3A_347 : vector<16xf32>
        %add3A_398 = arith.addf %gather3A_351, %gather3A_355 : vector<16xf32>
        %add3A_399 = arith.addf %gather3A_359, %gather3A_363 : vector<16xf32>
        %add3A_400 = arith.addf %gather3A_367, %gather3A_371 : vector<16xf32>
        %add3A_401 = arith.addf %gather3A_375, %gather3A_379 : vector<16xf32>
        %add3A_402 = arith.addf %gather3A_383, %gather3A_387 : vector<16xf32>
        %add3A_403 = arith.addf %gather3A_391, %gather3A_395 : vector<16xf32>
        %add3A_404 = arith.addf %add3A_396, %add3A_397 : vector<16xf32>
        %add3A_405 = arith.addf %add3A_398, %add3A_399 : vector<16xf32>
        %add3A_406 = arith.addf %add3A_400, %add3A_401 : vector<16xf32>
        %add3A_407 = arith.addf %add3A_402, %add3A_403 : vector<16xf32>
        %add3A_408 = arith.addf %add3A_404, %add3A_405 : vector<16xf32>
        %add3A_409 = arith.addf %add3A_406, %add3A_407 : vector<16xf32>
        %add3A_410 = arith.addf %add3A_408, %add3A_409 : vector<16xf32>
        %mul3A_411 = arith.constant 80 : i32
        %mul3A_412 = arith.muli %add3A_123, %mul3A_411 : i32
        %add3A_413 = arith.addi %mul3A_412, %mul3A_322 : i32
        %swap3A = arith.index_cast %add3A_413 : i32 to index
        %swap3A_414 = tpu.vector_load %arg10[%swap3A] {strides = array<i32>} : memref<10000xf32, #tpu.memory_space<vmem>>, vector<16xf32>,
        tpu.vector_store %arg10[%swap3A], %add3A_410 {strides = array<i32>} : memref<10000xf32, #tpu.memory_space<vmem>>, vector<16xf32>,
        %scan3A_415 = arith.constant 0 : i32
        scf.yield %scan3A_415 : i32
      }
      %scan3A_167 = arith.constant 5 : i32
      %add3A_168 = arith.constant 1 : i32
      %add3A_169 = arith.addi %mul3A_121, %add3A_168 : i32
      %dma_wait3A_170 = arith.constant 1 : i32
      %dma_wait3A_171 = arith.constant 0 : i32
      %dma_wait3A_172 = arith.constant 0 : i32
      %dma_wait3A_173 = tpu.memref_slice %arg8[%dma_wait3A_170, %dma_wait3A_171, %dma_wait3A_172] : memref<4x80x64xi32, #tpu.memory_space<vmem>> -> memref<1x80x64xi32, #tpu.memory_space<vmem>>
      %dma_wait3A_174 = tpu.memref_squeeze %dma_wait3A_173 : memref<1x80x64xi32, #tpu.memory_space<vmem>> -> memref<80x64xi32, #tpu.memory_space<vmem>>
      %dma_wait3A_175 = arith.constant 0 : i32
      %dma_wait3A_176 = arith.constant 0 : i32
      %dma_wait3A_177 = tpu.memref_slice %arg2[%dma_wait3A_175, %dma_wait3A_176] : memref<10000x64xi32, #tpu.memory_space<hbm>> -> memref<80x64xi32, #tpu.memory_space<hbm>>
      %dma_wait3A_178 = arith.constant 0 : i32
      %dma_wait3A_179 = arith.constant 0 : i32
      %dma_wait3A_180 = tpu.memref_slice %arg8[%dma_wait3A_170, %dma_wait3A_178, %dma_wait3A_179] : memref<4x80x64xi32, #tpu.memory_space<vmem>> -> memref<1x80x64xi32, #tpu.memory_space<vmem>>
      %dma_wait3A_181 = tpu.memref_squeeze %dma_wait3A_180 : memref<1x80x64xi32, #tpu.memory_space<vmem>> -> memref<80x64xi32, #tpu.memory_space<vmem>>
      %dma_wait3A_182 = arith.constant 0 : i32
      %dma_wait3A_183 = arith.constant 0 : i32
      %dma_wait3A_184 = tpu.memref_slice %arg2[%dma_wait3A_182, %dma_wait3A_183] : memref<10000x64xi32, #tpu.memory_space<hbm>> -> memref<80x64xi32, #tpu.memory_space<hbm>>
      tpu.wait_dma2 semaphore(%arg13 : memref<!tpu.dma_semaphore, #tpu.memory_space<semaphore_mem>>) src(%dma_wait3A_184 : memref<80x64xi32, #tpu.memory_space<hbm>>) dst(%dma_wait3A_181 : memref<80x64xi32, #tpu.memory_space<vmem>>)
      %dma_wait3A_185 = arith.constant 1 : i32
      %dma_wait3A_186 = arith.constant 0 : i32
      %dma_wait3A_187 = arith.constant 0 : i32
      %dma_wait3A_188 = tpu.memref_slice %arg9[%dma_wait3A_185, %dma_wait3A_186, %dma_wait3A_187] : memref<4x80x64xi32, #tpu.memory_space<vmem>> -> memref<1x80x64xi32, #tpu.memory_space<vmem>>
      %dma_wait3A_189 = tpu.memref_squeeze %dma_wait3A_188 : memref<1x80x64xi32, #tpu.memory_space<vmem>> -> memref<80x64xi32, #tpu.memory_space<vmem>>
      %dma_wait3A_190 = arith.constant 0 : i32
      %dma_wait3A_191 = arith.constant 0 : i32
      %dma_wait3A_192 = tpu.memref_slice %arg2[%dma_wait3A_190, %dma_wait3A_191] : memref<10000x64xi32, #tpu.memory_space<hbm>> -> memref<80x64xi32, #tpu.memory_space<hbm>>
      %dma_wait3A_193 = arith.constant 0 : i32
      %dma_wait3A_194 = arith.constant 0 : i32
      %dma_wait3A_195 = tpu.memref_slice %arg9[%dma_wait3A_185, %dma_wait3A_193, %dma_wait3A_194] : memref<4x80x64xi32, #tpu.memory_space<vmem>> -> memref<1x80x64xi32, #tpu.memory_space<vmem>>
      %dma_wait3A_196 = tpu.memref_squeeze %dma_wait3A_195 : memref<1x80x64xi32, #tpu.memory_space<vmem>> -> memref<80x64xi32, #tpu.memory_space<vmem>>
      %dma_wait3A_197 = arith.constant 0 : i32
      %dma_wait3A_198 = arith.constant 0 : i32
      %dma_wait3A_199 = tpu.memref_slice %arg2[%dma_wait3A_197, %dma_wait3A_198] : memref<10000x64xi32, #tpu.memory_space<hbm>> -> memref<80x64xi32, #tpu.memory_space<hbm>>
      tpu.wait_dma2 semaphore(%arg17 : memref<!tpu.dma_semaphore, #tpu.memory_space<semaphore_mem>>) src(%dma_wait3A_199 : memref<80x64xi32, #tpu.memory_space<hbm>>) dst(%dma_wait3A_196 : memref<80x64xi32, #tpu.memory_space<vmem>>)
      %add3A_200 = arith.constant 4 : i32
      %add3A_201 = arith.addi %add3A_169, %add3A_200 : i32
      %sub3A_202 = arith.constant 1 : i32
      %sub3A_203 = arith.subi %add3A_201, %sub3A_202 : i32
      %lt3A_204 = arith.constant 125 : i32
      %lt3A_205 = arith.cmpi slt, %sub3A_203, %lt3A_204 : i32
      %convert_element_type3A_206 = arith.extui %lt3A_205 : i1 to i32
      %cond3A_207 = arith.constant 0 : i32
      %cond3A_208 = arith.cmpi ne, %convert_element_type3A_206, %cond3A_207 : i32
      scf.if %cond3A_208 {
        %add3A_319 = arith.constant 4 : i32
        %add3A_320 = arith.addi %add3A_169, %add3A_319 : i32
        %sub3A_321 = arith.constant 1 : i32
        %sub3A_322 = arith.subi %add3A_320, %sub3A_321 : i32
        %dma_start3A_323 = arith.constant 0 : i32
        %dma_start3A_324 = arith.constant 0 : i32
        %dma_start3A_325 = arith.constant 0 : i32
        %dma_start3A_326 = tpu.memref_slice %arg8[%dma_start3A_323, %dma_start3A_324, %dma_start3A_325] : memref<4x80x64xi32, #tpu.memory_space<vmem>> -> memref<1x80x64xi32, #tpu.memory_space<vmem>>
        %dma_start3A_327 = tpu.memref_squeeze %dma_start3A_326 : memref<1x80x64xi32, #tpu.memory_space<vmem>> -> memref<80x64xi32, #tpu.memory_space<vmem>>
        %dma_start3A_328 = arith.constant 0 : i32
        %dma_start3A_329 = tpu.memref_slice %arg6[%sub3A_322, %dma_start3A_328] : memref<125x80xi32, #tpu.memory_space<vmem>> -> memref<1x80xi32, #tpu.memory_space<vmem>>
        %dma_start3A_330 = tpu.memref_squeeze %dma_start3A_329 : memref<1x80xi32, #tpu.memory_space<vmem>> -> memref<80xi32, #tpu.memory_space<vmem>>
        %dma_start3A_331 = arith.constant 0 : i32
        %dma_start3A_332 = arith.constant 0 : i32
        %dma_start3A_333 = tpu.memref_slice %arg2[%dma_start3A_331, %dma_start3A_332] : memref<10000x64xi32, #tpu.memory_space<hbm>> -> memref<10000x64xi32, #tpu.memory_space<hbm>>
        tpu.enqueue_indirect_dma source(%dma_start3A_333 : memref<10000x64xi32, #tpu.memory_space<hbm>>) target(%dma_start3A_327 : memref<80x64xi32, #tpu.memory_space<vmem>>) offsets(%dma_start3A_330 : memref<80xi32, #tpu.memory_space<vmem>>) semaphore(%arg12 : memref<!tpu.dma_semaphore, #tpu.memory_space<semaphore_mem>>)
        %dma_start3A_334 = arith.constant 0 : i32
        %dma_start3A_335 = arith.constant 0 : i32
        %dma_start3A_336 = arith.constant 0 : i32
        %dma_start3A_337 = tpu.memref_slice %arg9[%dma_start3A_334, %dma_start3A_335, %dma_start3A_336] : memref<4x80x64xi32, #tpu.memory_space<vmem>> -> memref<1x80x64xi32, #tpu.memory_space<vmem>>
        %dma_start3A_338 = tpu.memref_squeeze %dma_start3A_337 : memref<1x80x64xi32, #tpu.memory_space<vmem>> -> memref<80x64xi32, #tpu.memory_space<vmem>>
        %dma_start3A_339 = arith.constant 0 : i32
        %dma_start3A_340 = tpu.memref_slice %arg7[%sub3A_322, %dma_start3A_339] : memref<125x80xi32, #tpu.memory_space<vmem>> -> memref<1x80xi32, #tpu.memory_space<vmem>>
        %dma_start3A_341 = tpu.memref_squeeze %dma_start3A_340 : memref<1x80xi32, #tpu.memory_space<vmem>> -> memref<80xi32, #tpu.memory_space<vmem>>
        %dma_start3A_342 = arith.constant 0 : i32
        %dma_start3A_343 = arith.constant 0 : i32
        %dma_start3A_344 = tpu.memref_slice %arg2[%dma_start3A_342, %dma_start3A_343] : memref<10000x64xi32, #tpu.memory_space<hbm>> -> memref<10000x64xi32, #tpu.memory_space<hbm>>
        tpu.enqueue_indirect_dma source(%dma_start3A_344 : memref<10000x64xi32, #tpu.memory_space<hbm>>) target(%dma_start3A_338 : memref<80x64xi32, #tpu.memory_space<vmem>>) offsets(%dma_start3A_341 : memref<80xi32, #tpu.memory_space<vmem>>) semaphore(%arg16 : memref<!tpu.dma_semaphore, #tpu.memory_space<semaphore_mem>>)
      } else {
      }
      %scan3A_209 = arith.constant 1 : i32
      %scan3A_210 = arith.constant 1 : i32
      %scan3A_211 = arith.constant 0 : i32
      %scan3A_212 = arith.constant 0 : i32
      %scan3A_213 = arith.constant 5 : i32
      %scan3A_214 = arith.addi %scan3A_212, %scan3A_213 : i32
      %scan3A_215 = arith.constant 1 : i32
      %scan3A_216 = scf.for %scan3A_319 = %scan3A_212 to %scan3A_214 step %scan3A_215 iter_args(%scan3A_320 = %scan3A_211) -> (i32)  : i32 {
        %mul3A_321 = arith.constant 16 : i32
        %mul3A_322 = arith.muli %scan3A_319, %mul3A_321 : i32
        %scan3A_323 = arith.constant 0 : i32
        %scan3A_324 = arith.constant 0 : i32
        %scan3A_325 = arith.constant 16 : i32
        %scan3A_326 = arith.addi %scan3A_324, %scan3A_325 : i32
        %scan3A_327 = arith.constant 2 : i32
        %scan3A_328 = scf.for %scan3A_416 = %scan3A_324 to %scan3A_326 step %scan3A_327 iter_args(%scan3A_417 = %scan3A_323) -> (i32)  : i32 {
          %add3A_418 = arith.addi %mul3A_322, %scan3A_416 : i32
          %get3A = arith.constant 0 : i32
          %get3A_419 = arith.constant 0 : i32
          %get3A_420 = tpu.memref_slice %arg8[%scan3A_209, %get3A, %get3A_419] : memref<4x80x64xi32, #tpu.memory_space<vmem>> -> memref<1x80x64xi32, #tpu.memory_space<vmem>>
          %get3A_421 = tpu.memref_squeeze %get3A_420 : memref<1x80x64xi32, #tpu.memory_space<vmem>> -> memref<80x64xi32, #tpu.memory_space<vmem>>
          %get3A_422 = arith.index_cast %add3A_418 : i32 to index
          %get3A_423 = arith.constant 0 : index
          %get3A_424 = tpu.vector_load %get3A_421[%get3A_422, %get3A_423] {strides = array<i32>} : memref<80x64xi32, #tpu.memory_space<vmem>>, vector<16xi32>,
          %bitcast3A = vector.bitcast %get3A_424 : vector<16xi32> to vector<32xbf16>
          %get3A_425 = arith.constant 0 : i32
          %get3A_426 = arith.constant 0 : i32
          %get3A_427 = tpu.memref_slice %arg9[%scan3A_210, %get3A_425, %get3A_426] : memref<4x80x64xi32, #tpu.memory_space<vmem>> -> memref<1x80x64xi32, #tpu.memory_space<vmem>>
          %get3A_428 = tpu.memref_squeeze %get3A_427 : memref<1x80x64xi32, #tpu.memory_space<vmem>> -> memref<80x64xi32, #tpu.memory_space<vmem>>
          %get3A_429 = arith.index_cast %add3A_418 : i32 to index
          %get3A_430 = arith.constant 0 : index
          %get3A_431 = tpu.vector_load %get3A_428[%get3A_429, %get3A_430] {strides = array<i32>} : memref<80x64xi32, #tpu.memory_space<vmem>>, vector<16xi32>,
          %bitcast3A_432 = vector.bitcast %get3A_431 : vector<16xi32> to vector<32xbf16>
          %mul3A_433 = arith.mulf %bitcast3A, %bitcast3A_432 : vector<32xbf16>
          %unpack3A = tpu.unpack_subelements %mul3A_433, 0 {pack_format = #tpu.pack_format<interleaved>} : vector<32xbf16> -> vector<16xf32>
          %unpack3A_434 = tpu.unpack_subelements %mul3A_433, 1 {pack_format = #tpu.pack_format<interleaved>} : vector<32xbf16> -> vector<16xf32>
          %get3A_435 = arith.constant 0 : i32
          %get3A_436 = arith.constant 0 : i32
          %get3A_437 = tpu.memref_slice %arg8[%scan3A_209, %get3A_435, %get3A_436] : memref<4x80x64xi32, #tpu.memory_space<vmem>> -> memref<1x80x64xi32, #tpu.memory_space<vmem>>
          %get3A_438 = tpu.memref_squeeze %get3A_437 : memref<1x80x64xi32, #tpu.memory_space<vmem>> -> memref<80x64xi32, #tpu.memory_space<vmem>>
          %get3A_439 = arith.index_cast %add3A_418 : i32 to index
          %get3A_440 = arith.constant 16 : index
          %get3A_441 = tpu.vector_load %get3A_438[%get3A_439, %get3A_440] {strides = array<i32>} : memref<80x64xi32, #tpu.memory_space<vmem>>, vector<16xi32>,
          %bitcast3A_442 = vector.bitcast %get3A_441 : vector<16xi32> to vector<32xbf16>
          %get3A_443 = arith.constant 0 : i32
          %get3A_444 = arith.constant 0 : i32
          %get3A_445 = tpu.memref_slice %arg9[%scan3A_210, %get3A_443, %get3A_444] : memref<4x80x64xi32, #tpu.memory_space<vmem>> -> memref<1x80x64xi32, #tpu.memory_space<vmem>>
          %get3A_446 = tpu.memref_squeeze %get3A_445 : memref<1x80x64xi32, #tpu.memory_space<vmem>> -> memref<80x64xi32, #tpu.memory_space<vmem>>
          %get3A_447 = arith.index_cast %add3A_418 : i32 to index
          %get3A_448 = arith.constant 16 : index
          %get3A_449 = tpu.vector_load %get3A_446[%get3A_447, %get3A_448] {strides = array<i32>} : memref<80x64xi32, #tpu.memory_space<vmem>>, vector<16xi32>,
          %bitcast3A_450 = vector.bitcast %get3A_449 : vector<16xi32> to vector<32xbf16>
          %mul3A_451 = arith.mulf %bitcast3A_442, %bitcast3A_450 : vector<32xbf16>
          %unpack3A_452 = tpu.unpack_subelements %mul3A_451, 0 {pack_format = #tpu.pack_format<interleaved>} : vector<32xbf16> -> vector<16xf32>
          %unpack3A_453 = tpu.unpack_subelements %mul3A_451, 1 {pack_format = #tpu.pack_format<interleaved>} : vector<32xbf16> -> vector<16xf32>
          %get3A_454 = arith.constant 0 : i32
          %get3A_455 = arith.constant 0 : i32
          %get3A_456 = tpu.memref_slice %arg8[%scan3A_209, %get3A_454, %get3A_455] : memref<4x80x64xi32, #tpu.memory_space<vmem>> -> memref<1x80x64xi32, #tpu.memory_space<vmem>>
          %get3A_457 = tpu.memref_squeeze %get3A_456 : memref<1x80x64xi32, #tpu.memory_space<vmem>> -> memref<80x64xi32, #tpu.memory_space<vmem>>
          %get3A_458 = arith.index_cast %add3A_418 : i32 to index
          %get3A_459 = arith.constant 32 : index
          %get3A_460 = tpu.vector_load %get3A_457[%get3A_458, %get3A_459] {strides = array<i32>} : memref<80x64xi32, #tpu.memory_space<vmem>>, vector<16xi32>,
          %bitcast3A_461 = vector.bitcast %get3A_460 : vector<16xi32> to vector<32xbf16>
          %get3A_462 = arith.constant 0 : i32
          %get3A_463 = arith.constant 0 : i32
          %get3A_464 = tpu.memref_slice %arg9[%scan3A_210, %get3A_462, %get3A_463] : memref<4x80x64xi32, #tpu.memory_space<vmem>> -> memref<1x80x64xi32, #tpu.memory_space<vmem>>
          %get3A_465 = tpu.memref_squeeze %get3A_464 : memref<1x80x64xi32, #tpu.memory_space<vmem>> -> memref<80x64xi32, #tpu.memory_space<vmem>>
          %get3A_466 = arith.index_cast %add3A_418 : i32 to index
          %get3A_467 = arith.constant 32 : index
          %get3A_468 = tpu.vector_load %get3A_465[%get3A_466, %get3A_467] {strides = array<i32>} : memref<80x64xi32, #tpu.memory_space<vmem>>, vector<16xi32>,
          %bitcast3A_469 = vector.bitcast %get3A_468 : vector<16xi32> to vector<32xbf16>
          %mul3A_470 = arith.mulf %bitcast3A_461, %bitcast3A_469 : vector<32xbf16>
          %unpack3A_471 = tpu.unpack_subelements %mul3A_470, 0 {pack_format = #tpu.pack_format<interleaved>} : vector<32xbf16> -> vector<16xf32>
          %unpack3A_472 = tpu.unpack_subelements %mul3A_470, 1 {pack_format = #tpu.pack_format<interleaved>} : vector<32xbf16> -> vector<16xf32>
          %get3A_473 = arith.constant 0 : i32
          %get3A_474 = arith.constant 0 : i32
          %get3A_475 = tpu.memref_slice %arg8[%scan3A_209, %get3A_473, %get3A_474] : memref<4x80x64xi32, #tpu.memory_space<vmem>> -> memref<1x80x64xi32, #tpu.memory_space<vmem>>
          %get3A_476 = tpu.memref_squeeze %get3A_475 : memref<1x80x64xi32, #tpu.memory_space<vmem>> -> memref<80x64xi32, #tpu.memory_space<vmem>>
          %get3A_477 = arith.index_cast %add3A_418 : i32 to index
          %get3A_478 = arith.constant 48 : index
          %get3A_479 = tpu.vector_load %get3A_476[%get3A_477, %get3A_478] {strides = array<i32>} : memref<80x64xi32, #tpu.memory_space<vmem>>, vector<16xi32>,
          %bitcast3A_480 = vector.bitcast %get3A_479 : vector<16xi32> to vector<32xbf16>
          %get3A_481 = arith.constant 0 : i32
          %get3A_482 = arith.constant 0 : i32
          %get3A_483 = tpu.memref_slice %arg9[%scan3A_210, %get3A_481, %get3A_482] : memref<4x80x64xi32, #tpu.memory_space<vmem>> -> memref<1x80x64xi32, #tpu.memory_space<vmem>>
          %get3A_484 = tpu.memref_squeeze %get3A_483 : memref<1x80x64xi32, #tpu.memory_space<vmem>> -> memref<80x64xi32, #tpu.memory_space<vmem>>
          %get3A_485 = arith.index_cast %add3A_418 : i32 to index
          %get3A_486 = arith.constant 48 : index
          %get3A_487 = tpu.vector_load %get3A_484[%get3A_485, %get3A_486] {strides = array<i32>} : memref<80x64xi32, #tpu.memory_space<vmem>>, vector<16xi32>,
          %bitcast3A_488 = vector.bitcast %get3A_487 : vector<16xi32> to vector<32xbf16>
          %mul3A_489 = arith.mulf %bitcast3A_480, %bitcast3A_488 : vector<32xbf16>
          %unpack3A_490 = tpu.unpack_subelements %mul3A_489, 0 {pack_format = #tpu.pack_format<interleaved>} : vector<32xbf16> -> vector<16xf32>
          %unpack3A_491 = tpu.unpack_subelements %mul3A_489, 1 {pack_format = #tpu.pack_format<interleaved>} : vector<32xbf16> -> vector<16xf32>
          %add3A_492 = arith.addf %unpack3A, %unpack3A_434 : vector<16xf32>
          %add3A_493 = arith.addf %unpack3A_452, %unpack3A_453 : vector<16xf32>
          %add3A_494 = arith.addf %unpack3A_471, %unpack3A_472 : vector<16xf32>
          %add3A_495 = arith.addf %unpack3A_490, %unpack3A_491 : vector<16xf32>
          %add3A_496 = arith.addf %add3A_492, %add3A_493 : vector<16xf32>
          %add3A_497 = arith.addf %add3A_494, %add3A_495 : vector<16xf32>
          %add3A_498 = arith.addf %add3A_496, %add3A_497 : vector<16xf32>
          %mul3A_499 = arith.constant 16 : i32
          %mul3A_500 = arith.muli %scan3A_416, %mul3A_499 : i32
          %swap3A_501 = arith.index_cast %mul3A_500 : i32 to index
          %swap3A_502 = tpu.vector_load %arg11[%swap3A_501] {strides = array<i32>} : memref<256xf32, #tpu.memory_space<vmem>>, vector<16xf32>,
          tpu.vector_store %arg11[%swap3A_501], %add3A_498 {strides = array<i32>} : memref<256xf32, #tpu.memory_space<vmem>>, vector<16xf32>,
          %scan3A_503 = arith.constant 0 : i32
          %scan3A_504 = arith.constant 1 : i32
          %scan3A_505 = arith.addi %scan3A_416, %scan3A_504 : i32
          %add3A_506 = arith.addi %mul3A_322, %scan3A_505 : i32
          %get3A_507 = arith.constant 0 : i32
          %get3A_508 = arith.constant 0 : i32
          %get3A_509 = tpu.memref_slice %arg8[%scan3A_209, %get3A_507, %get3A_508] : memref<4x80x64xi32, #tpu.memory_space<vmem>> -> memref<1x80x64xi32, #tpu.memory_space<vmem>>
          %get3A_510 = tpu.memref_squeeze %get3A_509 : memref<1x80x64xi32, #tpu.memory_space<vmem>> -> memref<80x64xi32, #tpu.memory_space<vmem>>
          %get3A_511 = arith.index_cast %add3A_506 : i32 to index
          %get3A_512 = arith.constant 0 : index
          %get3A_513 = tpu.vector_load %get3A_510[%get3A_511, %get3A_512] {strides = array<i32>} : memref<80x64xi32, #tpu.memory_space<vmem>>, vector<16xi32>,
          %bitcast3A_514 = vector.bitcast %get3A_513 : vector<16xi32> to vector<32xbf16>
          %get3A_515 = arith.constant 0 : i32
          %get3A_516 = arith.constant 0 : i32
          %get3A_517 = tpu.memref_slice %arg9[%scan3A_210, %get3A_515, %get3A_516] : memref<4x80x64xi32, #tpu.memory_space<vmem>> -> memref<1x80x64xi32, #tpu.memory_space<vmem>>
          %get3A_518 = tpu.memref_squeeze %get3A_517 : memref<1x80x64xi32, #tpu.memory_space<vmem>> -> memref<80x64xi32, #tpu.memory_space<vmem>>
          %get3A_519 = arith.index_cast %add3A_506 : i32 to index
          %get3A_520 = arith.constant 0 : index
          %get3A_521 = tpu.vector_load %get3A_518[%get3A_519, %get3A_520] {strides = array<i32>} : memref<80x64xi32, #tpu.memory_space<vmem>>, vector<16xi32>,
          %bitcast3A_522 = vector.bitcast %get3A_521 : vector<16xi32> to vector<32xbf16>
          %mul3A_523 = arith.mulf %bitcast3A_514, %bitcast3A_522 : vector<32xbf16>
          %unpack3A_524 = tpu.unpack_subelements %mul3A_523, 0 {pack_format = #tpu.pack_format<interleaved>} : vector<32xbf16> -> vector<16xf32>
          %unpack3A_525 = tpu.unpack_subelements %mul3A_523, 1 {pack_format = #tpu.pack_format<interleaved>} : vector<32xbf16> -> vector<16xf32>
          %get3A_526 = arith.constant 0 : i32
          %get3A_527 = arith.constant 0 : i32
          %get3A_528 = tpu.memref_slice %arg8[%scan3A_209, %get3A_526, %get3A_527] : memref<4x80x64xi32, #tpu.memory_space<vmem>> -> memref<1x80x64xi32, #tpu.memory_space<vmem>>
          %get3A_529 = tpu.memref_squeeze %get3A_528 : memref<1x80x64xi32, #tpu.memory_space<vmem>> -> memref<80x64xi32, #tpu.memory_space<vmem>>
          %get3A_530 = arith.index_cast %add3A_506 : i32 to index
          %get3A_531 = arith.constant 16 : index
          %get3A_532 = tpu.vector_load %get3A_529[%get3A_530, %get3A_531] {strides = array<i32>} : memref<80x64xi32, #tpu.memory_space<vmem>>, vector<16xi32>,
          %bitcast3A_533 = vector.bitcast %get3A_532 : vector<16xi32> to vector<32xbf16>
          %get3A_534 = arith.constant 0 : i32
          %get3A_535 = arith.constant 0 : i32
          %get3A_536 = tpu.memref_slice %arg9[%scan3A_210, %get3A_534, %get3A_535] : memref<4x80x64xi32, #tpu.memory_space<vmem>> -> memref<1x80x64xi32, #tpu.memory_space<vmem>>
          %get3A_537 = tpu.memref_squeeze %get3A_536 : memref<1x80x64xi32, #tpu.memory_space<vmem>> -> memref<80x64xi32, #tpu.memory_space<vmem>>
          %get3A_538 = arith.index_cast %add3A_506 : i32 to index
          %get3A_539 = arith.constant 16 : index
          %get3A_540 = tpu.vector_load %get3A_537[%get3A_538, %get3A_539] {strides = array<i32>} : memref<80x64xi32, #tpu.memory_space<vmem>>, vector<16xi32>,
          %bitcast3A_541 = vector.bitcast %get3A_540 : vector<16xi32> to vector<32xbf16>
          %mul3A_542 = arith.mulf %bitcast3A_533, %bitcast3A_541 : vector<32xbf16>
          %unpack3A_543 = tpu.unpack_subelements %mul3A_542, 0 {pack_format = #tpu.pack_format<interleaved>} : vector<32xbf16> -> vector<16xf32>
          %unpack3A_544 = tpu.unpack_subelements %mul3A_542, 1 {pack_format = #tpu.pack_format<interleaved>} : vector<32xbf16> -> vector<16xf32>
          %get3A_545 = arith.constant 0 : i32
          %get3A_546 = arith.constant 0 : i32
          %get3A_547 = tpu.memref_slice %arg8[%scan3A_209, %get3A_545, %get3A_546] : memref<4x80x64xi32, #tpu.memory_space<vmem>> -> memref<1x80x64xi32, #tpu.memory_space<vmem>>
          %get3A_548 = tpu.memref_squeeze %get3A_547 : memref<1x80x64xi32, #tpu.memory_space<vmem>> -> memref<80x64xi32, #tpu.memory_space<vmem>>
          %get3A_549 = arith.index_cast %add3A_506 : i32 to index
          %get3A_550 = arith.constant 32 : index
          %get3A_551 = tpu.vector_load %get3A_548[%get3A_549, %get3A_550] {strides = array<i32>} : memref<80x64xi32, #tpu.memory_space<vmem>>, vector<16xi32>,
          %bitcast3A_552 = vector.bitcast %get3A_551 : vector<16xi32> to vector<32xbf16>
          %get3A_553 = arith.constant 0 : i32
          %get3A_554 = arith.constant 0 : i32
          %get3A_555 = tpu.memref_slice %arg9[%scan3A_210, %get3A_553, %get3A_554] : memref<4x80x64xi32, #tpu.memory_space<vmem>> -> memref<1x80x64xi32, #tpu.memory_space<vmem>>
          %get3A_556 = tpu.memref_squeeze %get3A_555 : memref<1x80x64xi32, #tpu.memory_space<vmem>> -> memref<80x64xi32, #tpu.memory_space<vmem>>
          %get3A_557 = arith.index_cast %add3A_506 : i32 to index
          %get3A_558 = arith.constant 32 : index
          %get3A_559 = tpu.vector_load %get3A_556[%get3A_557, %get3A_558] {strides = array<i32>} : memref<80x64xi32, #tpu.memory_space<vmem>>, vector<16xi32>,
          %bitcast3A_560 = vector.bitcast %get3A_559 : vector<16xi32> to vector<32xbf16>
          %mul3A_561 = arith.mulf %bitcast3A_552, %bitcast3A_560 : vector<32xbf16>
          %unpack3A_562 = tpu.unpack_subelements %mul3A_561, 0 {pack_format = #tpu.pack_format<interleaved>} : vector<32xbf16> -> vector<16xf32>
          %unpack3A_563 = tpu.unpack_subelements %mul3A_561, 1 {pack_format = #tpu.pack_format<interleaved>} : vector<32xbf16> -> vector<16xf32>
          %get3A_564 = arith.constant 0 : i32
          %get3A_565 = arith.constant 0 : i32
          %get3A_566 = tpu.memref_slice %arg8[%scan3A_209, %get3A_564, %get3A_565] : memref<4x80x64xi32, #tpu.memory_space<vmem>> -> memref<1x80x64xi32, #tpu.memory_space<vmem>>
          %get3A_567 = tpu.memref_squeeze %get3A_566 : memref<1x80x64xi32, #tpu.memory_space<vmem>> -> memref<80x64xi32, #tpu.memory_space<vmem>>
          %get3A_568 = arith.index_cast %add3A_506 : i32 to index
          %get3A_569 = arith.constant 48 : index
          %get3A_570 = tpu.vector_load %get3A_567[%get3A_568, %get3A_569] {strides = array<i32>} : memref<80x64xi32, #tpu.memory_space<vmem>>, vector<16xi32>,
          %bitcast3A_571 = vector.bitcast %get3A_570 : vector<16xi32> to vector<32xbf16>
          %get3A_572 = arith.constant 0 : i32
          %get3A_573 = arith.constant 0 : i32
          %get3A_574 = tpu.memref_slice %arg9[%scan3A_210, %get3A_572, %get3A_573] : memref<4x80x64xi32, #tpu.memory_space<vmem>> -> memref<1x80x64xi32, #tpu.memory_space<vmem>>
          %get3A_575 = tpu.memref_squeeze %get3A_574 : memref<1x80x64xi32, #tpu.memory_space<vmem>> -> memref<80x64xi32, #tpu.memory_space<vmem>>
          %get3A_576 = arith.index_cast %add3A_506 : i32 to index
          %get3A_577 = arith.constant 48 : index
          %get3A_578 = tpu.vector_load %get3A_575[%get3A_576, %get3A_577] {strides = array<i32>} : memref<80x64xi32, #tpu.memory_space<vmem>>, vector<16xi32>,
          %bitcast3A_579 = vector.bitcast %get3A_578 : vector<16xi32> to vector<32xbf16>
          %mul3A_580 = arith.mulf %bitcast3A_571, %bitcast3A_579 : vector<32xbf16>
          %unpack3A_581 = tpu.unpack_subelements %mul3A_580, 0 {pack_format = #tpu.pack_format<interleaved>} : vector<32xbf16> -> vector<16xf32>
          %unpack3A_582 = tpu.unpack_subelements %mul3A_580, 1 {pack_format = #tpu.pack_format<interleaved>} : vector<32xbf16> -> vector<16xf32>
          %add3A_583 = arith.addf %unpack3A_524, %unpack3A_525 : vector<16xf32>
          %add3A_584 = arith.addf %unpack3A_543, %unpack3A_544 : vector<16xf32>
          %add3A_585 = arith.addf %unpack3A_562, %unpack3A_563 : vector<16xf32>
          %add3A_586 = arith.addf %unpack3A_581, %unpack3A_582 : vector<16xf32>
          %add3A_587 = arith.addf %add3A_583, %add3A_584 : vector<16xf32>
          %add3A_588 = arith.addf %add3A_585, %add3A_586 : vector<16xf32>
          %add3A_589 = arith.addf %add3A_587, %add3A_588 : vector<16xf32>
          %mul3A_590 = arith.constant 16 : i32
          %mul3A_591 = arith.muli %scan3A_505, %mul3A_590 : i32
          %swap3A_592 = arith.index_cast %mul3A_591 : i32 to index
          %swap3A_593 = tpu.vector_load %arg11[%swap3A_592] {strides = array<i32>} : memref<256xf32, #tpu.memory_space<vmem>>, vector<16xf32>,
          tpu.vector_store %arg11[%swap3A_592], %add3A_589 {strides = array<i32>} : memref<256xf32, #tpu.memory_space<vmem>>, vector<16xf32>,
          %scan3A_594 = arith.constant 0 : i32
          scf.yield %scan3A_594 : i32
        }
        %scan3A_329 = arith.constant 16 : i32
        %iota3A = tpu.iota {dimensions = array<i32: 0>} : vector<16xi32>
        %mul3A_330 = arith.constant 16 : i32
        %mul3A_331 = vector.broadcast %mul3A_330 : i32 to vector<16xi32>
        %mul3A_332 = arith.muli %iota3A, %mul3A_331 : vector<16xi32>
        %add3A_333 = arith.constant 0 : i32
        %add3A_334 = vector.broadcast %add3A_333 : i32 to vector<16xi32>
        %add3A_335 = arith.addi %mul3A_332, %add3A_334 : vector<16xi32>
        %gather3A = tpu.vector_load_idx %arg11[%add3A_335] : memref<256xf32, #tpu.memory_space<vmem>>[vector<16xi32>], vector<16xf32>,
        %add3A_336 = arith.constant 1 : i32
        %add3A_337 = vector.broadcast %add3A_336 : i32 to vector<16xi32>
        %add3A_338 = arith.addi %mul3A_332, %add3A_337 : vector<16xi32>
        %gather3A_339 = tpu.vector_load_idx %arg11[%add3A_338] : memref<256xf32, #tpu.memory_space<vmem>>[vector<16xi32>], vector<16xf32>,
        %add3A_340 = arith.constant 2 : i32
        %add3A_341 = vector.broadcast %add3A_340 : i32 to vector<16xi32>
        %add3A_342 = arith.addi %mul3A_332, %add3A_341 : vector<16xi32>
        %gather3A_343 = tpu.vector_load_idx %arg11[%add3A_342] : memref<256xf32, #tpu.memory_space<vmem>>[vector<16xi32>], vector<16xf32>,
        %add3A_344 = arith.constant 3 : i32
        %add3A_345 = vector.broadcast %add3A_344 : i32 to vector<16xi32>
        %add3A_346 = arith.addi %mul3A_332, %add3A_345 : vector<16xi32>
        %gather3A_347 = tpu.vector_load_idx %arg11[%add3A_346] : memref<256xf32, #tpu.memory_space<vmem>>[vector<16xi32>], vector<16xf32>,
        %add3A_348 = arith.constant 4 : i32
        %add3A_349 = vector.broadcast %add3A_348 : i32 to vector<16xi32>
        %add3A_350 = arith.addi %mul3A_332, %add3A_349 : vector<16xi32>
        %gather3A_351 = tpu.vector_load_idx %arg11[%add3A_350] : memref<256xf32, #tpu.memory_space<vmem>>[vector<16xi32>], vector<16xf32>,
        %add3A_352 = arith.constant 5 : i32
        %add3A_353 = vector.broadcast %add3A_352 : i32 to vector<16xi32>
        %add3A_354 = arith.addi %mul3A_332, %add3A_353 : vector<16xi32>
        %gather3A_355 = tpu.vector_load_idx %arg11[%add3A_354] : memref<256xf32, #tpu.memory_space<vmem>>[vector<16xi32>], vector<16xf32>,
        %add3A_356 = arith.constant 6 : i32
        %add3A_357 = vector.broadcast %add3A_356 : i32 to vector<16xi32>
        %add3A_358 = arith.addi %mul3A_332, %add3A_357 : vector<16xi32>
        %gather3A_359 = tpu.vector_load_idx %arg11[%add3A_358] : memref<256xf32, #tpu.memory_space<vmem>>[vector<16xi32>], vector<16xf32>,
        %add3A_360 = arith.constant 7 : i32
        %add3A_361 = vector.broadcast %add3A_360 : i32 to vector<16xi32>
        %add3A_362 = arith.addi %mul3A_332, %add3A_361 : vector<16xi32>
        %gather3A_363 = tpu.vector_load_idx %arg11[%add3A_362] : memref<256xf32, #tpu.memory_space<vmem>>[vector<16xi32>], vector<16xf32>,
        %add3A_364 = arith.constant 8 : i32
        %add3A_365 = vector.broadcast %add3A_364 : i32 to vector<16xi32>
        %add3A_366 = arith.addi %mul3A_332, %add3A_365 : vector<16xi32>
        %gather3A_367 = tpu.vector_load_idx %arg11[%add3A_366] : memref<256xf32, #tpu.memory_space<vmem>>[vector<16xi32>], vector<16xf32>,
        %add3A_368 = arith.constant 9 : i32
        %add3A_369 = vector.broadcast %add3A_368 : i32 to vector<16xi32>
        %add3A_370 = arith.addi %mul3A_332, %add3A_369 : vector<16xi32>
        %gather3A_371 = tpu.vector_load_idx %arg11[%add3A_370] : memref<256xf32, #tpu.memory_space<vmem>>[vector<16xi32>], vector<16xf32>,
        %add3A_372 = arith.constant 10 : i32
        %add3A_373 = vector.broadcast %add3A_372 : i32 to vector<16xi32>
        %add3A_374 = arith.addi %mul3A_332, %add3A_373 : vector<16xi32>
        %gather3A_375 = tpu.vector_load_idx %arg11[%add3A_374] : memref<256xf32, #tpu.memory_space<vmem>>[vector<16xi32>], vector<16xf32>,
        %add3A_376 = arith.constant 11 : i32
        %add3A_377 = vector.broadcast %add3A_376 : i32 to vector<16xi32>
        %add3A_378 = arith.addi %mul3A_332, %add3A_377 : vector<16xi32>
        %gather3A_379 = tpu.vector_load_idx %arg11[%add3A_378] : memref<256xf32, #tpu.memory_space<vmem>>[vector<16xi32>], vector<16xf32>,
        %add3A_380 = arith.constant 12 : i32
        %add3A_381 = vector.broadcast %add3A_380 : i32 to vector<16xi32>
        %add3A_382 = arith.addi %mul3A_332, %add3A_381 : vector<16xi32>
        %gather3A_383 = tpu.vector_load_idx %arg11[%add3A_382] : memref<256xf32, #tpu.memory_space<vmem>>[vector<16xi32>], vector<16xf32>,
        %add3A_384 = arith.constant 13 : i32
        %add3A_385 = vector.broadcast %add3A_384 : i32 to vector<16xi32>
        %add3A_386 = arith.addi %mul3A_332, %add3A_385 : vector<16xi32>
        %gather3A_387 = tpu.vector_load_idx %arg11[%add3A_386] : memref<256xf32, #tpu.memory_space<vmem>>[vector<16xi32>], vector<16xf32>,
        %add3A_388 = arith.constant 14 : i32
        %add3A_389 = vector.broadcast %add3A_388 : i32 to vector<16xi32>
        %add3A_390 = arith.addi %mul3A_332, %add3A_389 : vector<16xi32>
        %gather3A_391 = tpu.vector_load_idx %arg11[%add3A_390] : memref<256xf32, #tpu.memory_space<vmem>>[vector<16xi32>], vector<16xf32>,
        %add3A_392 = arith.constant 15 : i32
        %add3A_393 = vector.broadcast %add3A_392 : i32 to vector<16xi32>
        %add3A_394 = arith.addi %mul3A_332, %add3A_393 : vector<16xi32>
        %gather3A_395 = tpu.vector_load_idx %arg11[%add3A_394] : memref<256xf32, #tpu.memory_space<vmem>>[vector<16xi32>], vector<16xf32>,
        %add3A_396 = arith.addf %gather3A, %gather3A_339 : vector<16xf32>
        %add3A_397 = arith.addf %gather3A_343, %gather3A_347 : vector<16xf32>
        %add3A_398 = arith.addf %gather3A_351, %gather3A_355 : vector<16xf32>
        %add3A_399 = arith.addf %gather3A_359, %gather3A_363 : vector<16xf32>
        %add3A_400 = arith.addf %gather3A_367, %gather3A_371 : vector<16xf32>
        %add3A_401 = arith.addf %gather3A_375, %gather3A_379 : vector<16xf32>
        %add3A_402 = arith.addf %gather3A_383, %gather3A_387 : vector<16xf32>
        %add3A_403 = arith.addf %gather3A_391, %gather3A_395 : vector<16xf32>
        %add3A_404 = arith.addf %add3A_396, %add3A_397 : vector<16xf32>
        %add3A_405 = arith.addf %add3A_398, %add3A_399 : vector<16xf32>
        %add3A_406 = arith.addf %add3A_400, %add3A_401 : vector<16xf32>
        %add3A_407 = arith.addf %add3A_402, %add3A_403 : vector<16xf32>
        %add3A_408 = arith.addf %add3A_404, %add3A_405 : vector<16xf32>
        %add3A_409 = arith.addf %add3A_406, %add3A_407 : vector<16xf32>
        %add3A_410 = arith.addf %add3A_408, %add3A_409 : vector<16xf32>
        %mul3A_411 = arith.constant 80 : i32
        %mul3A_412 = arith.muli %add3A_169, %mul3A_411 : i32
        %add3A_413 = arith.addi %mul3A_412, %mul3A_322 : i32
        %swap3A = arith.index_cast %add3A_413 : i32 to index
        %swap3A_414 = tpu.vector_load %arg10[%swap3A] {strides = array<i32>} : memref<10000xf32, #tpu.memory_space<vmem>>, vector<16xf32>,
        tpu.vector_store %arg10[%swap3A], %add3A_410 {strides = array<i32>} : memref<10000xf32, #tpu.memory_space<vmem>>, vector<16xf32>,
        %scan3A_415 = arith.constant 0 : i32
        scf.yield %scan3A_415 : i32
      }
      %scan3A_217 = arith.constant 5 : i32
      %add3A_218 = arith.constant 2 : i32
      %add3A_219 = arith.addi %mul3A_121, %add3A_218 : i32
      %dma_wait3A_220 = arith.constant 2 : i32
      %dma_wait3A_221 = arith.constant 0 : i32
      %dma_wait3A_222 = arith.constant 0 : i32
      %dma_wait3A_223 = tpu.memref_slice %arg8[%dma_wait3A_220, %dma_wait3A_221, %dma_wait3A_222] : memref<4x80x64xi32, #tpu.memory_space<vmem>> -> memref<1x80x64xi32, #tpu.memory_space<vmem>>
      %dma_wait3A_224 = tpu.memref_squeeze %dma_wait3A_223 : memref<1x80x64xi32, #tpu.memory_space<vmem>> -> memref<80x64xi32, #tpu.memory_space<vmem>>
      %dma_wait3A_225 = arith.constant 0 : i32
      %dma_wait3A_226 = arith.constant 0 : i32
      %dma_wait3A_227 = tpu.memref_slice %arg2[%dma_wait3A_225, %dma_wait3A_226] : memref<10000x64xi32, #tpu.memory_space<hbm>> -> memref<80x64xi32, #tpu.memory_space<hbm>>
      %dma_wait3A_228 = arith.constant 0 : i32
      %dma_wait3A_229 = arith.constant 0 : i32
      %dma_wait3A_230 = tpu.memref_slice %arg8[%dma_wait3A_220, %dma_wait3A_228, %dma_wait3A_229] : memref<4x80x64xi32, #tpu.memory_space<vmem>> -> memref<1x80x64xi32, #tpu.memory_space<vmem>>
      %dma_wait3A_231 = tpu.memref_squeeze %dma_wait3A_230 : memref<1x80x64xi32, #tpu.memory_space<vmem>> -> memref<80x64xi32, #tpu.memory_space<vmem>>
      %dma_wait3A_232 = arith.constant 0 : i32
      %dma_wait3A_233 = arith.constant 0 : i32
      %dma_wait3A_234 = tpu.memref_slice %arg2[%dma_wait3A_232, %dma_wait3A_233] : memref<10000x64xi32, #tpu.memory_space<hbm>> -> memref<80x64xi32, #tpu.memory_space<hbm>>
      tpu.wait_dma2 semaphore(%arg14 : memref<!tpu.dma_semaphore, #tpu.memory_space<semaphore_mem>>) src(%dma_wait3A_234 : memref<80x64xi32, #tpu.memory_space<hbm>>) dst(%dma_wait3A_231 : memref<80x64xi32, #tpu.memory_space<vmem>>)
      %dma_wait3A_235 = arith.constant 2 : i32
      %dma_wait3A_236 = arith.constant 0 : i32
      %dma_wait3A_237 = arith.constant 0 : i32
      %dma_wait3A_238 = tpu.memref_slice %arg9[%dma_wait3A_235, %dma_wait3A_236, %dma_wait3A_237] : memref<4x80x64xi32, #tpu.memory_space<vmem>> -> memref<1x80x64xi32, #tpu.memory_space<vmem>>
      %dma_wait3A_239 = tpu.memref_squeeze %dma_wait3A_238 : memref<1x80x64xi32, #tpu.memory_space<vmem>> -> memref<80x64xi32, #tpu.memory_space<vmem>>
      %dma_wait3A_240 = arith.constant 0 : i32
      %dma_wait3A_241 = arith.constant 0 : i32
      %dma_wait3A_242 = tpu.memref_slice %arg2[%dma_wait3A_240, %dma_wait3A_241] : memref<10000x64xi32, #tpu.memory_space<hbm>> -> memref<80x64xi32, #tpu.memory_space<hbm>>
      %dma_wait3A_243 = arith.constant 0 : i32
      %dma_wait3A_244 = arith.constant 0 : i32
      %dma_wait3A_245 = tpu.memref_slice %arg9[%dma_wait3A_235, %dma_wait3A_243, %dma_wait3A_244] : memref<4x80x64xi32, #tpu.memory_space<vmem>> -> memref<1x80x64xi32, #tpu.memory_space<vmem>>
      %dma_wait3A_246 = tpu.memref_squeeze %dma_wait3A_245 : memref<1x80x64xi32, #tpu.memory_space<vmem>> -> memref<80x64xi32, #tpu.memory_space<vmem>>
      %dma_wait3A_247 = arith.constant 0 : i32
      %dma_wait3A_248 = arith.constant 0 : i32
      %dma_wait3A_249 = tpu.memref_slice %arg2[%dma_wait3A_247, %dma_wait3A_248] : memref<10000x64xi32, #tpu.memory_space<hbm>> -> memref<80x64xi32, #tpu.memory_space<hbm>>
      tpu.wait_dma2 semaphore(%arg18 : memref<!tpu.dma_semaphore, #tpu.memory_space<semaphore_mem>>) src(%dma_wait3A_249 : memref<80x64xi32, #tpu.memory_space<hbm>>) dst(%dma_wait3A_246 : memref<80x64xi32, #tpu.memory_space<vmem>>)
      %add3A_250 = arith.constant 4 : i32
      %add3A_251 = arith.addi %add3A_219, %add3A_250 : i32
      %sub3A_252 = arith.constant 1 : i32
      %sub3A_253 = arith.subi %add3A_251, %sub3A_252 : i32
      %lt3A_254 = arith.constant 125 : i32
      %lt3A_255 = arith.cmpi slt, %sub3A_253, %lt3A_254 : i32
      %convert_element_type3A_256 = arith.extui %lt3A_255 : i1 to i32
      %cond3A_257 = arith.constant 0 : i32
      %cond3A_258 = arith.cmpi ne, %convert_element_type3A_256, %cond3A_257 : i32
      scf.if %cond3A_258 {
        %add3A_319 = arith.constant 4 : i32
        %add3A_320 = arith.addi %add3A_219, %add3A_319 : i32
        %sub3A_321 = arith.constant 1 : i32
        %sub3A_322 = arith.subi %add3A_320, %sub3A_321 : i32
        %dma_start3A_323 = arith.constant 1 : i32
        %dma_start3A_324 = arith.constant 0 : i32
        %dma_start3A_325 = arith.constant 0 : i32
        %dma_start3A_326 = tpu.memref_slice %arg8[%dma_start3A_323, %dma_start3A_324, %dma_start3A_325] : memref<4x80x64xi32, #tpu.memory_space<vmem>> -> memref<1x80x64xi32, #tpu.memory_space<vmem>>
        %dma_start3A_327 = tpu.memref_squeeze %dma_start3A_326 : memref<1x80x64xi32, #tpu.memory_space<vmem>> -> memref<80x64xi32, #tpu.memory_space<vmem>>
        %dma_start3A_328 = arith.constant 0 : i32
        %dma_start3A_329 = tpu.memref_slice %arg6[%sub3A_322, %dma_start3A_328] : memref<125x80xi32, #tpu.memory_space<vmem>> -> memref<1x80xi32, #tpu.memory_space<vmem>>
        %dma_start3A_330 = tpu.memref_squeeze %dma_start3A_329 : memref<1x80xi32, #tpu.memory_space<vmem>> -> memref<80xi32, #tpu.memory_space<vmem>>
        %dma_start3A_331 = arith.constant 0 : i32
        %dma_start3A_332 = arith.constant 0 : i32
        %dma_start3A_333 = tpu.memref_slice %arg2[%dma_start3A_331, %dma_start3A_332] : memref<10000x64xi32, #tpu.memory_space<hbm>> -> memref<10000x64xi32, #tpu.memory_space<hbm>>
        tpu.enqueue_indirect_dma source(%dma_start3A_333 : memref<10000x64xi32, #tpu.memory_space<hbm>>) target(%dma_start3A_327 : memref<80x64xi32, #tpu.memory_space<vmem>>) offsets(%dma_start3A_330 : memref<80xi32, #tpu.memory_space<vmem>>) semaphore(%arg13 : memref<!tpu.dma_semaphore, #tpu.memory_space<semaphore_mem>>)
        %dma_start3A_334 = arith.constant 1 : i32
        %dma_start3A_335 = arith.constant 0 : i32
        %dma_start3A_336 = arith.constant 0 : i32
        %dma_start3A_337 = tpu.memref_slice %arg9[%dma_start3A_334, %dma_start3A_335, %dma_start3A_336] : memref<4x80x64xi32, #tpu.memory_space<vmem>> -> memref<1x80x64xi32, #tpu.memory_space<vmem>>
        %dma_start3A_338 = tpu.memref_squeeze %dma_start3A_337 : memref<1x80x64xi32, #tpu.memory_space<vmem>> -> memref<80x64xi32, #tpu.memory_space<vmem>>
        %dma_start3A_339 = arith.constant 0 : i32
        %dma_start3A_340 = tpu.memref_slice %arg7[%sub3A_322, %dma_start3A_339] : memref<125x80xi32, #tpu.memory_space<vmem>> -> memref<1x80xi32, #tpu.memory_space<vmem>>
        %dma_start3A_341 = tpu.memref_squeeze %dma_start3A_340 : memref<1x80xi32, #tpu.memory_space<vmem>> -> memref<80xi32, #tpu.memory_space<vmem>>
        %dma_start3A_342 = arith.constant 0 : i32
        %dma_start3A_343 = arith.constant 0 : i32
        %dma_start3A_344 = tpu.memref_slice %arg2[%dma_start3A_342, %dma_start3A_343] : memref<10000x64xi32, #tpu.memory_space<hbm>> -> memref<10000x64xi32, #tpu.memory_space<hbm>>
        tpu.enqueue_indirect_dma source(%dma_start3A_344 : memref<10000x64xi32, #tpu.memory_space<hbm>>) target(%dma_start3A_338 : memref<80x64xi32, #tpu.memory_space<vmem>>) offsets(%dma_start3A_341 : memref<80xi32, #tpu.memory_space<vmem>>) semaphore(%arg17 : memref<!tpu.dma_semaphore, #tpu.memory_space<semaphore_mem>>)
      } else {
      }
      %scan3A_259 = arith.constant 2 : i32
      %scan3A_260 = arith.constant 2 : i32
      %scan3A_261 = arith.constant 0 : i32
      %scan3A_262 = arith.constant 0 : i32
      %scan3A_263 = arith.constant 5 : i32
      %scan3A_264 = arith.addi %scan3A_262, %scan3A_263 : i32
      %scan3A_265 = arith.constant 1 : i32
      %scan3A_266 = scf.for %scan3A_319 = %scan3A_262 to %scan3A_264 step %scan3A_265 iter_args(%scan3A_320 = %scan3A_261) -> (i32)  : i32 {
        %mul3A_321 = arith.constant 16 : i32
        %mul3A_322 = arith.muli %scan3A_319, %mul3A_321 : i32
        %scan3A_323 = arith.constant 0 : i32
        %scan3A_324 = arith.constant 0 : i32
        %scan3A_325 = arith.constant 16 : i32
        %scan3A_326 = arith.addi %scan3A_324, %scan3A_325 : i32
        %scan3A_327 = arith.constant 2 : i32
        %scan3A_328 = scf.for %scan3A_416 = %scan3A_324 to %scan3A_326 step %scan3A_327 iter_args(%scan3A_417 = %scan3A_323) -> (i32)  : i32 {
          %add3A_418 = arith.addi %mul3A_322, %scan3A_416 : i32
          %get3A = arith.constant 0 : i32
          %get3A_419 = arith.constant 0 : i32
          %get3A_420 = tpu.memref_slice %arg8[%scan3A_259, %get3A, %get3A_419] : memref<4x80x64xi32, #tpu.memory_space<vmem>> -> memref<1x80x64xi32, #tpu.memory_space<vmem>>
          %get3A_421 = tpu.memref_squeeze %get3A_420 : memref<1x80x64xi32, #tpu.memory_space<vmem>> -> memref<80x64xi32, #tpu.memory_space<vmem>>
          %get3A_422 = arith.index_cast %add3A_418 : i32 to index
          %get3A_423 = arith.constant 0 : index
          %get3A_424 = tpu.vector_load %get3A_421[%get3A_422, %get3A_423] {strides = array<i32>} : memref<80x64xi32, #tpu.memory_space<vmem>>, vector<16xi32>,
          %bitcast3A = vector.bitcast %get3A_424 : vector<16xi32> to vector<32xbf16>
          %get3A_425 = arith.constant 0 : i32
          %get3A_426 = arith.constant 0 : i32
          %get3A_427 = tpu.memref_slice %arg9[%scan3A_260, %get3A_425, %get3A_426] : memref<4x80x64xi32, #tpu.memory_space<vmem>> -> memref<1x80x64xi32, #tpu.memory_space<vmem>>
          %get3A_428 = tpu.memref_squeeze %get3A_427 : memref<1x80x64xi32, #tpu.memory_space<vmem>> -> memref<80x64xi32, #tpu.memory_space<vmem>>
          %get3A_429 = arith.index_cast %add3A_418 : i32 to index
          %get3A_430 = arith.constant 0 : index
          %get3A_431 = tpu.vector_load %get3A_428[%get3A_429, %get3A_430] {strides = array<i32>} : memref<80x64xi32, #tpu.memory_space<vmem>>, vector<16xi32>,
          %bitcast3A_432 = vector.bitcast %get3A_431 : vector<16xi32> to vector<32xbf16>
          %mul3A_433 = arith.mulf %bitcast3A, %bitcast3A_432 : vector<32xbf16>
          %unpack3A = tpu.unpack_subelements %mul3A_433, 0 {pack_format = #tpu.pack_format<interleaved>} : vector<32xbf16> -> vector<16xf32>
          %unpack3A_434 = tpu.unpack_subelements %mul3A_433, 1 {pack_format = #tpu.pack_format<interleaved>} : vector<32xbf16> -> vector<16xf32>
          %get3A_435 = arith.constant 0 : i32
          %get3A_436 = arith.constant 0 : i32
          %get3A_437 = tpu.memref_slice %arg8[%scan3A_259, %get3A_435, %get3A_436] : memref<4x80x64xi32, #tpu.memory_space<vmem>> -> memref<1x80x64xi32, #tpu.memory_space<vmem>>
          %get3A_438 = tpu.memref_squeeze %get3A_437 : memref<1x80x64xi32, #tpu.memory_space<vmem>> -> memref<80x64xi32, #tpu.memory_space<vmem>>
          %get3A_439 = arith.index_cast %add3A_418 : i32 to index
          %get3A_440 = arith.constant 16 : index
          %get3A_441 = tpu.vector_load %get3A_438[%get3A_439, %get3A_440] {strides = array<i32>} : memref<80x64xi32, #tpu.memory_space<vmem>>, vector<16xi32>,
          %bitcast3A_442 = vector.bitcast %get3A_441 : vector<16xi32> to vector<32xbf16>
          %get3A_443 = arith.constant 0 : i32
          %get3A_444 = arith.constant 0 : i32
          %get3A_445 = tpu.memref_slice %arg9[%scan3A_260, %get3A_443, %get3A_444] : memref<4x80x64xi32, #tpu.memory_space<vmem>> -> memref<1x80x64xi32, #tpu.memory_space<vmem>>
          %get3A_446 = tpu.memref_squeeze %get3A_445 : memref<1x80x64xi32, #tpu.memory_space<vmem>> -> memref<80x64xi32, #tpu.memory_space<vmem>>
          %get3A_447 = arith.index_cast %add3A_418 : i32 to index
          %get3A_448 = arith.constant 16 : index
          %get3A_449 = tpu.vector_load %get3A_446[%get3A_447, %get3A_448] {strides = array<i32>} : memref<80x64xi32, #tpu.memory_space<vmem>>, vector<16xi32>,
          %bitcast3A_450 = vector.bitcast %get3A_449 : vector<16xi32> to vector<32xbf16>
          %mul3A_451 = arith.mulf %bitcast3A_442, %bitcast3A_450 : vector<32xbf16>
          %unpack3A_452 = tpu.unpack_subelements %mul3A_451, 0 {pack_format = #tpu.pack_format<interleaved>} : vector<32xbf16> -> vector<16xf32>
          %unpack3A_453 = tpu.unpack_subelements %mul3A_451, 1 {pack_format = #tpu.pack_format<interleaved>} : vector<32xbf16> -> vector<16xf32>
          %get3A_454 = arith.constant 0 : i32
          %get3A_455 = arith.constant 0 : i32
          %get3A_456 = tpu.memref_slice %arg8[%scan3A_259, %get3A_454, %get3A_455] : memref<4x80x64xi32, #tpu.memory_space<vmem>> -> memref<1x80x64xi32, #tpu.memory_space<vmem>>
          %get3A_457 = tpu.memref_squeeze %get3A_456 : memref<1x80x64xi32, #tpu.memory_space<vmem>> -> memref<80x64xi32, #tpu.memory_space<vmem>>
          %get3A_458 = arith.index_cast %add3A_418 : i32 to index
          %get3A_459 = arith.constant 32 : index
          %get3A_460 = tpu.vector_load %get3A_457[%get3A_458, %get3A_459] {strides = array<i32>} : memref<80x64xi32, #tpu.memory_space<vmem>>, vector<16xi32>,
          %bitcast3A_461 = vector.bitcast %get3A_460 : vector<16xi32> to vector<32xbf16>
          %get3A_462 = arith.constant 0 : i32
          %get3A_463 = arith.constant 0 : i32
          %get3A_464 = tpu.memref_slice %arg9[%scan3A_260, %get3A_462, %get3A_463] : memref<4x80x64xi32, #tpu.memory_space<vmem>> -> memref<1x80x64xi32, #tpu.memory_space<vmem>>
          %get3A_465 = tpu.memref_squeeze %get3A_464 : memref<1x80x64xi32, #tpu.memory_space<vmem>> -> memref<80x64xi32, #tpu.memory_space<vmem>>
          %get3A_466 = arith.index_cast %add3A_418 : i32 to index
          %get3A_467 = arith.constant 32 : index
          %get3A_468 = tpu.vector_load %get3A_465[%get3A_466, %get3A_467] {strides = array<i32>} : memref<80x64xi32, #tpu.memory_space<vmem>>, vector<16xi32>,
          %bitcast3A_469 = vector.bitcast %get3A_468 : vector<16xi32> to vector<32xbf16>
          %mul3A_470 = arith.mulf %bitcast3A_461, %bitcast3A_469 : vector<32xbf16>
          %unpack3A_471 = tpu.unpack_subelements %mul3A_470, 0 {pack_format = #tpu.pack_format<interleaved>} : vector<32xbf16> -> vector<16xf32>
          %unpack3A_472 = tpu.unpack_subelements %mul3A_470, 1 {pack_format = #tpu.pack_format<interleaved>} : vector<32xbf16> -> vector<16xf32>
          %get3A_473 = arith.constant 0 : i32
          %get3A_474 = arith.constant 0 : i32
          %get3A_475 = tpu.memref_slice %arg8[%scan3A_259, %get3A_473, %get3A_474] : memref<4x80x64xi32, #tpu.memory_space<vmem>> -> memref<1x80x64xi32, #tpu.memory_space<vmem>>
          %get3A_476 = tpu.memref_squeeze %get3A_475 : memref<1x80x64xi32, #tpu.memory_space<vmem>> -> memref<80x64xi32, #tpu.memory_space<vmem>>
          %get3A_477 = arith.index_cast %add3A_418 : i32 to index
          %get3A_478 = arith.constant 48 : index
          %get3A_479 = tpu.vector_load %get3A_476[%get3A_477, %get3A_478] {strides = array<i32>} : memref<80x64xi32, #tpu.memory_space<vmem>>, vector<16xi32>,
          %bitcast3A_480 = vector.bitcast %get3A_479 : vector<16xi32> to vector<32xbf16>
          %get3A_481 = arith.constant 0 : i32
          %get3A_482 = arith.constant 0 : i32
          %get3A_483 = tpu.memref_slice %arg9[%scan3A_260, %get3A_481, %get3A_482] : memref<4x80x64xi32, #tpu.memory_space<vmem>> -> memref<1x80x64xi32, #tpu.memory_space<vmem>>
          %get3A_484 = tpu.memref_squeeze %get3A_483 : memref<1x80x64xi32, #tpu.memory_space<vmem>> -> memref<80x64xi32, #tpu.memory_space<vmem>>
          %get3A_485 = arith.index_cast %add3A_418 : i32 to index
          %get3A_486 = arith.constant 48 : index
          %get3A_487 = tpu.vector_load %get3A_484[%get3A_485, %get3A_486] {strides = array<i32>} : memref<80x64xi32, #tpu.memory_space<vmem>>, vector<16xi32>,
          %bitcast3A_488 = vector.bitcast %get3A_487 : vector<16xi32> to vector<32xbf16>
          %mul3A_489 = arith.mulf %bitcast3A_480, %bitcast3A_488 : vector<32xbf16>
          %unpack3A_490 = tpu.unpack_subelements %mul3A_489, 0 {pack_format = #tpu.pack_format<interleaved>} : vector<32xbf16> -> vector<16xf32>
          %unpack3A_491 = tpu.unpack_subelements %mul3A_489, 1 {pack_format = #tpu.pack_format<interleaved>} : vector<32xbf16> -> vector<16xf32>
          %add3A_492 = arith.addf %unpack3A, %unpack3A_434 : vector<16xf32>
          %add3A_493 = arith.addf %unpack3A_452, %unpack3A_453 : vector<16xf32>
          %add3A_494 = arith.addf %unpack3A_471, %unpack3A_472 : vector<16xf32>
          %add3A_495 = arith.addf %unpack3A_490, %unpack3A_491 : vector<16xf32>
          %add3A_496 = arith.addf %add3A_492, %add3A_493 : vector<16xf32>
          %add3A_497 = arith.addf %add3A_494, %add3A_495 : vector<16xf32>
          %add3A_498 = arith.addf %add3A_496, %add3A_497 : vector<16xf32>
          %mul3A_499 = arith.constant 16 : i32
          %mul3A_500 = arith.muli %scan3A_416, %mul3A_499 : i32
          %swap3A_501 = arith.index_cast %mul3A_500 : i32 to index
          %swap3A_502 = tpu.vector_load %arg11[%swap3A_501] {strides = array<i32>} : memref<256xf32, #tpu.memory_space<vmem>>, vector<16xf32>,
          tpu.vector_store %arg11[%swap3A_501], %add3A_498 {strides = array<i32>} : memref<256xf32, #tpu.memory_space<vmem>>, vector<16xf32>,
          %scan3A_503 = arith.constant 0 : i32
          %scan3A_504 = arith.constant 1 : i32
          %scan3A_505 = arith.addi %scan3A_416, %scan3A_504 : i32
          %add3A_506 = arith.addi %mul3A_322, %scan3A_505 : i32
          %get3A_507 = arith.constant 0 : i32
          %get3A_508 = arith.constant 0 : i32
          %get3A_509 = tpu.memref_slice %arg8[%scan3A_259, %get3A_507, %get3A_508] : memref<4x80x64xi32, #tpu.memory_space<vmem>> -> memref<1x80x64xi32, #tpu.memory_space<vmem>>
          %get3A_510 = tpu.memref_squeeze %get3A_509 : memref<1x80x64xi32, #tpu.memory_space<vmem>> -> memref<80x64xi32, #tpu.memory_space<vmem>>
          %get3A_511 = arith.index_cast %add3A_506 : i32 to index
          %get3A_512 = arith.constant 0 : index
          %get3A_513 = tpu.vector_load %get3A_510[%get3A_511, %get3A_512] {strides = array<i32>} : memref<80x64xi32, #tpu.memory_space<vmem>>, vector<16xi32>,
          %bitcast3A_514 = vector.bitcast %get3A_513 : vector<16xi32> to vector<32xbf16>
          %get3A_515 = arith.constant 0 : i32
          %get3A_516 = arith.constant 0 : i32
          %get3A_517 = tpu.memref_slice %arg9[%scan3A_260, %get3A_515, %get3A_516] : memref<4x80x64xi32, #tpu.memory_space<vmem>> -> memref<1x80x64xi32, #tpu.memory_space<vmem>>
          %get3A_518 = tpu.memref_squeeze %get3A_517 : memref<1x80x64xi32, #tpu.memory_space<vmem>> -> memref<80x64xi32, #tpu.memory_space<vmem>>
          %get3A_519 = arith.index_cast %add3A_506 : i32 to index
          %get3A_520 = arith.constant 0 : index
          %get3A_521 = tpu.vector_load %get3A_518[%get3A_519, %get3A_520] {strides = array<i32>} : memref<80x64xi32, #tpu.memory_space<vmem>>, vector<16xi32>,
          %bitcast3A_522 = vector.bitcast %get3A_521 : vector<16xi32> to vector<32xbf16>
          %mul3A_523 = arith.mulf %bitcast3A_514, %bitcast3A_522 : vector<32xbf16>
          %unpack3A_524 = tpu.unpack_subelements %mul3A_523, 0 {pack_format = #tpu.pack_format<interleaved>} : vector<32xbf16> -> vector<16xf32>
          %unpack3A_525 = tpu.unpack_subelements %mul3A_523, 1 {pack_format = #tpu.pack_format<interleaved>} : vector<32xbf16> -> vector<16xf32>
          %get3A_526 = arith.constant 0 : i32
          %get3A_527 = arith.constant 0 : i32
          %get3A_528 = tpu.memref_slice %arg8[%scan3A_259, %get3A_526, %get3A_527] : memref<4x80x64xi32, #tpu.memory_space<vmem>> -> memref<1x80x64xi32, #tpu.memory_space<vmem>>
          %get3A_529 = tpu.memref_squeeze %get3A_528 : memref<1x80x64xi32, #tpu.memory_space<vmem>> -> memref<80x64xi32, #tpu.memory_space<vmem>>
          %get3A_530 = arith.index_cast %add3A_506 : i32 to index
          %get3A_531 = arith.constant 16 : index
          %get3A_532 = tpu.vector_load %get3A_529[%get3A_530, %get3A_531] {strides = array<i32>} : memref<80x64xi32, #tpu.memory_space<vmem>>, vector<16xi32>,
          %bitcast3A_533 = vector.bitcast %get3A_532 : vector<16xi32> to vector<32xbf16>
          %get3A_534 = arith.constant 0 : i32
          %get3A_535 = arith.constant 0 : i32
          %get3A_536 = tpu.memref_slice %arg9[%scan3A_260, %get3A_534, %get3A_535] : memref<4x80x64xi32, #tpu.memory_space<vmem>> -> memref<1x80x64xi32, #tpu.memory_space<vmem>>
          %get3A_537 = tpu.memref_squeeze %get3A_536 : memref<1x80x64xi32, #tpu.memory_space<vmem>> -> memref<80x64xi32, #tpu.memory_space<vmem>>
          %get3A_538 = arith.index_cast %add3A_506 : i32 to index
          %get3A_539 = arith.constant 16 : index
          %get3A_540 = tpu.vector_load %get3A_537[%get3A_538, %get3A_539] {strides = array<i32>} : memref<80x64xi32, #tpu.memory_space<vmem>>, vector<16xi32>,
          %bitcast3A_541 = vector.bitcast %get3A_540 : vector<16xi32> to vector<32xbf16>
          %mul3A_542 = arith.mulf %bitcast3A_533, %bitcast3A_541 : vector<32xbf16>
          %unpack3A_543 = tpu.unpack_subelements %mul3A_542, 0 {pack_format = #tpu.pack_format<interleaved>} : vector<32xbf16> -> vector<16xf32>
          %unpack3A_544 = tpu.unpack_subelements %mul3A_542, 1 {pack_format = #tpu.pack_format<interleaved>} : vector<32xbf16> -> vector<16xf32>
          %get3A_545 = arith.constant 0 : i32
          %get3A_546 = arith.constant 0 : i32
          %get3A_547 = tpu.memref_slice %arg8[%scan3A_259, %get3A_545, %get3A_546] : memref<4x80x64xi32, #tpu.memory_space<vmem>> -> memref<1x80x64xi32, #tpu.memory_space<vmem>>
          %get3A_548 = tpu.memref_squeeze %get3A_547 : memref<1x80x64xi32, #tpu.memory_space<vmem>> -> memref<80x64xi32, #tpu.memory_space<vmem>>
          %get3A_549 = arith.index_cast %add3A_506 : i32 to index
          %get3A_550 = arith.constant 32 : index
          %get3A_551 = tpu.vector_load %get3A_548[%get3A_549, %get3A_550] {strides = array<i32>} : memref<80x64xi32, #tpu.memory_space<vmem>>, vector<16xi32>,
          %bitcast3A_552 = vector.bitcast %get3A_551 : vector<16xi32> to vector<32xbf16>
          %get3A_553 = arith.constant 0 : i32
          %get3A_554 = arith.constant 0 : i32
          %get3A_555 = tpu.memref_slice %arg9[%scan3A_260, %get3A_553, %get3A_554] : memref<4x80x64xi32, #tpu.memory_space<vmem>> -> memref<1x80x64xi32, #tpu.memory_space<vmem>>
          %get3A_556 = tpu.memref_squeeze %get3A_555 : memref<1x80x64xi32, #tpu.memory_space<vmem>> -> memref<80x64xi32, #tpu.memory_space<vmem>>
          %get3A_557 = arith.index_cast %add3A_506 : i32 to index
          %get3A_558 = arith.constant 32 : index
          %get3A_559 = tpu.vector_load %get3A_556[%get3A_557, %get3A_558] {strides = array<i32>} : memref<80x64xi32, #tpu.memory_space<vmem>>, vector<16xi32>,
          %bitcast3A_560 = vector.bitcast %get3A_559 : vector<16xi32> to vector<32xbf16>
          %mul3A_561 = arith.mulf %bitcast3A_552, %bitcast3A_560 : vector<32xbf16>
          %unpack3A_562 = tpu.unpack_subelements %mul3A_561, 0 {pack_format = #tpu.pack_format<interleaved>} : vector<32xbf16> -> vector<16xf32>
          %unpack3A_563 = tpu.unpack_subelements %mul3A_561, 1 {pack_format = #tpu.pack_format<interleaved>} : vector<32xbf16> -> vector<16xf32>
          %get3A_564 = arith.constant 0 : i32
          %get3A_565 = arith.constant 0 : i32
          %get3A_566 = tpu.memref_slice %arg8[%scan3A_259, %get3A_564, %get3A_565] : memref<4x80x64xi32, #tpu.memory_space<vmem>> -> memref<1x80x64xi32, #tpu.memory_space<vmem>>
          %get3A_567 = tpu.memref_squeeze %get3A_566 : memref<1x80x64xi32, #tpu.memory_space<vmem>> -> memref<80x64xi32, #tpu.memory_space<vmem>>
          %get3A_568 = arith.index_cast %add3A_506 : i32 to index
          %get3A_569 = arith.constant 48 : index
          %get3A_570 = tpu.vector_load %get3A_567[%get3A_568, %get3A_569] {strides = array<i32>} : memref<80x64xi32, #tpu.memory_space<vmem>>, vector<16xi32>,
          %bitcast3A_571 = vector.bitcast %get3A_570 : vector<16xi32> to vector<32xbf16>
          %get3A_572 = arith.constant 0 : i32
          %get3A_573 = arith.constant 0 : i32
          %get3A_574 = tpu.memref_slice %arg9[%scan3A_260, %get3A_572, %get3A_573] : memref<4x80x64xi32, #tpu.memory_space<vmem>> -> memref<1x80x64xi32, #tpu.memory_space<vmem>>
          %get3A_575 = tpu.memref_squeeze %get3A_574 : memref<1x80x64xi32, #tpu.memory_space<vmem>> -> memref<80x64xi32, #tpu.memory_space<vmem>>
          %get3A_576 = arith.index_cast %add3A_506 : i32 to index
          %get3A_577 = arith.constant 48 : index
          %get3A_578 = tpu.vector_load %get3A_575[%get3A_576, %get3A_577] {strides = array<i32>} : memref<80x64xi32, #tpu.memory_space<vmem>>, vector<16xi32>,
          %bitcast3A_579 = vector.bitcast %get3A_578 : vector<16xi32> to vector<32xbf16>
          %mul3A_580 = arith.mulf %bitcast3A_571, %bitcast3A_579 : vector<32xbf16>
          %unpack3A_581 = tpu.unpack_subelements %mul3A_580, 0 {pack_format = #tpu.pack_format<interleaved>} : vector<32xbf16> -> vector<16xf32>
          %unpack3A_582 = tpu.unpack_subelements %mul3A_580, 1 {pack_format = #tpu.pack_format<interleaved>} : vector<32xbf16> -> vector<16xf32>
          %add3A_583 = arith.addf %unpack3A_524, %unpack3A_525 : vector<16xf32>
          %add3A_584 = arith.addf %unpack3A_543, %unpack3A_544 : vector<16xf32>
          %add3A_585 = arith.addf %unpack3A_562, %unpack3A_563 : vector<16xf32>
          %add3A_586 = arith.addf %unpack3A_581, %unpack3A_582 : vector<16xf32>
          %add3A_587 = arith.addf %add3A_583, %add3A_584 : vector<16xf32>
          %add3A_588 = arith.addf %add3A_585, %add3A_586 : vector<16xf32>
          %add3A_589 = arith.addf %add3A_587, %add3A_588 : vector<16xf32>
          %mul3A_590 = arith.constant 16 : i32
          %mul3A_591 = arith.muli %scan3A_505, %mul3A_590 : i32
          %swap3A_592 = arith.index_cast %mul3A_591 : i32 to index
          %swap3A_593 = tpu.vector_load %arg11[%swap3A_592] {strides = array<i32>} : memref<256xf32, #tpu.memory_space<vmem>>, vector<16xf32>,
          tpu.vector_store %arg11[%swap3A_592], %add3A_589 {strides = array<i32>} : memref<256xf32, #tpu.memory_space<vmem>>, vector<16xf32>,
          %scan3A_594 = arith.constant 0 : i32
          scf.yield %scan3A_594 : i32
        }
        %scan3A_329 = arith.constant 16 : i32
        %iota3A = tpu.iota {dimensions = array<i32: 0>} : vector<16xi32>
        %mul3A_330 = arith.constant 16 : i32
        %mul3A_331 = vector.broadcast %mul3A_330 : i32 to vector<16xi32>
        %mul3A_332 = arith.muli %iota3A, %mul3A_331 : vector<16xi32>
        %add3A_333 = arith.constant 0 : i32
        %add3A_334 = vector.broadcast %add3A_333 : i32 to vector<16xi32>
        %add3A_335 = arith.addi %mul3A_332, %add3A_334 : vector<16xi32>
        %gather3A = tpu.vector_load_idx %arg11[%add3A_335] : memref<256xf32, #tpu.memory_space<vmem>>[vector<16xi32>], vector<16xf32>,
        %add3A_336 = arith.constant 1 : i32
        %add3A_337 = vector.broadcast %add3A_336 : i32 to vector<16xi32>
        %add3A_338 = arith.addi %mul3A_332, %add3A_337 : vector<16xi32>
        %gather3A_339 = tpu.vector_load_idx %arg11[%add3A_338] : memref<256xf32, #tpu.memory_space<vmem>>[vector<16xi32>], vector<16xf32>,
        %add3A_340 = arith.constant 2 : i32
        %add3A_341 = vector.broadcast %add3A_340 : i32 to vector<16xi32>
        %add3A_342 = arith.addi %mul3A_332, %add3A_341 : vector<16xi32>
        %gather3A_343 = tpu.vector_load_idx %arg11[%add3A_342] : memref<256xf32, #tpu.memory_space<vmem>>[vector<16xi32>], vector<16xf32>,
        %add3A_344 = arith.constant 3 : i32
        %add3A_345 = vector.broadcast %add3A_344 : i32 to vector<16xi32>
        %add3A_346 = arith.addi %mul3A_332, %add3A_345 : vector<16xi32>
        %gather3A_347 = tpu.vector_load_idx %arg11[%add3A_346] : memref<256xf32, #tpu.memory_space<vmem>>[vector<16xi32>], vector<16xf32>,
        %add3A_348 = arith.constant 4 : i32
        %add3A_349 = vector.broadcast %add3A_348 : i32 to vector<16xi32>
        %add3A_350 = arith.addi %mul3A_332, %add3A_349 : vector<16xi32>
        %gather3A_351 = tpu.vector_load_idx %arg11[%add3A_350] : memref<256xf32, #tpu.memory_space<vmem>>[vector<16xi32>], vector<16xf32>,
        %add3A_352 = arith.constant 5 : i32
        %add3A_353 = vector.broadcast %add3A_352 : i32 to vector<16xi32>
        %add3A_354 = arith.addi %mul3A_332, %add3A_353 : vector<16xi32>
        %gather3A_355 = tpu.vector_load_idx %arg11[%add3A_354] : memref<256xf32, #tpu.memory_space<vmem>>[vector<16xi32>], vector<16xf32>,
        %add3A_356 = arith.constant 6 : i32
        %add3A_357 = vector.broadcast %add3A_356 : i32 to vector<16xi32>
        %add3A_358 = arith.addi %mul3A_332, %add3A_357 : vector<16xi32>
        %gather3A_359 = tpu.vector_load_idx %arg11[%add3A_358] : memref<256xf32, #tpu.memory_space<vmem>>[vector<16xi32>], vector<16xf32>,
        %add3A_360 = arith.constant 7 : i32
        %add3A_361 = vector.broadcast %add3A_360 : i32 to vector<16xi32>
        %add3A_362 = arith.addi %mul3A_332, %add3A_361 : vector<16xi32>
        %gather3A_363 = tpu.vector_load_idx %arg11[%add3A_362] : memref<256xf32, #tpu.memory_space<vmem>>[vector<16xi32>], vector<16xf32>,
        %add3A_364 = arith.constant 8 : i32
        %add3A_365 = vector.broadcast %add3A_364 : i32 to vector<16xi32>
        %add3A_366 = arith.addi %mul3A_332, %add3A_365 : vector<16xi32>
        %gather3A_367 = tpu.vector_load_idx %arg11[%add3A_366] : memref<256xf32, #tpu.memory_space<vmem>>[vector<16xi32>], vector<16xf32>,
        %add3A_368 = arith.constant 9 : i32
        %add3A_369 = vector.broadcast %add3A_368 : i32 to vector<16xi32>
        %add3A_370 = arith.addi %mul3A_332, %add3A_369 : vector<16xi32>
        %gather3A_371 = tpu.vector_load_idx %arg11[%add3A_370] : memref<256xf32, #tpu.memory_space<vmem>>[vector<16xi32>], vector<16xf32>,
        %add3A_372 = arith.constant 10 : i32
        %add3A_373 = vector.broadcast %add3A_372 : i32 to vector<16xi32>
        %add3A_374 = arith.addi %mul3A_332, %add3A_373 : vector<16xi32>
        %gather3A_375 = tpu.vector_load_idx %arg11[%add3A_374] : memref<256xf32, #tpu.memory_space<vmem>>[vector<16xi32>], vector<16xf32>,
        %add3A_376 = arith.constant 11 : i32
        %add3A_377 = vector.broadcast %add3A_376 : i32 to vector<16xi32>
        %add3A_378 = arith.addi %mul3A_332, %add3A_377 : vector<16xi32>
        %gather3A_379 = tpu.vector_load_idx %arg11[%add3A_378] : memref<256xf32, #tpu.memory_space<vmem>>[vector<16xi32>], vector<16xf32>,
        %add3A_380 = arith.constant 12 : i32
        %add3A_381 = vector.broadcast %add3A_380 : i32 to vector<16xi32>
        %add3A_382 = arith.addi %mul3A_332, %add3A_381 : vector<16xi32>
        %gather3A_383 = tpu.vector_load_idx %arg11[%add3A_382] : memref<256xf32, #tpu.memory_space<vmem>>[vector<16xi32>], vector<16xf32>,
        %add3A_384 = arith.constant 13 : i32
        %add3A_385 = vector.broadcast %add3A_384 : i32 to vector<16xi32>
        %add3A_386 = arith.addi %mul3A_332, %add3A_385 : vector<16xi32>
        %gather3A_387 = tpu.vector_load_idx %arg11[%add3A_386] : memref<256xf32, #tpu.memory_space<vmem>>[vector<16xi32>], vector<16xf32>,
        %add3A_388 = arith.constant 14 : i32
        %add3A_389 = vector.broadcast %add3A_388 : i32 to vector<16xi32>
        %add3A_390 = arith.addi %mul3A_332, %add3A_389 : vector<16xi32>
        %gather3A_391 = tpu.vector_load_idx %arg11[%add3A_390] : memref<256xf32, #tpu.memory_space<vmem>>[vector<16xi32>], vector<16xf32>,
        %add3A_392 = arith.constant 15 : i32
        %add3A_393 = vector.broadcast %add3A_392 : i32 to vector<16xi32>
        %add3A_394 = arith.addi %mul3A_332, %add3A_393 : vector<16xi32>
        %gather3A_395 = tpu.vector_load_idx %arg11[%add3A_394] : memref<256xf32, #tpu.memory_space<vmem>>[vector<16xi32>], vector<16xf32>,
        %add3A_396 = arith.addf %gather3A, %gather3A_339 : vector<16xf32>
        %add3A_397 = arith.addf %gather3A_343, %gather3A_347 : vector<16xf32>
        %add3A_398 = arith.addf %gather3A_351, %gather3A_355 : vector<16xf32>
        %add3A_399 = arith.addf %gather3A_359, %gather3A_363 : vector<16xf32>
        %add3A_400 = arith.addf %gather3A_367, %gather3A_371 : vector<16xf32>
        %add3A_401 = arith.addf %gather3A_375, %gather3A_379 : vector<16xf32>
        %add3A_402 = arith.addf %gather3A_383, %gather3A_387 : vector<16xf32>
        %add3A_403 = arith.addf %gather3A_391, %gather3A_395 : vector<16xf32>
        %add3A_404 = arith.addf %add3A_396, %add3A_397 : vector<16xf32>
        %add3A_405 = arith.addf %add3A_398, %add3A_399 : vector<16xf32>
        %add3A_406 = arith.addf %add3A_400, %add3A_401 : vector<16xf32>
        %add3A_407 = arith.addf %add3A_402, %add3A_403 : vector<16xf32>
        %add3A_408 = arith.addf %add3A_404, %add3A_405 : vector<16xf32>
        %add3A_409 = arith.addf %add3A_406, %add3A_407 : vector<16xf32>
        %add3A_410 = arith.addf %add3A_408, %add3A_409 : vector<16xf32>
        %mul3A_411 = arith.constant 80 : i32
        %mul3A_412 = arith.muli %add3A_219, %mul3A_411 : i32
        %add3A_413 = arith.addi %mul3A_412, %mul3A_322 : i32
        %swap3A = arith.index_cast %add3A_413 : i32 to index
        %swap3A_414 = tpu.vector_load %arg10[%swap3A] {strides = array<i32>} : memref<10000xf32, #tpu.memory_space<vmem>>, vector<16xf32>,
        tpu.vector_store %arg10[%swap3A], %add3A_410 {strides = array<i32>} : memref<10000xf32, #tpu.memory_space<vmem>>, vector<16xf32>,
        %scan3A_415 = arith.constant 0 : i32
        scf.yield %scan3A_415 : i32
      }
      %scan3A_267 = arith.constant 5 : i32
      %add3A_268 = arith.constant 3 : i32
      %add3A_269 = arith.addi %mul3A_121, %add3A_268 : i32
      %dma_wait3A_270 = arith.constant 3 : i32
      %dma_wait3A_271 = arith.constant 0 : i32
      %dma_wait3A_272 = arith.constant 0 : i32
      %dma_wait3A_273 = tpu.memref_slice %arg8[%dma_wait3A_270, %dma_wait3A_271, %dma_wait3A_272] : memref<4x80x64xi32, #tpu.memory_space<vmem>> -> memref<1x80x64xi32, #tpu.memory_space<vmem>>
      %dma_wait3A_274 = tpu.memref_squeeze %dma_wait3A_273 : memref<1x80x64xi32, #tpu.memory_space<vmem>> -> memref<80x64xi32, #tpu.memory_space<vmem>>
      %dma_wait3A_275 = arith.constant 0 : i32
      %dma_wait3A_276 = arith.constant 0 : i32
      %dma_wait3A_277 = tpu.memref_slice %arg2[%dma_wait3A_275, %dma_wait3A_276] : memref<10000x64xi32, #tpu.memory_space<hbm>> -> memref<80x64xi32, #tpu.memory_space<hbm>>
      %dma_wait3A_278 = arith.constant 0 : i32
      %dma_wait3A_279 = arith.constant 0 : i32
      %dma_wait3A_280 = tpu.memref_slice %arg8[%dma_wait3A_270, %dma_wait3A_278, %dma_wait3A_279] : memref<4x80x64xi32, #tpu.memory_space<vmem>> -> memref<1x80x64xi32, #tpu.memory_space<vmem>>
      %dma_wait3A_281 = tpu.memref_squeeze %dma_wait3A_280 : memref<1x80x64xi32, #tpu.memory_space<vmem>> -> memref<80x64xi32, #tpu.memory_space<vmem>>
      %dma_wait3A_282 = arith.constant 0 : i32
      %dma_wait3A_283 = arith.constant 0 : i32
      %dma_wait3A_284 = tpu.memref_slice %arg2[%dma_wait3A_282, %dma_wait3A_283] : memref<10000x64xi32, #tpu.memory_space<hbm>> -> memref<80x64xi32, #tpu.memory_space<hbm>>
      tpu.wait_dma2 semaphore(%arg15 : memref<!tpu.dma_semaphore, #tpu.memory_space<semaphore_mem>>) src(%dma_wait3A_284 : memref<80x64xi32, #tpu.memory_space<hbm>>) dst(%dma_wait3A_281 : memref<80x64xi32, #tpu.memory_space<vmem>>)
      %dma_wait3A_285 = arith.constant 3 : i32
      %dma_wait3A_286 = arith.constant 0 : i32
      %dma_wait3A_287 = arith.constant 0 : i32
      %dma_wait3A_288 = tpu.memref_slice %arg9[%dma_wait3A_285, %dma_wait3A_286, %dma_wait3A_287] : memref<4x80x64xi32, #tpu.memory_space<vmem>> -> memref<1x80x64xi32, #tpu.memory_space<vmem>>
      %dma_wait3A_289 = tpu.memref_squeeze %dma_wait3A_288 : memref<1x80x64xi32, #tpu.memory_space<vmem>> -> memref<80x64xi32, #tpu.memory_space<vmem>>
      %dma_wait3A_290 = arith.constant 0 : i32
      %dma_wait3A_291 = arith.constant 0 : i32
      %dma_wait3A_292 = tpu.memref_slice %arg2[%dma_wait3A_290, %dma_wait3A_291] : memref<10000x64xi32, #tpu.memory_space<hbm>> -> memref<80x64xi32, #tpu.memory_space<hbm>>
      %dma_wait3A_293 = arith.constant 0 : i32
      %dma_wait3A_294 = arith.constant 0 : i32
      %dma_wait3A_295 = tpu.memref_slice %arg9[%dma_wait3A_285, %dma_wait3A_293, %dma_wait3A_294] : memref<4x80x64xi32, #tpu.memory_space<vmem>> -> memref<1x80x64xi32, #tpu.memory_space<vmem>>
      %dma_wait3A_296 = tpu.memref_squeeze %dma_wait3A_295 : memref<1x80x64xi32, #tpu.memory_space<vmem>> -> memref<80x64xi32, #tpu.memory_space<vmem>>
      %dma_wait3A_297 = arith.constant 0 : i32
      %dma_wait3A_298 = arith.constant 0 : i32
      %dma_wait3A_299 = tpu.memref_slice %arg2[%dma_wait3A_297, %dma_wait3A_298] : memref<10000x64xi32, #tpu.memory_space<hbm>> -> memref<80x64xi32, #tpu.memory_space<hbm>>
      tpu.wait_dma2 semaphore(%arg19 : memref<!tpu.dma_semaphore, #tpu.memory_space<semaphore_mem>>) src(%dma_wait3A_299 : memref<80x64xi32, #tpu.memory_space<hbm>>) dst(%dma_wait3A_296 : memref<80x64xi32, #tpu.memory_space<vmem>>)
      %add3A_300 = arith.constant 4 : i32
      %add3A_301 = arith.addi %add3A_269, %add3A_300 : i32
      %sub3A_302 = arith.constant 1 : i32
      %sub3A_303 = arith.subi %add3A_301, %sub3A_302 : i32
      %lt3A_304 = arith.constant 125 : i32
      %lt3A_305 = arith.cmpi slt, %sub3A_303, %lt3A_304 : i32
      %convert_element_type3A_306 = arith.extui %lt3A_305 : i1 to i32
      %cond3A_307 = arith.constant 0 : i32
      %cond3A_308 = arith.cmpi ne, %convert_element_type3A_306, %cond3A_307 : i32
      scf.if %cond3A_308 {
        %add3A_319 = arith.constant 4 : i32
        %add3A_320 = arith.addi %add3A_269, %add3A_319 : i32
        %sub3A_321 = arith.constant 1 : i32
        %sub3A_322 = arith.subi %add3A_320, %sub3A_321 : i32
        %dma_start3A_323 = arith.constant 2 : i32
        %dma_start3A_324 = arith.constant 0 : i32
        %dma_start3A_325 = arith.constant 0 : i32
        %dma_start3A_326 = tpu.memref_slice %arg8[%dma_start3A_323, %dma_start3A_324, %dma_start3A_325] : memref<4x80x64xi32, #tpu.memory_space<vmem>> -> memref<1x80x64xi32, #tpu.memory_space<vmem>>
        %dma_start3A_327 = tpu.memref_squeeze %dma_start3A_326 : memref<1x80x64xi32, #tpu.memory_space<vmem>> -> memref<80x64xi32, #tpu.memory_space<vmem>>
        %dma_start3A_328 = arith.constant 0 : i32
        %dma_start3A_329 = tpu.memref_slice %arg6[%sub3A_322, %dma_start3A_328] : memref<125x80xi32, #tpu.memory_space<vmem>> -> memref<1x80xi32, #tpu.memory_space<vmem>>
        %dma_start3A_330 = tpu.memref_squeeze %dma_start3A_329 : memref<1x80xi32, #tpu.memory_space<vmem>> -> memref<80xi32, #tpu.memory_space<vmem>>
        %dma_start3A_331 = arith.constant 0 : i32
        %dma_start3A_332 = arith.constant 0 : i32
        %dma_start3A_333 = tpu.memref_slice %arg2[%dma_start3A_331, %dma_start3A_332] : memref<10000x64xi32, #tpu.memory_space<hbm>> -> memref<10000x64xi32, #tpu.memory_space<hbm>>
        tpu.enqueue_indirect_dma source(%dma_start3A_333 : memref<10000x64xi32, #tpu.memory_space<hbm>>) target(%dma_start3A_327 : memref<80x64xi32, #tpu.memory_space<vmem>>) offsets(%dma_start3A_330 : memref<80xi32, #tpu.memory_space<vmem>>) semaphore(%arg14 : memref<!tpu.dma_semaphore, #tpu.memory_space<semaphore_mem>>)
        %dma_start3A_334 = arith.constant 2 : i32
        %dma_start3A_335 = arith.constant 0 : i32
        %dma_start3A_336 = arith.constant 0 : i32
        %dma_start3A_337 = tpu.memref_slice %arg9[%dma_start3A_334, %dma_start3A_335, %dma_start3A_336] : memref<4x80x64xi32, #tpu.memory_space<vmem>> -> memref<1x80x64xi32, #tpu.memory_space<vmem>>
        %dma_start3A_338 = tpu.memref_squeeze %dma_start3A_337 : memref<1x80x64xi32, #tpu.memory_space<vmem>> -> memref<80x64xi32, #tpu.memory_space<vmem>>
        %dma_start3A_339 = arith.constant 0 : i32
        %dma_start3A_340 = tpu.memref_slice %arg7[%sub3A_322, %dma_start3A_339] : memref<125x80xi32, #tpu.memory_space<vmem>> -> memref<1x80xi32, #tpu.memory_space<vmem>>
        %dma_start3A_341 = tpu.memref_squeeze %dma_start3A_340 : memref<1x80xi32, #tpu.memory_space<vmem>> -> memref<80xi32, #tpu.memory_space<vmem>>
        %dma_start3A_342 = arith.constant 0 : i32
        %dma_start3A_343 = arith.constant 0 : i32
        %dma_start3A_344 = tpu.memref_slice %arg2[%dma_start3A_342, %dma_start3A_343] : memref<10000x64xi32, #tpu.memory_space<hbm>> -> memref<10000x64xi32, #tpu.memory_space<hbm>>
        tpu.enqueue_indirect_dma source(%dma_start3A_344 : memref<10000x64xi32, #tpu.memory_space<hbm>>) target(%dma_start3A_338 : memref<80x64xi32, #tpu.memory_space<vmem>>) offsets(%dma_start3A_341 : memref<80xi32, #tpu.memory_space<vmem>>) semaphore(%arg18 : memref<!tpu.dma_semaphore, #tpu.memory_space<semaphore_mem>>)
      } else {
      }
      %scan3A_309 = arith.constant 3 : i32
      %scan3A_310 = arith.constant 3 : i32
      %scan3A_311 = arith.constant 0 : i32
      %scan3A_312 = arith.constant 0 : i32
      %scan3A_313 = arith.constant 5 : i32
      %scan3A_314 = arith.addi %scan3A_312, %scan3A_313 : i32
      %scan3A_315 = arith.constant 1 : i32
      %scan3A_316 = scf.for %scan3A_319 = %scan3A_312 to %scan3A_314 step %scan3A_315 iter_args(%scan3A_320 = %scan3A_311) -> (i32)  : i32 {
        %mul3A_321 = arith.constant 16 : i32
        %mul3A_322 = arith.muli %scan3A_319, %mul3A_321 : i32
        %scan3A_323 = arith.constant 0 : i32
        %scan3A_324 = arith.constant 0 : i32
        %scan3A_325 = arith.constant 16 : i32
        %scan3A_326 = arith.addi %scan3A_324, %scan3A_325 : i32
        %scan3A_327 = arith.constant 2 : i32
        %scan3A_328 = scf.for %scan3A_416 = %scan3A_324 to %scan3A_326 step %scan3A_327 iter_args(%scan3A_417 = %scan3A_323) -> (i32)  : i32 {
          %add3A_418 = arith.addi %mul3A_322, %scan3A_416 : i32
          %get3A = arith.constant 0 : i32
          %get3A_419 = arith.constant 0 : i32
          %get3A_420 = tpu.memref_slice %arg8[%scan3A_309, %get3A, %get3A_419] : memref<4x80x64xi32, #tpu.memory_space<vmem>> -> memref<1x80x64xi32, #tpu.memory_space<vmem>>
          %get3A_421 = tpu.memref_squeeze %get3A_420 : memref<1x80x64xi32, #tpu.memory_space<vmem>> -> memref<80x64xi32, #tpu.memory_space<vmem>>
          %get3A_422 = arith.index_cast %add3A_418 : i32 to index
          %get3A_423 = arith.constant 0 : index
          %get3A_424 = tpu.vector_load %get3A_421[%get3A_422, %get3A_423] {strides = array<i32>} : memref<80x64xi32, #tpu.memory_space<vmem>>, vector<16xi32>,
          %bitcast3A = vector.bitcast %get3A_424 : vector<16xi32> to vector<32xbf16>
          %get3A_425 = arith.constant 0 : i32
          %get3A_426 = arith.constant 0 : i32
          %get3A_427 = tpu.memref_slice %arg9[%scan3A_310, %get3A_425, %get3A_426] : memref<4x80x64xi32, #tpu.memory_space<vmem>> -> memref<1x80x64xi32, #tpu.memory_space<vmem>>
          %get3A_428 = tpu.memref_squeeze %get3A_427 : memref<1x80x64xi32, #tpu.memory_space<vmem>> -> memref<80x64xi32, #tpu.memory_space<vmem>>
          %get3A_429 = arith.index_cast %add3A_418 : i32 to index
          %get3A_430 = arith.constant 0 : index
          %get3A_431 = tpu.vector_load %get3A_428[%get3A_429, %get3A_430] {strides = array<i32>} : memref<80x64xi32, #tpu.memory_space<vmem>>, vector<16xi32>,
          %bitcast3A_432 = vector.bitcast %get3A_431 : vector<16xi32> to vector<32xbf16>
          %mul3A_433 = arith.mulf %bitcast3A, %bitcast3A_432 : vector<32xbf16>
          %unpack3A = tpu.unpack_subelements %mul3A_433, 0 {pack_format = #tpu.pack_format<interleaved>} : vector<32xbf16> -> vector<16xf32>
          %unpack3A_434 = tpu.unpack_subelements %mul3A_433, 1 {pack_format = #tpu.pack_format<interleaved>} : vector<32xbf16> -> vector<16xf32>
          %get3A_435 = arith.constant 0 : i32
          %get3A_436 = arith.constant 0 : i32
          %get3A_437 = tpu.memref_slice %arg8[%scan3A_309, %get3A_435, %get3A_436] : memref<4x80x64xi32, #tpu.memory_space<vmem>> -> memref<1x80x64xi32, #tpu.memory_space<vmem>>
          %get3A_438 = tpu.memref_squeeze %get3A_437 : memref<1x80x64xi32, #tpu.memory_space<vmem>> -> memref<80x64xi32, #tpu.memory_space<vmem>>
          %get3A_439 = arith.index_cast %add3A_418 : i32 to index
          %get3A_440 = arith.constant 16 : index
          %get3A_441 = tpu.vector_load %get3A_438[%get3A_439, %get3A_440] {strides = array<i32>} : memref<80x64xi32, #tpu.memory_space<vmem>>, vector<16xi32>,
          %bitcast3A_442 = vector.bitcast %get3A_441 : vector<16xi32> to vector<32xbf16>
          %get3A_443 = arith.constant 0 : i32
          %get3A_444 = arith.constant 0 : i32
          %get3A_445 = tpu.memref_slice %arg9[%scan3A_310, %get3A_443, %get3A_444] : memref<4x80x64xi32, #tpu.memory_space<vmem>> -> memref<1x80x64xi32, #tpu.memory_space<vmem>>
          %get3A_446 = tpu.memref_squeeze %get3A_445 : memref<1x80x64xi32, #tpu.memory_space<vmem>> -> memref<80x64xi32, #tpu.memory_space<vmem>>
          %get3A_447 = arith.index_cast %add3A_418 : i32 to index
          %get3A_448 = arith.constant 16 : index
          %get3A_449 = tpu.vector_load %get3A_446[%get3A_447, %get3A_448] {strides = array<i32>} : memref<80x64xi32, #tpu.memory_space<vmem>>, vector<16xi32>,
          %bitcast3A_450 = vector.bitcast %get3A_449 : vector<16xi32> to vector<32xbf16>
          %mul3A_451 = arith.mulf %bitcast3A_442, %bitcast3A_450 : vector<32xbf16>
          %unpack3A_452 = tpu.unpack_subelements %mul3A_451, 0 {pack_format = #tpu.pack_format<interleaved>} : vector<32xbf16> -> vector<16xf32>
          %unpack3A_453 = tpu.unpack_subelements %mul3A_451, 1 {pack_format = #tpu.pack_format<interleaved>} : vector<32xbf16> -> vector<16xf32>
          %get3A_454 = arith.constant 0 : i32
          %get3A_455 = arith.constant 0 : i32
          %get3A_456 = tpu.memref_slice %arg8[%scan3A_309, %get3A_454, %get3A_455] : memref<4x80x64xi32, #tpu.memory_space<vmem>> -> memref<1x80x64xi32, #tpu.memory_space<vmem>>
          %get3A_457 = tpu.memref_squeeze %get3A_456 : memref<1x80x64xi32, #tpu.memory_space<vmem>> -> memref<80x64xi32, #tpu.memory_space<vmem>>
          %get3A_458 = arith.index_cast %add3A_418 : i32 to index
          %get3A_459 = arith.constant 32 : index
          %get3A_460 = tpu.vector_load %get3A_457[%get3A_458, %get3A_459] {strides = array<i32>} : memref<80x64xi32, #tpu.memory_space<vmem>>, vector<16xi32>,
          %bitcast3A_461 = vector.bitcast %get3A_460 : vector<16xi32> to vector<32xbf16>
          %get3A_462 = arith.constant 0 : i32
          %get3A_463 = arith.constant 0 : i32
          %get3A_464 = tpu.memref_slice %arg9[%scan3A_310, %get3A_462, %get3A_463] : memref<4x80x64xi32, #tpu.memory_space<vmem>> -> memref<1x80x64xi32, #tpu.memory_space<vmem>>
          %get3A_465 = tpu.memref_squeeze %get3A_464 : memref<1x80x64xi32, #tpu.memory_space<vmem>> -> memref<80x64xi32, #tpu.memory_space<vmem>>
          %get3A_466 = arith.index_cast %add3A_418 : i32 to index
          %get3A_467 = arith.constant 32 : index
          %get3A_468 = tpu.vector_load %get3A_465[%get3A_466, %get3A_467] {strides = array<i32>} : memref<80x64xi32, #tpu.memory_space<vmem>>, vector<16xi32>,
          %bitcast3A_469 = vector.bitcast %get3A_468 : vector<16xi32> to vector<32xbf16>
          %mul3A_470 = arith.mulf %bitcast3A_461, %bitcast3A_469 : vector<32xbf16>
          %unpack3A_471 = tpu.unpack_subelements %mul3A_470, 0 {pack_format = #tpu.pack_format<interleaved>} : vector<32xbf16> -> vector<16xf32>
          %unpack3A_472 = tpu.unpack_subelements %mul3A_470, 1 {pack_format = #tpu.pack_format<interleaved>} : vector<32xbf16> -> vector<16xf32>
          %get3A_473 = arith.constant 0 : i32
          %get3A_474 = arith.constant 0 : i32
          %get3A_475 = tpu.memref_slice %arg8[%scan3A_309, %get3A_473, %get3A_474] : memref<4x80x64xi32, #tpu.memory_space<vmem>> -> memref<1x80x64xi32, #tpu.memory_space<vmem>>
          %get3A_476 = tpu.memref_squeeze %get3A_475 : memref<1x80x64xi32, #tpu.memory_space<vmem>> -> memref<80x64xi32, #tpu.memory_space<vmem>>
          %get3A_477 = arith.index_cast %add3A_418 : i32 to index
          %get3A_478 = arith.constant 48 : index
          %get3A_479 = tpu.vector_load %get3A_476[%get3A_477, %get3A_478] {strides = array<i32>} : memref<80x64xi32, #tpu.memory_space<vmem>>, vector<16xi32>,
          %bitcast3A_480 = vector.bitcast %get3A_479 : vector<16xi32> to vector<32xbf16>
          %get3A_481 = arith.constant 0 : i32
          %get3A_482 = arith.constant 0 : i32
          %get3A_483 = tpu.memref_slice %arg9[%scan3A_310, %get3A_481, %get3A_482] : memref<4x80x64xi32, #tpu.memory_space<vmem>> -> memref<1x80x64xi32, #tpu.memory_space<vmem>>
          %get3A_484 = tpu.memref_squeeze %get3A_483 : memref<1x80x64xi32, #tpu.memory_space<vmem>> -> memref<80x64xi32, #tpu.memory_space<vmem>>
          %get3A_485 = arith.index_cast %add3A_418 : i32 to index
          %get3A_486 = arith.constant 48 : index
          %get3A_487 = tpu.vector_load %get3A_484[%get3A_485, %get3A_486] {strides = array<i32>} : memref<80x64xi32, #tpu.memory_space<vmem>>, vector<16xi32>,
          %bitcast3A_488 = vector.bitcast %get3A_487 : vector<16xi32> to vector<32xbf16>
          %mul3A_489 = arith.mulf %bitcast3A_480, %bitcast3A_488 : vector<32xbf16>
          %unpack3A_490 = tpu.unpack_subelements %mul3A_489, 0 {pack_format = #tpu.pack_format<interleaved>} : vector<32xbf16> -> vector<16xf32>
          %unpack3A_491 = tpu.unpack_subelements %mul3A_489, 1 {pack_format = #tpu.pack_format<interleaved>} : vector<32xbf16> -> vector<16xf32>
          %add3A_492 = arith.addf %unpack3A, %unpack3A_434 : vector<16xf32>
          %add3A_493 = arith.addf %unpack3A_452, %unpack3A_453 : vector<16xf32>
          %add3A_494 = arith.addf %unpack3A_471, %unpack3A_472 : vector<16xf32>
          %add3A_495 = arith.addf %unpack3A_490, %unpack3A_491 : vector<16xf32>
          %add3A_496 = arith.addf %add3A_492, %add3A_493 : vector<16xf32>
          %add3A_497 = arith.addf %add3A_494, %add3A_495 : vector<16xf32>
          %add3A_498 = arith.addf %add3A_496, %add3A_497 : vector<16xf32>
          %mul3A_499 = arith.constant 16 : i32
          %mul3A_500 = arith.muli %scan3A_416, %mul3A_499 : i32
          %swap3A_501 = arith.index_cast %mul3A_500 : i32 to index
          %swap3A_502 = tpu.vector_load %arg11[%swap3A_501] {strides = array<i32>} : memref<256xf32, #tpu.memory_space<vmem>>, vector<16xf32>,
          tpu.vector_store %arg11[%swap3A_501], %add3A_498 {strides = array<i32>} : memref<256xf32, #tpu.memory_space<vmem>>, vector<16xf32>,
          %scan3A_503 = arith.constant 0 : i32
          %scan3A_504 = arith.constant 1 : i32
          %scan3A_505 = arith.addi %scan3A_416, %scan3A_504 : i32
          %add3A_506 = arith.addi %mul3A_322, %scan3A_505 : i32
          %get3A_507 = arith.constant 0 : i32
          %get3A_508 = arith.constant 0 : i32
          %get3A_509 = tpu.memref_slice %arg8[%scan3A_309, %get3A_507, %get3A_508] : memref<4x80x64xi32, #tpu.memory_space<vmem>> -> memref<1x80x64xi32, #tpu.memory_space<vmem>>
          %get3A_510 = tpu.memref_squeeze %get3A_509 : memref<1x80x64xi32, #tpu.memory_space<vmem>> -> memref<80x64xi32, #tpu.memory_space<vmem>>
          %get3A_511 = arith.index_cast %add3A_506 : i32 to index
          %get3A_512 = arith.constant 0 : index
          %get3A_513 = tpu.vector_load %get3A_510[%get3A_511, %get3A_512] {strides = array<i32>} : memref<80x64xi32, #tpu.memory_space<vmem>>, vector<16xi32>,
          %bitcast3A_514 = vector.bitcast %get3A_513 : vector<16xi32> to vector<32xbf16>
          %get3A_515 = arith.constant 0 : i32
          %get3A_516 = arith.constant 0 : i32
          %get3A_517 = tpu.memref_slice %arg9[%scan3A_310, %get3A_515, %get3A_516] : memref<4x80x64xi32, #tpu.memory_space<vmem>> -> memref<1x80x64xi32, #tpu.memory_space<vmem>>
          %get3A_518 = tpu.memref_squeeze %get3A_517 : memref<1x80x64xi32, #tpu.memory_space<vmem>> -> memref<80x64xi32, #tpu.memory_space<vmem>>
          %get3A_519 = arith.index_cast %add3A_506 : i32 to index
          %get3A_520 = arith.constant 0 : index
          %get3A_521 = tpu.vector_load %get3A_518[%get3A_519, %get3A_520] {strides = array<i32>} : memref<80x64xi32, #tpu.memory_space<vmem>>, vector<16xi32>,
          %bitcast3A_522 = vector.bitcast %get3A_521 : vector<16xi32> to vector<32xbf16>
          %mul3A_523 = arith.mulf %bitcast3A_514, %bitcast3A_522 : vector<32xbf16>
          %unpack3A_524 = tpu.unpack_subelements %mul3A_523, 0 {pack_format = #tpu.pack_format<interleaved>} : vector<32xbf16> -> vector<16xf32>
          %unpack3A_525 = tpu.unpack_subelements %mul3A_523, 1 {pack_format = #tpu.pack_format<interleaved>} : vector<32xbf16> -> vector<16xf32>
          %get3A_526 = arith.constant 0 : i32
          %get3A_527 = arith.constant 0 : i32
          %get3A_528 = tpu.memref_slice %arg8[%scan3A_309, %get3A_526, %get3A_527] : memref<4x80x64xi32, #tpu.memory_space<vmem>> -> memref<1x80x64xi32, #tpu.memory_space<vmem>>
          %get3A_529 = tpu.memref_squeeze %get3A_528 : memref<1x80x64xi32, #tpu.memory_space<vmem>> -> memref<80x64xi32, #tpu.memory_space<vmem>>
          %get3A_530 = arith.index_cast %add3A_506 : i32 to index
          %get3A_531 = arith.constant 16 : index
          %get3A_532 = tpu.vector_load %get3A_529[%get3A_530, %get3A_531] {strides = array<i32>} : memref<80x64xi32, #tpu.memory_space<vmem>>, vector<16xi32>,
          %bitcast3A_533 = vector.bitcast %get3A_532 : vector<16xi32> to vector<32xbf16>
          %get3A_534 = arith.constant 0 : i32
          %get3A_535 = arith.constant 0 : i32
          %get3A_536 = tpu.memref_slice %arg9[%scan3A_310, %get3A_534, %get3A_535] : memref<4x80x64xi32, #tpu.memory_space<vmem>> -> memref<1x80x64xi32, #tpu.memory_space<vmem>>
          %get3A_537 = tpu.memref_squeeze %get3A_536 : memref<1x80x64xi32, #tpu.memory_space<vmem>> -> memref<80x64xi32, #tpu.memory_space<vmem>>
          %get3A_538 = arith.index_cast %add3A_506 : i32 to index
          %get3A_539 = arith.constant 16 : index
          %get3A_540 = tpu.vector_load %get3A_537[%get3A_538, %get3A_539] {strides = array<i32>} : memref<80x64xi32, #tpu.memory_space<vmem>>, vector<16xi32>,
          %bitcast3A_541 = vector.bitcast %get3A_540 : vector<16xi32> to vector<32xbf16>
          %mul3A_542 = arith.mulf %bitcast3A_533, %bitcast3A_541 : vector<32xbf16>
          %unpack3A_543 = tpu.unpack_subelements %mul3A_542, 0 {pack_format = #tpu.pack_format<interleaved>} : vector<32xbf16> -> vector<16xf32>
          %unpack3A_544 = tpu.unpack_subelements %mul3A_542, 1 {pack_format = #tpu.pack_format<interleaved>} : vector<32xbf16> -> vector<16xf32>
          %get3A_545 = arith.constant 0 : i32
          %get3A_546 = arith.constant 0 : i32
          %get3A_547 = tpu.memref_slice %arg8[%scan3A_309, %get3A_545, %get3A_546] : memref<4x80x64xi32, #tpu.memory_space<vmem>> -> memref<1x80x64xi32, #tpu.memory_space<vmem>>
          %get3A_548 = tpu.memref_squeeze %get3A_547 : memref<1x80x64xi32, #tpu.memory_space<vmem>> -> memref<80x64xi32, #tpu.memory_space<vmem>>
          %get3A_549 = arith.index_cast %add3A_506 : i32 to index
          %get3A_550 = arith.constant 32 : index
          %get3A_551 = tpu.vector_load %get3A_548[%get3A_549, %get3A_550] {strides = array<i32>} : memref<80x64xi32, #tpu.memory_space<vmem>>, vector<16xi32>,
          %bitcast3A_552 = vector.bitcast %get3A_551 : vector<16xi32> to vector<32xbf16>
          %get3A_553 = arith.constant 0 : i32
          %get3A_554 = arith.constant 0 : i32
          %get3A_555 = tpu.memref_slice %arg9[%scan3A_310, %get3A_553, %get3A_554] : memref<4x80x64xi32, #tpu.memory_space<vmem>> -> memref<1x80x64xi32, #tpu.memory_space<vmem>>
          %get3A_556 = tpu.memref_squeeze %get3A_555 : memref<1x80x64xi32, #tpu.memory_space<vmem>> -> memref<80x64xi32, #tpu.memory_space<vmem>>
          %get3A_557 = arith.index_cast %add3A_506 : i32 to index
          %get3A_558 = arith.constant 32 : index
          %get3A_559 = tpu.vector_load %get3A_556[%get3A_557, %get3A_558] {strides = array<i32>} : memref<80x64xi32, #tpu.memory_space<vmem>>, vector<16xi32>,
          %bitcast3A_560 = vector.bitcast %get3A_559 : vector<16xi32> to vector<32xbf16>
          %mul3A_561 = arith.mulf %bitcast3A_552, %bitcast3A_560 : vector<32xbf16>
          %unpack3A_562 = tpu.unpack_subelements %mul3A_561, 0 {pack_format = #tpu.pack_format<interleaved>} : vector<32xbf16> -> vector<16xf32>
          %unpack3A_563 = tpu.unpack_subelements %mul3A_561, 1 {pack_format = #tpu.pack_format<interleaved>} : vector<32xbf16> -> vector<16xf32>
          %get3A_564 = arith.constant 0 : i32
          %get3A_565 = arith.constant 0 : i32
          %get3A_566 = tpu.memref_slice %arg8[%scan3A_309, %get3A_564, %get3A_565] : memref<4x80x64xi32, #tpu.memory_space<vmem>> -> memref<1x80x64xi32, #tpu.memory_space<vmem>>
          %get3A_567 = tpu.memref_squeeze %get3A_566 : memref<1x80x64xi32, #tpu.memory_space<vmem>> -> memref<80x64xi32, #tpu.memory_space<vmem>>
          %get3A_568 = arith.index_cast %add3A_506 : i32 to index
          %get3A_569 = arith.constant 48 : index
          %get3A_570 = tpu.vector_load %get3A_567[%get3A_568, %get3A_569] {strides = array<i32>} : memref<80x64xi32, #tpu.memory_space<vmem>>, vector<16xi32>,
          %bitcast3A_571 = vector.bitcast %get3A_570 : vector<16xi32> to vector<32xbf16>
          %get3A_572 = arith.constant 0 : i32
          %get3A_573 = arith.constant 0 : i32
          %get3A_574 = tpu.memref_slice %arg9[%scan3A_310, %get3A_572, %get3A_573] : memref<4x80x64xi32, #tpu.memory_space<vmem>> -> memref<1x80x64xi32, #tpu.memory_space<vmem>>
          %get3A_575 = tpu.memref_squeeze %get3A_574 : memref<1x80x64xi32, #tpu.memory_space<vmem>> -> memref<80x64xi32, #tpu.memory_space<vmem>>
          %get3A_576 = arith.index_cast %add3A_506 : i32 to index
          %get3A_577 = arith.constant 48 : index
          %get3A_578 = tpu.vector_load %get3A_575[%get3A_576, %get3A_577] {strides = array<i32>} : memref<80x64xi32, #tpu.memory_space<vmem>>, vector<16xi32>,
          %bitcast3A_579 = vector.bitcast %get3A_578 : vector<16xi32> to vector<32xbf16>
          %mul3A_580 = arith.mulf %bitcast3A_571, %bitcast3A_579 : vector<32xbf16>
          %unpack3A_581 = tpu.unpack_subelements %mul3A_580, 0 {pack_format = #tpu.pack_format<interleaved>} : vector<32xbf16> -> vector<16xf32>
          %unpack3A_582 = tpu.unpack_subelements %mul3A_580, 1 {pack_format = #tpu.pack_format<interleaved>} : vector<32xbf16> -> vector<16xf32>
          %add3A_583 = arith.addf %unpack3A_524, %unpack3A_525 : vector<16xf32>
          %add3A_584 = arith.addf %unpack3A_543, %unpack3A_544 : vector<16xf32>
          %add3A_585 = arith.addf %unpack3A_562, %unpack3A_563 : vector<16xf32>
          %add3A_586 = arith.addf %unpack3A_581, %unpack3A_582 : vector<16xf32>
          %add3A_587 = arith.addf %add3A_583, %add3A_584 : vector<16xf32>
          %add3A_588 = arith.addf %add3A_585, %add3A_586 : vector<16xf32>
          %add3A_589 = arith.addf %add3A_587, %add3A_588 : vector<16xf32>
          %mul3A_590 = arith.constant 16 : i32
          %mul3A_591 = arith.muli %scan3A_505, %mul3A_590 : i32
          %swap3A_592 = arith.index_cast %mul3A_591 : i32 to index
          %swap3A_593 = tpu.vector_load %arg11[%swap3A_592] {strides = array<i32>} : memref<256xf32, #tpu.memory_space<vmem>>, vector<16xf32>,
          tpu.vector_store %arg11[%swap3A_592], %add3A_589 {strides = array<i32>} : memref<256xf32, #tpu.memory_space<vmem>>, vector<16xf32>,
          %scan3A_594 = arith.constant 0 : i32
          scf.yield %scan3A_594 : i32
        }
        %scan3A_329 = arith.constant 16 : i32
        %iota3A = tpu.iota {dimensions = array<i32: 0>} : vector<16xi32>
        %mul3A_330 = arith.constant 16 : i32
        %mul3A_331 = vector.broadcast %mul3A_330 : i32 to vector<16xi32>
        %mul3A_332 = arith.muli %iota3A, %mul3A_331 : vector<16xi32>
        %add3A_333 = arith.constant 0 : i32
        %add3A_334 = vector.broadcast %add3A_333 : i32 to vector<16xi32>
        %add3A_335 = arith.addi %mul3A_332, %add3A_334 : vector<16xi32>
        %gather3A = tpu.vector_load_idx %arg11[%add3A_335] : memref<256xf32, #tpu.memory_space<vmem>>[vector<16xi32>], vector<16xf32>,
        %add3A_336 = arith.constant 1 : i32
        %add3A_337 = vector.broadcast %add3A_336 : i32 to vector<16xi32>
        %add3A_338 = arith.addi %mul3A_332, %add3A_337 : vector<16xi32>
        %gather3A_339 = tpu.vector_load_idx %arg11[%add3A_338] : memref<256xf32, #tpu.memory_space<vmem>>[vector<16xi32>], vector<16xf32>,
        %add3A_340 = arith.constant 2 : i32
        %add3A_341 = vector.broadcast %add3A_340 : i32 to vector<16xi32>
        %add3A_342 = arith.addi %mul3A_332, %add3A_341 : vector<16xi32>
        %gather3A_343 = tpu.vector_load_idx %arg11[%add3A_342] : memref<256xf32, #tpu.memory_space<vmem>>[vector<16xi32>], vector<16xf32>,
        %add3A_344 = arith.constant 3 : i32
        %add3A_345 = vector.broadcast %add3A_344 : i32 to vector<16xi32>
        %add3A_346 = arith.addi %mul3A_332, %add3A_345 : vector<16xi32>
        %gather3A_347 = tpu.vector_load_idx %arg11[%add3A_346] : memref<256xf32, #tpu.memory_space<vmem>>[vector<16xi32>], vector<16xf32>,
        %add3A_348 = arith.constant 4 : i32
        %add3A_349 = vector.broadcast %add3A_348 : i32 to vector<16xi32>
        %add3A_350 = arith.addi %mul3A_332, %add3A_349 : vector<16xi32>
        %gather3A_351 = tpu.vector_load_idx %arg11[%add3A_350] : memref<256xf32, #tpu.memory_space<vmem>>[vector<16xi32>], vector<16xf32>,
        %add3A_352 = arith.constant 5 : i32
        %add3A_353 = vector.broadcast %add3A_352 : i32 to vector<16xi32>
        %add3A_354 = arith.addi %mul3A_332, %add3A_353 : vector<16xi32>
        %gather3A_355 = tpu.vector_load_idx %arg11[%add3A_354] : memref<256xf32, #tpu.memory_space<vmem>>[vector<16xi32>], vector<16xf32>,
        %add3A_356 = arith.constant 6 : i32
        %add3A_357 = vector.broadcast %add3A_356 : i32 to vector<16xi32>
        %add3A_358 = arith.addi %mul3A_332, %add3A_357 : vector<16xi32>
        %gather3A_359 = tpu.vector_load_idx %arg11[%add3A_358] : memref<256xf32, #tpu.memory_space<vmem>>[vector<16xi32>], vector<16xf32>,
        %add3A_360 = arith.constant 7 : i32
        %add3A_361 = vector.broadcast %add3A_360 : i32 to vector<16xi32>
        %add3A_362 = arith.addi %mul3A_332, %add3A_361 : vector<16xi32>
        %gather3A_363 = tpu.vector_load_idx %arg11[%add3A_362] : memref<256xf32, #tpu.memory_space<vmem>>[vector<16xi32>], vector<16xf32>,
        %add3A_364 = arith.constant 8 : i32
        %add3A_365 = vector.broadcast %add3A_364 : i32 to vector<16xi32>
        %add3A_366 = arith.addi %mul3A_332, %add3A_365 : vector<16xi32>
        %gather3A_367 = tpu.vector_load_idx %arg11[%add3A_366] : memref<256xf32, #tpu.memory_space<vmem>>[vector<16xi32>], vector<16xf32>,
        %add3A_368 = arith.constant 9 : i32
        %add3A_369 = vector.broadcast %add3A_368 : i32 to vector<16xi32>
        %add3A_370 = arith.addi %mul3A_332, %add3A_369 : vector<16xi32>
        %gather3A_371 = tpu.vector_load_idx %arg11[%add3A_370] : memref<256xf32, #tpu.memory_space<vmem>>[vector<16xi32>], vector<16xf32>,
        %add3A_372 = arith.constant 10 : i32
        %add3A_373 = vector.broadcast %add3A_372 : i32 to vector<16xi32>
        %add3A_374 = arith.addi %mul3A_332, %add3A_373 : vector<16xi32>
        %gather3A_375 = tpu.vector_load_idx %arg11[%add3A_374] : memref<256xf32, #tpu.memory_space<vmem>>[vector<16xi32>], vector<16xf32>,
        %add3A_376 = arith.constant 11 : i32
        %add3A_377 = vector.broadcast %add3A_376 : i32 to vector<16xi32>
        %add3A_378 = arith.addi %mul3A_332, %add3A_377 : vector<16xi32>
        %gather3A_379 = tpu.vector_load_idx %arg11[%add3A_378] : memref<256xf32, #tpu.memory_space<vmem>>[vector<16xi32>], vector<16xf32>,
        %add3A_380 = arith.constant 12 : i32
        %add3A_381 = vector.broadcast %add3A_380 : i32 to vector<16xi32>
        %add3A_382 = arith.addi %mul3A_332, %add3A_381 : vector<16xi32>
        %gather3A_383 = tpu.vector_load_idx %arg11[%add3A_382] : memref<256xf32, #tpu.memory_space<vmem>>[vector<16xi32>], vector<16xf32>,
        %add3A_384 = arith.constant 13 : i32
        %add3A_385 = vector.broadcast %add3A_384 : i32 to vector<16xi32>
        %add3A_386 = arith.addi %mul3A_332, %add3A_385 : vector<16xi32>
        %gather3A_387 = tpu.vector_load_idx %arg11[%add3A_386] : memref<256xf32, #tpu.memory_space<vmem>>[vector<16xi32>], vector<16xf32>,
        %add3A_388 = arith.constant 14 : i32
        %add3A_389 = vector.broadcast %add3A_388 : i32 to vector<16xi32>
        %add3A_390 = arith.addi %mul3A_332, %add3A_389 : vector<16xi32>
        %gather3A_391 = tpu.vector_load_idx %arg11[%add3A_390] : memref<256xf32, #tpu.memory_space<vmem>>[vector<16xi32>], vector<16xf32>,
        %add3A_392 = arith.constant 15 : i32
        %add3A_393 = vector.broadcast %add3A_392 : i32 to vector<16xi32>
        %add3A_394 = arith.addi %mul3A_332, %add3A_393 : vector<16xi32>
        %gather3A_395 = tpu.vector_load_idx %arg11[%add3A_394] : memref<256xf32, #tpu.memory_space<vmem>>[vector<16xi32>], vector<16xf32>,
        %add3A_396 = arith.addf %gather3A, %gather3A_339 : vector<16xf32>
        %add3A_397 = arith.addf %gather3A_343, %gather3A_347 : vector<16xf32>
        %add3A_398 = arith.addf %gather3A_351, %gather3A_355 : vector<16xf32>
        %add3A_399 = arith.addf %gather3A_359, %gather3A_363 : vector<16xf32>
        %add3A_400 = arith.addf %gather3A_367, %gather3A_371 : vector<16xf32>
        %add3A_401 = arith.addf %gather3A_375, %gather3A_379 : vector<16xf32>
        %add3A_402 = arith.addf %gather3A_383, %gather3A_387 : vector<16xf32>
        %add3A_403 = arith.addf %gather3A_391, %gather3A_395 : vector<16xf32>
        %add3A_404 = arith.addf %add3A_396, %add3A_397 : vector<16xf32>
        %add3A_405 = arith.addf %add3A_398, %add3A_399 : vector<16xf32>
        %add3A_406 = arith.addf %add3A_400, %add3A_401 : vector<16xf32>
        %add3A_407 = arith.addf %add3A_402, %add3A_403 : vector<16xf32>
        %add3A_408 = arith.addf %add3A_404, %add3A_405 : vector<16xf32>
        %add3A_409 = arith.addf %add3A_406, %add3A_407 : vector<16xf32>
        %add3A_410 = arith.addf %add3A_408, %add3A_409 : vector<16xf32>
        %mul3A_411 = arith.constant 80 : i32
        %mul3A_412 = arith.muli %add3A_269, %mul3A_411 : i32
        %add3A_413 = arith.addi %mul3A_412, %mul3A_322 : i32
        %swap3A = arith.index_cast %add3A_413 : i32 to index
        %swap3A_414 = tpu.vector_load %arg10[%swap3A] {strides = array<i32>} : memref<10000xf32, #tpu.memory_space<vmem>>, vector<16xf32>,
        tpu.vector_store %arg10[%swap3A], %add3A_410 {strides = array<i32>} : memref<10000xf32, #tpu.memory_space<vmem>>, vector<16xf32>,
        %scan3A_415 = arith.constant 0 : i32
        scf.yield %scan3A_415 : i32
      }
      %scan3A_317 = arith.constant 5 : i32
      %scan3A_318 = arith.constant 0 : i32
      scf.yield %scan3A_318 : i32
    }
    %scan3A_77 = arith.constant 31 : i32
    %dma_wait3A = arith.constant 0 : i32
    %dma_wait3A_78 = arith.constant 0 : i32
    %dma_wait3A_79 = arith.constant 0 : i32
    %dma_wait3A_80 = tpu.memref_slice %arg8[%dma_wait3A, %dma_wait3A_78, %dma_wait3A_79] : memref<4x80x64xi32, #tpu.memory_space<vmem>> -> memref<1x80x64xi32, #tpu.memory_space<vmem>>
    %dma_wait3A_81 = tpu.memref_squeeze %dma_wait3A_80 : memref<1x80x64xi32, #tpu.memory_space<vmem>> -> memref<80x64xi32, #tpu.memory_space<vmem>>
    %dma_wait3A_82 = arith.constant 0 : i32
    %dma_wait3A_83 = arith.constant 0 : i32
    %dma_wait3A_84 = tpu.memref_slice %arg2[%dma_wait3A_82, %dma_wait3A_83] : memref<10000x64xi32, #tpu.memory_space<hbm>> -> memref<80x64xi32, #tpu.memory_space<hbm>>
    %dma_wait3A_85 = arith.constant 0 : i32
    %dma_wait3A_86 = arith.constant 0 : i32
    %dma_wait3A_87 = tpu.memref_slice %arg8[%dma_wait3A, %dma_wait3A_85, %dma_wait3A_86] : memref<4x80x64xi32, #tpu.memory_space<vmem>> -> memref<1x80x64xi32, #tpu.memory_space<vmem>>
    %dma_wait3A_88 = tpu.memref_squeeze %dma_wait3A_87 : memref<1x80x64xi32, #tpu.memory_space<vmem>> -> memref<80x64xi32, #tpu.memory_space<vmem>>
    %dma_wait3A_89 = arith.constant 0 : i32
    %dma_wait3A_90 = arith.constant 0 : i32
    %dma_wait3A_91 = tpu.memref_slice %arg2[%dma_wait3A_89, %dma_wait3A_90] : memref<10000x64xi32, #tpu.memory_space<hbm>> -> memref<80x64xi32, #tpu.memory_space<hbm>>
    tpu.wait_dma2 semaphore(%arg12 : memref<!tpu.dma_semaphore, #tpu.memory_space<semaphore_mem>>) src(%dma_wait3A_91 : memref<80x64xi32, #tpu.memory_space<hbm>>) dst(%dma_wait3A_88 : memref<80x64xi32, #tpu.memory_space<vmem>>)
    %dma_wait3A_92 = arith.constant 0 : i32
    %dma_wait3A_93 = arith.constant 0 : i32
    %dma_wait3A_94 = arith.constant 0 : i32
    %dma_wait3A_95 = tpu.memref_slice %arg9[%dma_wait3A_92, %dma_wait3A_93, %dma_wait3A_94] : memref<4x80x64xi32, #tpu.memory_space<vmem>> -> memref<1x80x64xi32, #tpu.memory_space<vmem>>
    %dma_wait3A_96 = tpu.memref_squeeze %dma_wait3A_95 : memref<1x80x64xi32, #tpu.memory_space<vmem>> -> memref<80x64xi32, #tpu.memory_space<vmem>>
    %dma_wait3A_97 = arith.constant 0 : i32
    %dma_wait3A_98 = arith.constant 0 : i32
    %dma_wait3A_99 = tpu.memref_slice %arg2[%dma_wait3A_97, %dma_wait3A_98] : memref<10000x64xi32, #tpu.memory_space<hbm>> -> memref<80x64xi32, #tpu.memory_space<hbm>>
    %dma_wait3A_100 = arith.constant 0 : i32
    %dma_wait3A_101 = arith.constant 0 : i32
    %dma_wait3A_102 = tpu.memref_slice %arg9[%dma_wait3A_92, %dma_wait3A_100, %dma_wait3A_101] : memref<4x80x64xi32, #tpu.memory_space<vmem>> -> memref<1x80x64xi32, #tpu.memory_space<vmem>>
    %dma_wait3A_103 = tpu.memref_squeeze %dma_wait3A_102 : memref<1x80x64xi32, #tpu.memory_space<vmem>> -> memref<80x64xi32, #tpu.memory_space<vmem>>
    %dma_wait3A_104 = arith.constant 0 : i32
    %dma_wait3A_105 = arith.constant 0 : i32
    %dma_wait3A_106 = tpu.memref_slice %arg2[%dma_wait3A_104, %dma_wait3A_105] : memref<10000x64xi32, #tpu.memory_space<hbm>> -> memref<80x64xi32, #tpu.memory_space<hbm>>
    tpu.wait_dma2 semaphore(%arg16 : memref<!tpu.dma_semaphore, #tpu.memory_space<semaphore_mem>>) src(%dma_wait3A_106 : memref<80x64xi32, #tpu.memory_space<hbm>>) dst(%dma_wait3A_103 : memref<80x64xi32, #tpu.memory_space<vmem>>)
    %scan3A_107 = arith.constant 0 : i32
    %scan3A_108 = arith.constant 0 : i32
    %scan3A_109 = arith.constant 0 : i32
    %scan3A_110 = arith.constant 0 : i32
    %scan3A_111 = arith.constant 5 : i32
    %scan3A_112 = arith.addi %scan3A_110, %scan3A_111 : i32
    %scan3A_113 = arith.constant 1 : i32
    %scan3A_114 = scf.for %scan3A_118 = %scan3A_110 to %scan3A_112 step %scan3A_113 iter_args(%scan3A_119 = %scan3A_109) -> (i32)  : i32 {
      %mul3A_120 = arith.constant 16 : i32
      %mul3A_121 = arith.muli %scan3A_118, %mul3A_120 : i32
      %scan3A_122 = arith.constant 0 : i32
      %scan3A_123 = arith.constant 0 : i32
      %scan3A_124 = arith.constant 16 : i32
      %scan3A_125 = arith.addi %scan3A_123, %scan3A_124 : i32
      %scan3A_126 = arith.constant 2 : i32
      %scan3A_127 = scf.for %scan3A_214 = %scan3A_123 to %scan3A_125 step %scan3A_126 iter_args(%scan3A_215 = %scan3A_122) -> (i32)  : i32 {
        %add3A_216 = arith.addi %mul3A_121, %scan3A_214 : i32
        %get3A = arith.constant 0 : i32
        %get3A_217 = arith.constant 0 : i32
        %get3A_218 = tpu.memref_slice %arg8[%scan3A_107, %get3A, %get3A_217] : memref<4x80x64xi32, #tpu.memory_space<vmem>> -> memref<1x80x64xi32, #tpu.memory_space<vmem>>
        %get3A_219 = tpu.memref_squeeze %get3A_218 : memref<1x80x64xi32, #tpu.memory_space<vmem>> -> memref<80x64xi32, #tpu.memory_space<vmem>>
        %get3A_220 = arith.index_cast %add3A_216 : i32 to index
        %get3A_221 = arith.constant 0 : index
        %get3A_222 = tpu.vector_load %get3A_219[%get3A_220, %get3A_221] {strides = array<i32>} : memref<80x64xi32, #tpu.memory_space<vmem>>, vector<16xi32>,
        %bitcast3A = vector.bitcast %get3A_222 : vector<16xi32> to vector<32xbf16>
        %get3A_223 = arith.constant 0 : i32
        %get3A_224 = arith.constant 0 : i32
        %get3A_225 = tpu.memref_slice %arg9[%scan3A_108, %get3A_223, %get3A_224] : memref<4x80x64xi32, #tpu.memory_space<vmem>> -> memref<1x80x64xi32, #tpu.memory_space<vmem>>
        %get3A_226 = tpu.memref_squeeze %get3A_225 : memref<1x80x64xi32, #tpu.memory_space<vmem>> -> memref<80x64xi32, #tpu.memory_space<vmem>>
        %get3A_227 = arith.index_cast %add3A_216 : i32 to index
        %get3A_228 = arith.constant 0 : index
        %get3A_229 = tpu.vector_load %get3A_226[%get3A_227, %get3A_228] {strides = array<i32>} : memref<80x64xi32, #tpu.memory_space<vmem>>, vector<16xi32>,
        %bitcast3A_230 = vector.bitcast %get3A_229 : vector<16xi32> to vector<32xbf16>
        %mul3A_231 = arith.mulf %bitcast3A, %bitcast3A_230 : vector<32xbf16>
        %unpack3A = tpu.unpack_subelements %mul3A_231, 0 {pack_format = #tpu.pack_format<interleaved>} : vector<32xbf16> -> vector<16xf32>
        %unpack3A_232 = tpu.unpack_subelements %mul3A_231, 1 {pack_format = #tpu.pack_format<interleaved>} : vector<32xbf16> -> vector<16xf32>
        %get3A_233 = arith.constant 0 : i32
        %get3A_234 = arith.constant 0 : i32
        %get3A_235 = tpu.memref_slice %arg8[%scan3A_107, %get3A_233, %get3A_234] : memref<4x80x64xi32, #tpu.memory_space<vmem>> -> memref<1x80x64xi32, #tpu.memory_space<vmem>>
        %get3A_236 = tpu.memref_squeeze %get3A_235 : memref<1x80x64xi32, #tpu.memory_space<vmem>> -> memref<80x64xi32, #tpu.memory_space<vmem>>
        %get3A_237 = arith.index_cast %add3A_216 : i32 to index
        %get3A_238 = arith.constant 16 : index
        %get3A_239 = tpu.vector_load %get3A_236[%get3A_237, %get3A_238] {strides = array<i32>} : memref<80x64xi32, #tpu.memory_space<vmem>>, vector<16xi32>,
        %bitcast3A_240 = vector.bitcast %get3A_239 : vector<16xi32> to vector<32xbf16>
        %get3A_241 = arith.constant 0 : i32
        %get3A_242 = arith.constant 0 : i32
        %get3A_243 = tpu.memref_slice %arg9[%scan3A_108, %get3A_241, %get3A_242] : memref<4x80x64xi32, #tpu.memory_space<vmem>> -> memref<1x80x64xi32, #tpu.memory_space<vmem>>
        %get3A_244 = tpu.memref_squeeze %get3A_243 : memref<1x80x64xi32, #tpu.memory_space<vmem>> -> memref<80x64xi32, #tpu.memory_space<vmem>>
        %get3A_245 = arith.index_cast %add3A_216 : i32 to index
        %get3A_246 = arith.constant 16 : index
        %get3A_247 = tpu.vector_load %get3A_244[%get3A_245, %get3A_246] {strides = array<i32>} : memref<80x64xi32, #tpu.memory_space<vmem>>, vector<16xi32>,
        %bitcast3A_248 = vector.bitcast %get3A_247 : vector<16xi32> to vector<32xbf16>
        %mul3A_249 = arith.mulf %bitcast3A_240, %bitcast3A_248 : vector<32xbf16>
        %unpack3A_250 = tpu.unpack_subelements %mul3A_249, 0 {pack_format = #tpu.pack_format<interleaved>} : vector<32xbf16> -> vector<16xf32>
        %unpack3A_251 = tpu.unpack_subelements %mul3A_249, 1 {pack_format = #tpu.pack_format<interleaved>} : vector<32xbf16> -> vector<16xf32>
        %get3A_252 = arith.constant 0 : i32
        %get3A_253 = arith.constant 0 : i32
        %get3A_254 = tpu.memref_slice %arg8[%scan3A_107, %get3A_252, %get3A_253] : memref<4x80x64xi32, #tpu.memory_space<vmem>> -> memref<1x80x64xi32, #tpu.memory_space<vmem>>
        %get3A_255 = tpu.memref_squeeze %get3A_254 : memref<1x80x64xi32, #tpu.memory_space<vmem>> -> memref<80x64xi32, #tpu.memory_space<vmem>>
        %get3A_256 = arith.index_cast %add3A_216 : i32 to index
        %get3A_257 = arith.constant 32 : index
        %get3A_258 = tpu.vector_load %get3A_255[%get3A_256, %get3A_257] {strides = array<i32>} : memref<80x64xi32, #tpu.memory_space<vmem>>, vector<16xi32>,
        %bitcast3A_259 = vector.bitcast %get3A_258 : vector<16xi32> to vector<32xbf16>
        %get3A_260 = arith.constant 0 : i32
        %get3A_261 = arith.constant 0 : i32
        %get3A_262 = tpu.memref_slice %arg9[%scan3A_108, %get3A_260, %get3A_261] : memref<4x80x64xi32, #tpu.memory_space<vmem>> -> memref<1x80x64xi32, #tpu.memory_space<vmem>>
        %get3A_263 = tpu.memref_squeeze %get3A_262 : memref<1x80x64xi32, #tpu.memory_space<vmem>> -> memref<80x64xi32, #tpu.memory_space<vmem>>
        %get3A_264 = arith.index_cast %add3A_216 : i32 to index
        %get3A_265 = arith.constant 32 : index
        %get3A_266 = tpu.vector_load %get3A_263[%get3A_264, %get3A_265] {strides = array<i32>} : memref<80x64xi32, #tpu.memory_space<vmem>>, vector<16xi32>,
        %bitcast3A_267 = vector.bitcast %get3A_266 : vector<16xi32> to vector<32xbf16>
        %mul3A_268 = arith.mulf %bitcast3A_259, %bitcast3A_267 : vector<32xbf16>
        %unpack3A_269 = tpu.unpack_subelements %mul3A_268, 0 {pack_format = #tpu.pack_format<interleaved>} : vector<32xbf16> -> vector<16xf32>
        %unpack3A_270 = tpu.unpack_subelements %mul3A_268, 1 {pack_format = #tpu.pack_format<interleaved>} : vector<32xbf16> -> vector<16xf32>
        %get3A_271 = arith.constant 0 : i32
        %get3A_272 = arith.constant 0 : i32
        %get3A_273 = tpu.memref_slice %arg8[%scan3A_107, %get3A_271, %get3A_272] : memref<4x80x64xi32, #tpu.memory_space<vmem>> -> memref<1x80x64xi32, #tpu.memory_space<vmem>>
        %get3A_274 = tpu.memref_squeeze %get3A_273 : memref<1x80x64xi32, #tpu.memory_space<vmem>> -> memref<80x64xi32, #tpu.memory_space<vmem>>
        %get3A_275 = arith.index_cast %add3A_216 : i32 to index
        %get3A_276 = arith.constant 48 : index
        %get3A_277 = tpu.vector_load %get3A_274[%get3A_275, %get3A_276] {strides = array<i32>} : memref<80x64xi32, #tpu.memory_space<vmem>>, vector<16xi32>,
        %bitcast3A_278 = vector.bitcast %get3A_277 : vector<16xi32> to vector<32xbf16>
        %get3A_279 = arith.constant 0 : i32
        %get3A_280 = arith.constant 0 : i32
        %get3A_281 = tpu.memref_slice %arg9[%scan3A_108, %get3A_279, %get3A_280] : memref<4x80x64xi32, #tpu.memory_space<vmem>> -> memref<1x80x64xi32, #tpu.memory_space<vmem>>
        %get3A_282 = tpu.memref_squeeze %get3A_281 : memref<1x80x64xi32, #tpu.memory_space<vmem>> -> memref<80x64xi32, #tpu.memory_space<vmem>>
        %get3A_283 = arith.index_cast %add3A_216 : i32 to index
        %get3A_284 = arith.constant 48 : index
        %get3A_285 = tpu.vector_load %get3A_282[%get3A_283, %get3A_284] {strides = array<i32>} : memref<80x64xi32, #tpu.memory_space<vmem>>, vector<16xi32>,
        %bitcast3A_286 = vector.bitcast %get3A_285 : vector<16xi32> to vector<32xbf16>
        %mul3A_287 = arith.mulf %bitcast3A_278, %bitcast3A_286 : vector<32xbf16>
        %unpack3A_288 = tpu.unpack_subelements %mul3A_287, 0 {pack_format = #tpu.pack_format<interleaved>} : vector<32xbf16> -> vector<16xf32>
        %unpack3A_289 = tpu.unpack_subelements %mul3A_287, 1 {pack_format = #tpu.pack_format<interleaved>} : vector<32xbf16> -> vector<16xf32>
        %add3A_290 = arith.addf %unpack3A, %unpack3A_232 : vector<16xf32>
        %add3A_291 = arith.addf %unpack3A_250, %unpack3A_251 : vector<16xf32>
        %add3A_292 = arith.addf %unpack3A_269, %unpack3A_270 : vector<16xf32>
        %add3A_293 = arith.addf %unpack3A_288, %unpack3A_289 : vector<16xf32>
        %add3A_294 = arith.addf %add3A_290, %add3A_291 : vector<16xf32>
        %add3A_295 = arith.addf %add3A_292, %add3A_293 : vector<16xf32>
        %add3A_296 = arith.addf %add3A_294, %add3A_295 : vector<16xf32>
        %mul3A_297 = arith.constant 16 : i32
        %mul3A_298 = arith.muli %scan3A_214, %mul3A_297 : i32
        %swap3A_299 = arith.index_cast %mul3A_298 : i32 to index
        %swap3A_300 = tpu.vector_load %arg11[%swap3A_299] {strides = array<i32>} : memref<256xf32, #tpu.memory_space<vmem>>, vector<16xf32>,
        tpu.vector_store %arg11[%swap3A_299], %add3A_296 {strides = array<i32>} : memref<256xf32, #tpu.memory_space<vmem>>, vector<16xf32>,
        %scan3A_301 = arith.constant 0 : i32
        %scan3A_302 = arith.constant 1 : i32
        %scan3A_303 = arith.addi %scan3A_214, %scan3A_302 : i32
        %add3A_304 = arith.addi %mul3A_121, %scan3A_303 : i32
        %get3A_305 = arith.constant 0 : i32
        %get3A_306 = arith.constant 0 : i32
        %get3A_307 = tpu.memref_slice %arg8[%scan3A_107, %get3A_305, %get3A_306] : memref<4x80x64xi32, #tpu.memory_space<vmem>> -> memref<1x80x64xi32, #tpu.memory_space<vmem>>
        %get3A_308 = tpu.memref_squeeze %get3A_307 : memref<1x80x64xi32, #tpu.memory_space<vmem>> -> memref<80x64xi32, #tpu.memory_space<vmem>>
        %get3A_309 = arith.index_cast %add3A_304 : i32 to index
        %get3A_310 = arith.constant 0 : index
        %get3A_311 = tpu.vector_load %get3A_308[%get3A_309, %get3A_310] {strides = array<i32>} : memref<80x64xi32, #tpu.memory_space<vmem>>, vector<16xi32>,
        %bitcast3A_312 = vector.bitcast %get3A_311 : vector<16xi32> to vector<32xbf16>
        %get3A_313 = arith.constant 0 : i32
        %get3A_314 = arith.constant 0 : i32
        %get3A_315 = tpu.memref_slice %arg9[%scan3A_108, %get3A_313, %get3A_314] : memref<4x80x64xi32, #tpu.memory_space<vmem>> -> memref<1x80x64xi32, #tpu.memory_space<vmem>>
        %get3A_316 = tpu.memref_squeeze %get3A_315 : memref<1x80x64xi32, #tpu.memory_space<vmem>> -> memref<80x64xi32, #tpu.memory_space<vmem>>
        %get3A_317 = arith.index_cast %add3A_304 : i32 to index
        %get3A_318 = arith.constant 0 : index
        %get3A_319 = tpu.vector_load %get3A_316[%get3A_317, %get3A_318] {strides = array<i32>} : memref<80x64xi32, #tpu.memory_space<vmem>>, vector<16xi32>,
        %bitcast3A_320 = vector.bitcast %get3A_319 : vector<16xi32> to vector<32xbf16>
        %mul3A_321 = arith.mulf %bitcast3A_312, %bitcast3A_320 : vector<32xbf16>
        %unpack3A_322 = tpu.unpack_subelements %mul3A_321, 0 {pack_format = #tpu.pack_format<interleaved>} : vector<32xbf16> -> vector<16xf32>
        %unpack3A_323 = tpu.unpack_subelements %mul3A_321, 1 {pack_format = #tpu.pack_format<interleaved>} : vector<32xbf16> -> vector<16xf32>
        %get3A_324 = arith.constant 0 : i32
        %get3A_325 = arith.constant 0 : i32
        %get3A_326 = tpu.memref_slice %arg8[%scan3A_107, %get3A_324, %get3A_325] : memref<4x80x64xi32, #tpu.memory_space<vmem>> -> memref<1x80x64xi32, #tpu.memory_space<vmem>>
        %get3A_327 = tpu.memref_squeeze %get3A_326 : memref<1x80x64xi32, #tpu.memory_space<vmem>> -> memref<80x64xi32, #tpu.memory_space<vmem>>
        %get3A_328 = arith.index_cast %add3A_304 : i32 to index
        %get3A_329 = arith.constant 16 : index
        %get3A_330 = tpu.vector_load %get3A_327[%get3A_328, %get3A_329] {strides = array<i32>} : memref<80x64xi32, #tpu.memory_space<vmem>>, vector<16xi32>,
        %bitcast3A_331 = vector.bitcast %get3A_330 : vector<16xi32> to vector<32xbf16>
        %get3A_332 = arith.constant 0 : i32
        %get3A_333 = arith.constant 0 : i32
        %get3A_334 = tpu.memref_slice %arg9[%scan3A_108, %get3A_332, %get3A_333] : memref<4x80x64xi32, #tpu.memory_space<vmem>> -> memref<1x80x64xi32, #tpu.memory_space<vmem>>
        %get3A_335 = tpu.memref_squeeze %get3A_334 : memref<1x80x64xi32, #tpu.memory_space<vmem>> -> memref<80x64xi32, #tpu.memory_space<vmem>>
        %get3A_336 = arith.index_cast %add3A_304 : i32 to index
        %get3A_337 = arith.constant 16 : index
        %get3A_338 = tpu.vector_load %get3A_335[%get3A_336, %get3A_337] {strides = array<i32>} : memref<80x64xi32, #tpu.memory_space<vmem>>, vector<16xi32>,
        %bitcast3A_339 = vector.bitcast %get3A_338 : vector<16xi32> to vector<32xbf16>
        %mul3A_340 = arith.mulf %bitcast3A_331, %bitcast3A_339 : vector<32xbf16>
        %unpack3A_341 = tpu.unpack_subelements %mul3A_340, 0 {pack_format = #tpu.pack_format<interleaved>} : vector<32xbf16> -> vector<16xf32>
        %unpack3A_342 = tpu.unpack_subelements %mul3A_340, 1 {pack_format = #tpu.pack_format<interleaved>} : vector<32xbf16> -> vector<16xf32>
        %get3A_343 = arith.constant 0 : i32
        %get3A_344 = arith.constant 0 : i32
        %get3A_345 = tpu.memref_slice %arg8[%scan3A_107, %get3A_343, %get3A_344] : memref<4x80x64xi32, #tpu.memory_space<vmem>> -> memref<1x80x64xi32, #tpu.memory_space<vmem>>
        %get3A_346 = tpu.memref_squeeze %get3A_345 : memref<1x80x64xi32, #tpu.memory_space<vmem>> -> memref<80x64xi32, #tpu.memory_space<vmem>>
        %get3A_347 = arith.index_cast %add3A_304 : i32 to index
        %get3A_348 = arith.constant 32 : index
        %get3A_349 = tpu.vector_load %get3A_346[%get3A_347, %get3A_348] {strides = array<i32>} : memref<80x64xi32, #tpu.memory_space<vmem>>, vector<16xi32>,
        %bitcast3A_350 = vector.bitcast %get3A_349 : vector<16xi32> to vector<32xbf16>
        %get3A_351 = arith.constant 0 : i32
        %get3A_352 = arith.constant 0 : i32
        %get3A_353 = tpu.memref_slice %arg9[%scan3A_108, %get3A_351, %get3A_352] : memref<4x80x64xi32, #tpu.memory_space<vmem>> -> memref<1x80x64xi32, #tpu.memory_space<vmem>>
        %get3A_354 = tpu.memref_squeeze %get3A_353 : memref<1x80x64xi32, #tpu.memory_space<vmem>> -> memref<80x64xi32, #tpu.memory_space<vmem>>
        %get3A_355 = arith.index_cast %add3A_304 : i32 to index
        %get3A_356 = arith.constant 32 : index
        %get3A_357 = tpu.vector_load %get3A_354[%get3A_355, %get3A_356] {strides = array<i32>} : memref<80x64xi32, #tpu.memory_space<vmem>>, vector<16xi32>,
        %bitcast3A_358 = vector.bitcast %get3A_357 : vector<16xi32> to vector<32xbf16>
        %mul3A_359 = arith.mulf %bitcast3A_350, %bitcast3A_358 : vector<32xbf16>
        %unpack3A_360 = tpu.unpack_subelements %mul3A_359, 0 {pack_format = #tpu.pack_format<interleaved>} : vector<32xbf16> -> vector<16xf32>
        %unpack3A_361 = tpu.unpack_subelements %mul3A_359, 1 {pack_format = #tpu.pack_format<interleaved>} : vector<32xbf16> -> vector<16xf32>
        %get3A_362 = arith.constant 0 : i32
        %get3A_363 = arith.constant 0 : i32
        %get3A_364 = tpu.memref_slice %arg8[%scan3A_107, %get3A_362, %get3A_363] : memref<4x80x64xi32, #tpu.memory_space<vmem>> -> memref<1x80x64xi32, #tpu.memory_space<vmem>>
        %get3A_365 = tpu.memref_squeeze %get3A_364 : memref<1x80x64xi32, #tpu.memory_space<vmem>> -> memref<80x64xi32, #tpu.memory_space<vmem>>
        %get3A_366 = arith.index_cast %add3A_304 : i32 to index
        %get3A_367 = arith.constant 48 : index
        %get3A_368 = tpu.vector_load %get3A_365[%get3A_366, %get3A_367] {strides = array<i32>} : memref<80x64xi32, #tpu.memory_space<vmem>>, vector<16xi32>,
        %bitcast3A_369 = vector.bitcast %get3A_368 : vector<16xi32> to vector<32xbf16>
        %get3A_370 = arith.constant 0 : i32
        %get3A_371 = arith.constant 0 : i32
        %get3A_372 = tpu.memref_slice %arg9[%scan3A_108, %get3A_370, %get3A_371] : memref<4x80x64xi32, #tpu.memory_space<vmem>> -> memref<1x80x64xi32, #tpu.memory_space<vmem>>
        %get3A_373 = tpu.memref_squeeze %get3A_372 : memref<1x80x64xi32, #tpu.memory_space<vmem>> -> memref<80x64xi32, #tpu.memory_space<vmem>>
        %get3A_374 = arith.index_cast %add3A_304 : i32 to index
        %get3A_375 = arith.constant 48 : index
        %get3A_376 = tpu.vector_load %get3A_373[%get3A_374, %get3A_375] {strides = array<i32>} : memref<80x64xi32, #tpu.memory_space<vmem>>, vector<16xi32>,
        %bitcast3A_377 = vector.bitcast %get3A_376 : vector<16xi32> to vector<32xbf16>
        %mul3A_378 = arith.mulf %bitcast3A_369, %bitcast3A_377 : vector<32xbf16>
        %unpack3A_379 = tpu.unpack_subelements %mul3A_378, 0 {pack_format = #tpu.pack_format<interleaved>} : vector<32xbf16> -> vector<16xf32>
        %unpack3A_380 = tpu.unpack_subelements %mul3A_378, 1 {pack_format = #tpu.pack_format<interleaved>} : vector<32xbf16> -> vector<16xf32>
        %add3A_381 = arith.addf %unpack3A_322, %unpack3A_323 : vector<16xf32>
        %add3A_382 = arith.addf %unpack3A_341, %unpack3A_342 : vector<16xf32>
        %add3A_383 = arith.addf %unpack3A_360, %unpack3A_361 : vector<16xf32>
        %add3A_384 = arith.addf %unpack3A_379, %unpack3A_380 : vector<16xf32>
        %add3A_385 = arith.addf %add3A_381, %add3A_382 : vector<16xf32>
        %add3A_386 = arith.addf %add3A_383, %add3A_384 : vector<16xf32>
        %add3A_387 = arith.addf %add3A_385, %add3A_386 : vector<16xf32>
        %mul3A_388 = arith.constant 16 : i32
        %mul3A_389 = arith.muli %scan3A_303, %mul3A_388 : i32
        %swap3A_390 = arith.index_cast %mul3A_389 : i32 to index
        %swap3A_391 = tpu.vector_load %arg11[%swap3A_390] {strides = array<i32>} : memref<256xf32, #tpu.memory_space<vmem>>, vector<16xf32>,
        tpu.vector_store %arg11[%swap3A_390], %add3A_387 {strides = array<i32>} : memref<256xf32, #tpu.memory_space<vmem>>, vector<16xf32>,
        %scan3A_392 = arith.constant 0 : i32
        scf.yield %scan3A_392 : i32
      }
      %scan3A_128 = arith.constant 16 : i32
      %iota3A = tpu.iota {dimensions = array<i32: 0>} : vector<16xi32>
      %mul3A_129 = arith.constant 16 : i32
      %mul3A_130 = vector.broadcast %mul3A_129 : i32 to vector<16xi32>
      %mul3A_131 = arith.muli %iota3A, %mul3A_130 : vector<16xi32>
      %add3A_132 = arith.constant 0 : i32
      %add3A_133 = vector.broadcast %add3A_132 : i32 to vector<16xi32>
      %add3A_134 = arith.addi %mul3A_131, %add3A_133 : vector<16xi32>
      %gather3A = tpu.vector_load_idx %arg11[%add3A_134] : memref<256xf32, #tpu.memory_space<vmem>>[vector<16xi32>], vector<16xf32>,
      %add3A_135 = arith.constant 1 : i32
      %add3A_136 = vector.broadcast %add3A_135 : i32 to vector<16xi32>
      %add3A_137 = arith.addi %mul3A_131, %add3A_136 : vector<16xi32>
      %gather3A_138 = tpu.vector_load_idx %arg11[%add3A_137] : memref<256xf32, #tpu.memory_space<vmem>>[vector<16xi32>], vector<16xf32>,
      %add3A_139 = arith.constant 2 : i32
      %add3A_140 = vector.broadcast %add3A_139 : i32 to vector<16xi32>
      %add3A_141 = arith.addi %mul3A_131, %add3A_140 : vector<16xi32>
      %gather3A_142 = tpu.vector_load_idx %arg11[%add3A_141] : memref<256xf32, #tpu.memory_space<vmem>>[vector<16xi32>], vector<16xf32>,
      %add3A_143 = arith.constant 3 : i32
      %add3A_144 = vector.broadcast %add3A_143 : i32 to vector<16xi32>
      %add3A_145 = arith.addi %mul3A_131, %add3A_144 : vector<16xi32>
      %gather3A_146 = tpu.vector_load_idx %arg11[%add3A_145] : memref<256xf32, #tpu.memory_space<vmem>>[vector<16xi32>], vector<16xf32>,
      %add3A_147 = arith.constant 4 : i32
      %add3A_148 = vector.broadcast %add3A_147 : i32 to vector<16xi32>
      %add3A_149 = arith.addi %mul3A_131, %add3A_148 : vector<16xi32>
      %gather3A_150 = tpu.vector_load_idx %arg11[%add3A_149] : memref<256xf32, #tpu.memory_space<vmem>>[vector<16xi32>], vector<16xf32>,
      %add3A_151 = arith.constant 5 : i32
      %add3A_152 = vector.broadcast %add3A_151 : i32 to vector<16xi32>
      %add3A_153 = arith.addi %mul3A_131, %add3A_152 : vector<16xi32>
      %gather3A_154 = tpu.vector_load_idx %arg11[%add3A_153] : memref<256xf32, #tpu.memory_space<vmem>>[vector<16xi32>], vector<16xf32>,
      %add3A_155 = arith.constant 6 : i32
      %add3A_156 = vector.broadcast %add3A_155 : i32 to vector<16xi32>
      %add3A_157 = arith.addi %mul3A_131, %add3A_156 : vector<16xi32>
      %gather3A_158 = tpu.vector_load_idx %arg11[%add3A_157] : memref<256xf32, #tpu.memory_space<vmem>>[vector<16xi32>], vector<16xf32>,
      %add3A_159 = arith.constant 7 : i32
      %add3A_160 = vector.broadcast %add3A_159 : i32 to vector<16xi32>
      %add3A_161 = arith.addi %mul3A_131, %add3A_160 : vector<16xi32>
      %gather3A_162 = tpu.vector_load_idx %arg11[%add3A_161] : memref<256xf32, #tpu.memory_space<vmem>>[vector<16xi32>], vector<16xf32>,
      %add3A_163 = arith.constant 8 : i32
      %add3A_164 = vector.broadcast %add3A_163 : i32 to vector<16xi32>
      %add3A_165 = arith.addi %mul3A_131, %add3A_164 : vector<16xi32>
      %gather3A_166 = tpu.vector_load_idx %arg11[%add3A_165] : memref<256xf32, #tpu.memory_space<vmem>>[vector<16xi32>], vector<16xf32>,
      %add3A_167 = arith.constant 9 : i32
      %add3A_168 = vector.broadcast %add3A_167 : i32 to vector<16xi32>
      %add3A_169 = arith.addi %mul3A_131, %add3A_168 : vector<16xi32>
      %gather3A_170 = tpu.vector_load_idx %arg11[%add3A_169] : memref<256xf32, #tpu.memory_space<vmem>>[vector<16xi32>], vector<16xf32>,
      %add3A_171 = arith.constant 10 : i32
      %add3A_172 = vector.broadcast %add3A_171 : i32 to vector<16xi32>
      %add3A_173 = arith.addi %mul3A_131, %add3A_172 : vector<16xi32>
      %gather3A_174 = tpu.vector_load_idx %arg11[%add3A_173] : memref<256xf32, #tpu.memory_space<vmem>>[vector<16xi32>], vector<16xf32>,
      %add3A_175 = arith.constant 11 : i32
      %add3A_176 = vector.broadcast %add3A_175 : i32 to vector<16xi32>
      %add3A_177 = arith.addi %mul3A_131, %add3A_176 : vector<16xi32>
      %gather3A_178 = tpu.vector_load_idx %arg11[%add3A_177] : memref<256xf32, #tpu.memory_space<vmem>>[vector<16xi32>], vector<16xf32>,
      %add3A_179 = arith.constant 12 : i32
      %add3A_180 = vector.broadcast %add3A_179 : i32 to vector<16xi32>
      %add3A_181 = arith.addi %mul3A_131, %add3A_180 : vector<16xi32>
      %gather3A_182 = tpu.vector_load_idx %arg11[%add3A_181] : memref<256xf32, #tpu.memory_space<vmem>>[vector<16xi32>], vector<16xf32>,
      %add3A_183 = arith.constant 13 : i32
      %add3A_184 = vector.broadcast %add3A_183 : i32 to vector<16xi32>
      %add3A_185 = arith.addi %mul3A_131, %add3A_184 : vector<16xi32>
      %gather3A_186 = tpu.vector_load_idx %arg11[%add3A_185] : memref<256xf32, #tpu.memory_space<vmem>>[vector<16xi32>], vector<16xf32>,
      %add3A_187 = arith.constant 14 : i32
      %add3A_188 = vector.broadcast %add3A_187 : i32 to vector<16xi32>
      %add3A_189 = arith.addi %mul3A_131, %add3A_188 : vector<16xi32>
      %gather3A_190 = tpu.vector_load_idx %arg11[%add3A_189] : memref<256xf32, #tpu.memory_space<vmem>>[vector<16xi32>], vector<16xf32>,
      %add3A_191 = arith.constant 15 : i32
      %add3A_192 = vector.broadcast %add3A_191 : i32 to vector<16xi32>
      %add3A_193 = arith.addi %mul3A_131, %add3A_192 : vector<16xi32>
      %gather3A_194 = tpu.vector_load_idx %arg11[%add3A_193] : memref<256xf32, #tpu.memory_space<vmem>>[vector<16xi32>], vector<16xf32>,
      %add3A_195 = arith.addf %gather3A, %gather3A_138 : vector<16xf32>
      %add3A_196 = arith.addf %gather3A_142, %gather3A_146 : vector<16xf32>
      %add3A_197 = arith.addf %gather3A_150, %gather3A_154 : vector<16xf32>
      %add3A_198 = arith.addf %gather3A_158, %gather3A_162 : vector<16xf32>
      %add3A_199 = arith.addf %gather3A_166, %gather3A_170 : vector<16xf32>
      %add3A_200 = arith.addf %gather3A_174, %gather3A_178 : vector<16xf32>
      %add3A_201 = arith.addf %gather3A_182, %gather3A_186 : vector<16xf32>
      %add3A_202 = arith.addf %gather3A_190, %gather3A_194 : vector<16xf32>
      %add3A_203 = arith.addf %add3A_195, %add3A_196 : vector<16xf32>
      %add3A_204 = arith.addf %add3A_197, %add3A_198 : vector<16xf32>
      %add3A_205 = arith.addf %add3A_199, %add3A_200 : vector<16xf32>
      %add3A_206 = arith.addf %add3A_201, %add3A_202 : vector<16xf32>
      %add3A_207 = arith.addf %add3A_203, %add3A_204 : vector<16xf32>
      %add3A_208 = arith.addf %add3A_205, %add3A_206 : vector<16xf32>
      %add3A_209 = arith.addf %add3A_207, %add3A_208 : vector<16xf32>
      %add3A_210 = arith.constant 9920 : i32
      %add3A_211 = arith.addi %add3A_210, %mul3A_121 : i32
      %swap3A = arith.index_cast %add3A_211 : i32 to index
      %swap3A_212 = tpu.vector_load %arg10[%swap3A] {strides = array<i32>} : memref<10000xf32, #tpu.memory_space<vmem>>, vector<16xf32>,
      tpu.vector_store %arg10[%swap3A], %add3A_209 {strides = array<i32>} : memref<10000xf32, #tpu.memory_space<vmem>>, vector<16xf32>,
      %scan3A_213 = arith.constant 0 : i32
      scf.yield %scan3A_213 : i32
    }
    %scan3A_115 = arith.constant 5 : i32
    %mul3A_116 = arith.constant 10000 : i32
    %mul3A_117 = arith.muli %add3A, %mul3A_116 : i32
    "tpu.region"() ({
      %run_scoped3A = tpu.sem_alloc : memref<!tpu.dma_semaphore, #tpu.memory_space<semaphore_mem>>
      %dma_start3A_118 = tpu.memref_slice %arg5[%mul3A_117] : memref<320000xf32, #tpu.memory_space<hbm>> -> memref<10000xf32, #tpu.memory_space<hbm>>
      %dma_start3A_119 = tpu.memref_slice %arg5[%mul3A_117] : memref<320000xf32, #tpu.memory_space<hbm>> -> memref<10000xf32, #tpu.memory_space<hbm>>
      tpu.enqueue_dma source(%arg10 : memref<10000xf32, #tpu.memory_space<vmem>>) target(%dma_start3A_119 : memref<10000xf32, #tpu.memory_space<hbm>>) target_semaphore(%run_scoped3A : memref<!tpu.dma_semaphore, #tpu.memory_space<semaphore_mem>>)
      %dma_wait3A_120 = tpu.memref_slice %arg5[%mul3A_117] : memref<320000xf32, #tpu.memory_space<hbm>> -> memref<10000xf32, #tpu.memory_space<hbm>>
      %dma_wait3A_121 = tpu.memref_slice %arg5[%mul3A_117] : memref<320000xf32, #tpu.memory_space<hbm>> -> memref<10000xf32, #tpu.memory_space<hbm>>
      tpu.wait_dma2 semaphore(%run_scoped3A : memref<!tpu.dma_semaphore, #tpu.memory_space<semaphore_mem>>) src(%arg10 : memref<10000xf32, #tpu.memory_space<vmem>>) dst(%dma_wait3A_121 : memref<10000xf32, #tpu.memory_space<hbm>>)
      tpu.yield
    }) : () -> ()
    return
  }
}

</mosaic_0001>

<sc_bundles>
// kernel: run.3.cloned.1.call-start
scs
__scs_entry_jumppad:
0x0: {  	(pc) =	sbr.rel $0x88, $3  }
0x1: {  	(tag) =	ssettag $0x0;
	lr =	simm.s32 $0x1  }
0x2: {  	[smem:$0x3F9E] =	sst lr;
	_ =	strace $0xD0000000  }
0x3: {  	_ = 	snop  }
0x4: {  	_ = 	snop  }
0x5: {  	_ = 	snop  }
0x6: {  	_ = 	snop  }
0x7: {  	_ = 	snop  }
__scs_overlays_trampoline_lowered:
0x8: {  	[smem:$0x3FAD] =	sst s0  }
0x9: {  	[smem:$0x3FAE] =	sst s1  }
0xa: {  	[smem:$0x3FAF] =	sst s2  }
0xb: {  	[smem:$0x3FB0] =	sst s3  }
0xc: {  	[smem:$0x3FB1] =	sst s4  }
0xd: {  	[smem:$0x3FB2] =	sst s5  }
0xe: {  	[smem:$0x3FB3] =	sst s6  }
0xf: {  	[smem:$0x3FB4] =	sst s7  }
0x10: {  	[smem:$0x3FB5] =	sst s8  }
0x11: {  	[smem:$0x3FB6] =	sst s9;
	s0 =	simm.s32 @!p0 $0x0  }
0x12: {  	s1 =	sld [smem:$0x3F9C];
	s0 =	simm.s32 @p0 $0x1  }
0x13: {  	[smem:$0x3FB7] =	sst s0;
	s0 =	simm.s32 @!p1 $0x0  }
0x14: {  	s2 =	sld [smem:$0x3F9B];
	s0 =	simm.s32 @p1 $0x1  }
0x15: {  	[smem:$0x3FB8] =	sst s0;
	s0 =	simm.s32 @!p2 $0x0  }
0x16: {  	s3 =	sld [smem:$0x3FDB];
	s0 =	simm.s32 @p2 $0x1  }
0x17: {  	s4 =	simm.s32 $0x1BF5;
	[smem:$0x3FBA] =	sst s0  }
0x18: {  	s0 =	sld [smem:$0x3F9D];
	_ =	swait.ge [sflag:s4], $0x0  }
0x19: {  	s7 =	sld [smem:$0x3F9E]  }
0x1a: {  	s8 =	sadd.s32 $0xFFFFE003, lr  }
0x1b: {  	s9 =	sadd.s32 $0xFFFFFEF7, lr;
	s5 =	simm.s32 $0xFFFFFFFF;
	p2 =	slt.u32 s8, $0xFFFFF086  }
0x1c: {  	p1 =	slt.u32 s9, $0xF7A;
	s5 =	simm.s32 @!p2 $0x0  }
0x1d: {  	s5 =	simm.s32 @p1 $0x1;
	p0 =	seq.s32 s7, s2  }
0x1e: {  	s7 =	smul.u32 @!p0 $0xF7A, s2;
	p2 =	seq.s32 @!p0 s5, $0x0  }
0x1f: {  	s9 =	smul.u32 $0xF7A, s1;
	s8 =	simm.s32 @!p0 $0x1BF5;
	p2 =	por !p2, p0  }
0x20: {  	[sflag:s8] =	ssyncset.s32 @!p0 $0xFFFFF086;
	s6 =	sadd.s32 @!p0 s3, s7;
	s7 =	simm.s32 @!p0 $0x108  }
0x21: {  	s3 =	sadd.s32 s3, s9;
	s6 =	sadd.s32 @!p0 $0x88, s6;
	s7 =	simm.s32 @p2 $0x1082  }
0x22: {  	[simem:s7], [sflag:s8] =	dma.local @!p0 [hbm:s6], $0xF7A  }
0x23: {  	s9 =	sor.u32 $0xD0000000, s2;
	s6 =	simm.s32 $0x108;
	_ =	swait.ge @!p0 [sflag:s8], $0x0  }
0x24: {  	s3 =	sadd.s32 $0x88, s3;
	s6 =	simm.s32 @!p1 $0x1082;
	[sflag:s4] =	ssyncset.s32 $0xFFFFF086  }
0x25: {  	[simem:s6], [sflag:s4] =	dma.local [hbm:s3], $0xF7A  }
0x26: {  	[smem:$0x3F9E] =	sst s1;
	(tag) =	ssettag s2;
	_ =	strace s9  }
0x27: {  	s1 =	sld [smem:$0x3FAE]  }
0x28: {  	s2 =	sld [smem:$0x3FAF]  }
0x29: {  	s4 =	sld [smem:$0x3FB1]  }
0x2a: {  	p0 =	seq.s32 s5, $0x0;
	s5 =	sld [smem:$0x3FB2]  }
0x2b: {  	s6 =	sld [smem:$0x3FB3]  }
0x2c: {  	s7 =	sld [smem:$0x3FB4]  }
0x2d: {  	s3 =	simm.s32 $0x108;
	s8 =	sld [smem:$0x3FB5]  }
0x2e: {  	s3 =	simm.s32 @!p0 $0x1082;
	s9 =	sld [smem:$0x3FB6]  }
0x2f: {  	lr =	sadd.s32 s0, s3;
	s0 =	sld [smem:$0x3FAD]  }
0x30: {  	s3 =	sld [smem:$0x3FB0]  }
0x31: {  	[smem:$0x3FB9] =	sst s10  }
0x32: {  	s10 =	sld [smem:$0x3FB7];
	_ =	sdelay $0x3  }
0x33: {  	p0 =	seq.s32 s10, $0x1;
	s10 =	sld [smem:$0x3FB9];
	_ =	sdelay $0x3  }
0x34: {  	[smem:$0x3FB9] =	sst s10  }
0x35: {  	s10 =	sld [smem:$0x3FB8];
	_ =	sdelay $0x3  }
0x36: {  	p1 =	seq.s32 s10, $0x1;
	s10 =	sld [smem:$0x3FB9];
	_ =	sdelay $0x3  }
0x37: {  	[smem:$0x3FB9] =	sst s10  }
0x38: {  	s10 =	sld [smem:$0x3FBA]  }
0x39: {  	_ = 	snop;
	(pc) =	sbr.ind lr, $3  }
0x3a: {  	_ = 	snop  }
0x3b: {  	_ = 	snop  }
0x3c: {  	p2 =	seq.s32 s10, $0x1;
	s10 =	sld [smem:$0x3FB9]  }
0x3d: {  	_ =	shalt  }
0x3e: {  	_ =	shalt  }
0x3f: {  	_ =	shalt  }
0x40: {  	_ =	shalt  }
0x41: {  	_ =	shalt  }
0x42: {  	_ =	shalt  }
0x43: {  	_ =	shalt  }
0x44: {  	_ =	shalt  }
0x45: {  	_ =	shalt  }
0x46: {  	_ =	shalt  }
0x47: {  	_ =	shalt  }
0x48: {  	_ =	shalt  }
0x49: {  	_ =	shalt  }
0x4a: {  	_ =	shalt  }
0x4b: {  	_ =	shalt  }
0x4c: {  	_ =	shalt  }
0x4d: {  	_ =	shalt  }
0x4e: {  	_ =	shalt  }
0x4f: {  	_ =	shalt  }
0x50: {  	_ =	shalt  }
0x51: {  	_ =	shalt  }
0x52: {  	_ =	shalt  }
0x53: {  	_ =	shalt  }
0x54: {  	_ =	shalt  }
0x55: {  	_ =	shalt  }
0x56: {  	_ =	shalt  }
0x57: {  	_ =	shalt  }
0x58: {  	_ =	shalt  }
0x59: {  	_ =	shalt  }
0x5a: {  	_ =	shalt  }
0x5b: {  	_ =	shalt  }
0x5c: {  	_ =	shalt  }
0x5d: {  	_ =	shalt  }
0x5e: {  	_ =	shalt  }
0x5f: {  	_ =	shalt  }
0x60: {  	_ =	shalt  }
0x61: {  	_ =	shalt  }
0x62: {  	_ =	shalt  }
0x63: {  	_ =	shalt  }
0x64: {  	_ =	shalt  }
0x65: {  	_ =	shalt  }
0x66: {  	_ =	shalt  }
0x67: {  	_ =	shalt  }
0x68: {  	_ =	shalt  }
0x69: {  	_ =	shalt  }
0x6a: {  	_ =	shalt  }
0x6b: {  	_ =	shalt  }
0x6c: {  	_ =	shalt  }
0x6d: {  	_ =	shalt  }
0x6e: {  	_ =	shalt  }
0x6f: {  	_ =	shalt  }
0x70: {  	_ =	shalt  }
0x71: {  	_ =	shalt  }
0x72: {  	_ =	shalt  }
0x73: {  	_ =	shalt  }
0x74: {  	_ =	shalt  }
0x75: {  	_ =	shalt  }
0x76: {  	_ =	shalt  }
0x77: {  	_ =	shalt  }
0x78: {  	_ =	shalt  }
0x79: {  	_ =	shalt  }
0x7a: {  	_ =	shalt  }
0x7b: {  	_ =	shalt  }
0x7c: {  	_ =	shalt  }
0x7d: {  	_ =	shalt  }
0x7e: {  	_ =	shalt  }
0x7f: {  	_ =	shalt  }
0x80: {  	_ =	shalt  }
0x81: {  	_ =	shalt  }
0x82: {  	_ =	shalt  }
0x83: {  	_ =	shalt  }
0x84: {  	_ =	shalt  }
0x85: {  	_ =	shalt  }
0x86: {  	_ =	shalt  }
0x87: {  	_ =	shalt  }
.Lfunc_end0:
.L_simem_size_0:
called_computation_lowered:
.L_overlay_start_0:
0x88: {  	s2 =	sld [smem:$0x3FD9]  }
0x89: {  	s3 =	sld [smem:$0x3FFE];
	_ =	sdelay $0x1  }
0x8a: {  	s1 =	srdreg.scid  }
0x8b: {  	s0 =	sand.u32 $0x1, s1  }
0x8c: {  	s17 =	sshll.u32 s0, $0xA;
	s2 =	sadd.s32 s3, s2  }
0x8d: {  	s2 =	sadd.s32 s2, s17  }
0x8e: {  	[smem:$0x3FC5] =	sst s2  }
0x8f: {  	_ = 	snop  }
0x90: {  	s2 =	sld [smem:$0x3FD0];
	(tm) =	ssettm $0x1  }
0x91: {  	s18 =	sld [smem:$0x3FFB];
	_ =	sdelay $0x3  }
0x92: {  	_ =	strace s18  }
0x93: {  	s3 =	sld [smem:$0x3FFC];
	_ =	sdelay $0x3  }
0x94: {  	_ =	strace s3  }
0x95: {  	s3 =	sld [smem:$0x3FFD];
	_ =	sdelay $0x3  }
0x96: {  	_ =	strace s3  }
0x97: {  	_ =	strace $0x8FFFFFFF  }
0x98: {  	s19 =	sld [smem:$0x3FDB];
	_ =	sdelay $0x1  }
0x99: {  	s4 =	simm.s32 $_scs_section_size  }
0x9a: {  	s5 =	simm.s32 $_size__tile_overlayer_lowered;
	s6 =	simm.s32 $_tile_overlayer_lowered  }
0x9b: {  	s22 =	simm.s32 $0x1BFF;
	s21 =	sshll.u32 s6, $0x1;
	s3 =	sadd.s32 s4, s19  }
0x9c: {  	s7 =	simm.s32 $0x0;
	s20 =	sshll.u32 s5, $0x1;
	s5 =	sadd.s32 s21, s3  }
0x9d: {  	[timem:s7], [sflag:s22] =	dma.local [hbm:s5], s20  }
0x9e: {  	_ =	swait.ge [sflag:s22], s20  }
0x9f: {  	s4 =	ssub.s32 $0x0, s20;
	[sflag:s22] =	ssyncset.done $0x0  }
0xa0: {  	[sflag:s22] =	ssyncadd.s32 s4;
	_ =	sdelay $0x1  }
0xa1: {  	s23 =	simm.s32 $0x1B8B  }
0xa2: {  	_ =	swait.ge [sflag:s23], $0x1  }
0xa3: {  	[sflag:s23] =	ssyncset.done $0x0  }
0xa4: {  	s25 =	simm.s32 $0x1B8E;
	s24 =	sld [smem:$0x3FFE];
	[sflag:s23] =	ssyncadd.s32 $0xFFFFFFFF  }
0xa5: {  	s26 =	simm.s32 $execute0_lowered;
	[smem:$0x3FD2] =	sst s25  }
0xa6: {  	s5 =	sshll.u32 s26, $0x1;
	_ =	strace $0x80000046;
	[dreg:$0x1] =	wrdreg $0xFFFFFFFF  }
0xa7: {  	s28 =	simm.s32 $_size_execute0_lowered;
	s3 =	sadd.s32 s3, s5;
	[dreg:$0x0] =	wrdreg $0x0  }
0xa8: {  	s5 =	sshll.u32 s28, $0x1;
	[dreg:$0x2] =	wrdreg s3  }
0xa9: {  	[dreg:$0x3] =	wrdreg s5  }
0xaa: {  	[dreg:$0x4] =	wrdreg $0xC0  }
0xab: {  	_ =	task [dreg:s7], $0x5FFFF  }
0xac: {  	[dreg:$0x1] =	wrdreg $0xFFFFFFFF  }
0xad: {  	[dreg:$0x0] =	wrdreg $0x60  }
0xae: {  	[dreg:$0x2] =	wrdreg s24  }
0xaf: {  	[dreg:$0x3] =	wrdreg s2  }
0xb0: {  	[dreg:$0x4] =	wrdreg $0x9  }
0xb1: {  	_ =	task.clear_ibuf [dreg:s7], $0x5FFFF;
	_ =	strace $0x90000046  }
0xb2: {  	s29 =	simm.s32 $0x9;
	_ =	strace $0x80000048  }
0xb3: {  	_ =	swait.ge [sflag:s29], $0x1  }
0xb4: {  	[sflag:s29] =	ssyncadd.s32 $0xFFFFFFFF  }
0xb5: {  	_ =	strace $0x90000048  }
0xb6: {  	_ =	sfence  }
0xb7: {  	s30 =	sld [smem:$0x0];
	_ =	sdelay $0x2  }
0xb8: {  	s31 =	sshll.u32 s1, $0xD;
	s1 =	sshrl.u32 s1, $0x2  }
0xb9: {  	s3 =	sand.u32 $0x4000, s31;
	s1 =	sadd.s32 s1, s30  }
0xba: {  	s0 =	sor.u32 s3, s0;
	s1 =	sshll.u32 s1, $0x11  }
0xbb: {  	s0 =	sor.u32 s1, s0  }
0xbc: {  	s0 =	sadd.s32 $0x8F2B, s0  }
0xbd: {  	[sflag:s0] =	ssyncadd.remote.s32 $0x1  }
0xbe: {  	_ =	sfence.sel $0xFFFF  }
0xbf: {  	[dreg:$0x0] =	wrdreg $0xFFFFFFFF;
	(pc) =	sbr.abs _section_cstart, $3  }
0xc0: {  	[dreg:$0x1] =	wrdreg $0xFFFFFFFF  }
0xc1: {  	_ =	task.clear_ibuf [dreg:s7], $0x2FFFF;
	_ =	strace $0x9FFFFFFF  }
0xc2: {  	(tm) =	ssettm $0x7FFFFFFF  }
0xc3: {  	_ =	shalt  }
tec
execute0_lowered:
.L_overlay_start_1:
0x0: {  	(tag) =	ssettag $0x1  }
0x1: {  	s0 =	rddreg [dreg:$0x0];
	s1 =	srdreg.scid  }
0x2: {  	s2 =	stileid.u32;
	s4 =	rddreg [dreg:$0x1]  }
0x3: {  	s8 =	simm.s32 $0x9;
	s10 =	simm.s32 $0x50;
	s11 =	simm.s32 $0x4E20  }
0x4: {  	s12 =	simm.s32 $0x9E20;
	s20 =	simm.s32 $0x1;
	s21 =	simm.s32 $0x5  }
0x5: {  	s22 =	simm.s32 $0x8A20;
	s23 =	simm.s32 $0xDA20;
	s28 =	simm.s32 $0x3  }
0x6: {  	s29 =	simm.s32 $0x7;
	s1 =	sand.u32 $0x1, s1;
	s3 =	sshll.u32 s2, $0x1  }
0x7: {  	v0 =	vlaneseq.u32;
	s30 =	simm.s32 $0x4;
	s2 =	simm.s32 $0x0;
	s3 =	sor.u32 s1, s3  }
0x8: {  	v0 =	vmul.u32 $0x10, v0;
	[smem:$0x7FF] =	sst s2;
	s1 =	ssub.s32 $0x2, s1;
	s5 =	smul.u32 $0x4E2, s3  }
0x9: {  	s31 =	simm.s32 $0x8;
	_ =	strace $0x80000047;
	s6 =	sshrl.u32 s1, $0x1  }
0xa: {  	s3 =	sadd.s32 $0x800, s0;
	v1 =	vor.u32 $0x1, v0;
	v2 =	vor.u32 $0x2, v0;
	v3 =	vor.u32 $0x3, v0;
	s1 =	ssub.s32 s1, s6;
	s25 =	sadd.s32 s4, s5  }
0xb: {  	v4 =	vor.u32 $0x4, v0;
	v5 =	vor.u32 $0x5, v0;
	v6 =	vor.u32 $0x6, v0;
	s0 =	sadd.s32 s5, s0;
	s26 =	smax.u32 s1, $0x1;
	[dreg:$0x5] =	wrdreg s25  }
0xc: {  	v7 =	vor.u32 $0x7, v0;
	v8 =	vor.u32 $0x8, v0;
	v9 =	vor.u32 $0x9, v0;
	s24 =	sadd.s32 $0x1E000, s0;
	s0 =	sadd.s32 $0x14200, s0;
	[dreg:$0x6] =	wrdreg s26  }
0xd: {  	v10 =	vor.u32 $0xA, v0;
	v11 =	vor.u32 $0xB, v0;
	v12 =	vor.u32 $0xC, v0;
	s25 =	simm.s32 $0x2;
	s26 =	simm.s32 $0x6;
	[dreg:$0x3] =	wrdreg s24  }
0xe: {  	v13 =	vor.u32 $0xD, v0;
	v14 =	vor.u32 $0xE, v0;
	v15 =	vor.u32 $0xF, v0;
	[dreg:$0x4] =	wrdreg s0;
	s24 =	simm.s32 $0x11530;
	s0 =	simm.s32 $0x0  }
.LBB2_1:
0xf: {  	s1 =	rddreg [dreg:$0x3]  }
0x10: {  	[tilespmem:s2], [sflag:$0x9] =	stream.linear.gather [hbm4b:s1+s2], $0x2710, $0x38;
	[tilespmem:$0x11630] =	vst v63  }
0x11: {  	_ =	swait.ge [sflag:s8], $0x2710  }
0x12: {  	[sflag:s8] =	ssyncset.done $0x0  }
0x13: {  	s4 =	simm.s32 $0x2710;
	s9 =	rddreg [dreg:$0x4];
	[sflag:s8] =	ssyncadd.s32 $0xFFFFD8F0  }
0x14: {  	[tilespmem:s4], [sflag:$0x9] =	stream.linear.gather [hbm4b:s9+s2], $0x2710, $0x38;
	[tilespmem:$0x11630] =	vst v63  }
0x15: {  	_ =	swait.ge [sflag:s8], $0x2710  }
0x16: {  	[sflag:s8] =	ssyncset.done $0x0  }
0x17: {  	[sflag:s8] =	ssyncadd.s32 $0xFFFFD8F0  }
0x18: {  	[tilespmem:s11], [sflag:$0x1] =	stream.indirect.gather [hbm4b:s3+s10], $0x40, s2, s10, $0xb8;
	[tilespmem:$0x11630] =	vst v63  }
0x19: {  	_ = 	snop  }
0x1a: {  	[tilespmem:s12], [sflag:$0x5] =	stream.indirect.gather [hbm4b:s3+s10], $0x40, s4, s10, $0xb8;
	[tilespmem:$0x11630] =	vst v63  }
0x1b: {  	s13 =	simm.s32 $0x6220  }
0x1c: {  	[tilespmem:s13], [sflag:$0x2] =	stream.indirect.gather [hbm4b:s3+s10], $0x40, s10, s10, $0xb8;
	[tilespmem:$0x11630] =	vst v63  }
0x1d: {  	s14 =	simm.s32 $0x2760;
	s15 =	simm.s32 $0xB220  }
0x1e: {  	[tilespmem:s15], [sflag:$0x6] =	stream.indirect.gather [hbm4b:s3+s10], $0x40, s14, s10, $0xb8;
	[tilespmem:$0x11630] =	vst v63  }
0x1f: {  	s16 =	simm.s32 $0xA0;
	s17 =	simm.s32 $0x7620  }
0x20: {  	[tilespmem:s17], [sflag:$0x3] =	stream.indirect.gather [hbm4b:s3+s10], $0x40, s16, s10, $0xb8;
	[tilespmem:$0x11630] =	vst v63  }
0x21: {  	s18 =	simm.s32 $0x27B0;
	s19 =	simm.s32 $0xC620;
	s13 =	simm.s32 $0x0  }
0x22: {  	[tilespmem:s19], [sflag:$0x7] =	stream.indirect.gather [hbm4b:s3+s10], $0x40, s18, s10, $0xb8;
	[tilespmem:$0x11630] =	vst v63  }
.LBB2_2:
0x23: {  	_ =	swait.ge [sflag:s20], $0x1400  }
0x24: {  	[sflag:s20] =	ssyncset.done $0x0  }
0x25: {  	[sflag:s20] =	ssyncadd.s32 $0xFFFFEC00  }
0x26: {  	s14 =	sshllo.u32 s13, $0x2;
	s4 =	smul.u32 $0x500, s13;
	_ =	swait.ge [sflag:s21], $0x1400  }
0x27: {  	s15 =	simm.s32 $0x0;
	s1 =	smul.u32 $0x50, s14;
	[sflag:s21] =	ssyncset.done $0x0  }
0x28: {  	s6 =	simm.s32 $0x9E60;
	s16 =	sshra.s32 s4, $0x2;
	[sflag:s21] =	ssyncadd.s32 $0xFFFFEC00  }
0x29: {  	[tilespmem:s22], [sflag:$0x4] =	stream.indirect.gather [hbm4b:s3+s10], $0x40, s1, s10, $0xb8;
	[tilespmem:$0x11630] =	vst v63  }
0x2a: {  	s18 =	simm.s32 $0x4E60;
	s19 =	sadd.s32 $0xEE20, s16;
	s1 =	sadd.s32 $0x2710, s1  }
0x2b: {  	v16 =	vmov s19;
	[tilespmem:s23], [sflag:$0x8] =	stream.indirect.gather [hbm4b:s3+s10], $0x40, s1, s10, $0xb8;
	[tilespmem:$0x11630] =	vst v63  }
.LBB2_3:
0x2c: {  	v17 =	vld [tilespmem:s18+$0xFFFFFFC0]  }
0x2d: {  	v18 =	vld [tilespmem:s6+$0xFFFFFFF0]  }
0x2e: {  	v19 =	vld [tilespmem:s18+$0xFFFFFFF0]  }
0x2f: {  	v20 =	vld [tilespmem:s6+$0xFFFFFFE0]  }
0x30: {  	v21 =	vld [tilespmem:s18+$0xFFFFFFE0]  }
0x31: {  	v22 =	vld [tilespmem:s6+$0xFFFFFFD0]  }
0x32: {  	v23 =	vld [tilespmem:s18+$0xFFFFFFD0]  }
0x33: {  	v24 =	vld [tilespmem:s6+$0xFFFFFFC0];
	_ =	sdelay $0x2  }
0x34: {  	v20 =	vmul.bf16 v20, v21  }
0x35: {  	v18 =	vmul.bf16 v18, v19  }
0x36: {  	v19 =	vmul.bf16 v22, v23;
	v17 =	vmul.bf16 v24, v17;
	v21 =	vunpack.i.u.bf16.f32 v20  }
0x37: {  	v20 =	vunpack.i.l.bf16.f32 v20;
	v22 =	vunpack.i.l.bf16.f32 v18;
	v18 =	vunpack.i.u.bf16.f32 v18  }
0x38: {  	v23 =	vunpack.i.u.bf16.f32 v17;
	v17 =	vunpack.i.l.bf16.f32 v17;
	v20 =	vadd.f32 v20, v21  }
0x39: {  	v21 =	vunpack.i.u.bf16.f32 v19;
	v19 =	vunpack.i.l.bf16.f32 v19;
	v17 =	vadd.f32 v17, v23  }
0x3a: {  	v18 =	vadd.f32 v22, v18;
	v19 =	vadd.f32 v19, v21;
	_ =	sdelay $0x1  }
0x3b: {  	v18 =	vadd.f32 v18, v20;
	v17 =	vadd.f32 v19, v17;
	_ =	sdelay $0x1  }
0x3c: {  	v17 =	vadd.f32 v18, v17  }
0x3d: {  	s1 =	simm.s32 $0x11540  }
0x3e: {  	[tilespmem:s1+$0xFFFFFFF0] =	vst v17  }
0x3f: {  	v17 =	vld [tilespmem:s18+$0x10]  }
0x40: {  	v18 =	vld [tilespmem:s6+$0x30]  }
0x41: {  	v19 =	vld [tilespmem:s6+$0x10]  }
0x42: {  	v20 =	vld [tilespmem:s18+$0x30]  }
0x43: {  	v21 =	vld [tilespmem:s18+$0x0]  }
0x44: {  	v22 =	vld [tilespmem:s6+$0x0]  }
0x45: {  	v23 =	vld [tilespmem:s6+$0x20]  }
0x46: {  	v63 =	vld [tilespmem:s18+$0x20];
	_ =	sdelay $0x2  }
0x47: {  	v18 =	vmul.bf16 v18, v20  }
0x48: {  	v17 =	vmul.bf16 v19, v17  }
0x49: {  	v19 =	vmul.bf16 v22, v21;
	v21 =	vmul.bf16 v23, v63;
	v20 =	vunpack.i.u.bf16.f32 v18  }
0x4a: {  	s19 =	sshll.u32 s15, $0x4;
	s4 =	simm.s32 $0x0;
	v18 =	vunpack.i.l.bf16.f32 v18;
	v22 =	vunpack.i.u.bf16.f32 v17;
	v25 =	vunpack.i.l.bf16.f32 v17  }
0x4b: {  	s5 =	sadd.s32 $0x80, s18;
	s17 =	smov.u32 s6;
	s9 =	simm.s32 $0x11540;
	v17 =	vadd.f32 v18, v20;
	v20 =	vunpack.i.u.bf16.f32 v19;
	v18 =	vadd.f32 v25, v22  }
.LBB2_4:
0x4c: {  	s4 =	sadd.s32 $0x2, s4;
	v19 =	vunpack.i.l.bf16.f32 v19;
	v22 =	vunpack.i.u.bf16.f32 v21;
	v21 =	vunpack.i.l.bf16.f32 v21;
	s1 =	sadd.s32 $0x20, s1;
	s17 =	sadd.s32 $0x80, s17  }
0x4d: {  	p0 =	slt.u32 s4, $0xE;
	v19 =	vadd.f32 v19, v20;
	v20 =	vadd.f32 v21, v22;
	_ =	sdelay $0x1  }
0x4e: {  	v18 =	vadd.f32 v18, v19;
	v17 =	vadd.f32 v17, v20;
	_ =	sdelay $0x1  }
0x4f: {  	v17 =	vadd.f32 v17, v18;
	_ =	sdelay $0x1  }
0x50: {  	[tilespmem:s9+$0x0] =	vst v17;
	s9 =	smov.u32 s1  }
0x51: {  	v17 =	vld [tilespmem:s5+$0xFFFFFFC0]  }
0x52: {  	v18 =	vld [tilespmem:s17+$0xFFFFFFF0]  }
0x53: {  	v19 =	vld [tilespmem:s5+$0xFFFFFFF0]  }
0x54: {  	v20 =	vld [tilespmem:s17+$0xFFFFFFE0]  }
0x55: {  	v21 =	vld [tilespmem:s5+$0xFFFFFFE0]  }
0x56: {  	v22 =	vld [tilespmem:s17+$0xFFFFFFD0]  }
0x57: {  	v23 =	vld [tilespmem:s5+$0xFFFFFFD0]  }
0x58: {  	v24 =	vld [tilespmem:s17+$0xFFFFFFC0];
	v18 =	vmul.bf16 v18, v19;
	_ =	sdelay $0x1  }
0x59: {  	v19 =	vmul.bf16 v20, v21;
	v20 =	vunpack.i.l.bf16.f32 v18;
	_ =	sdelay $0x1  }
0x5a: {  	v21 =	vmul.bf16 v22, v23;
	v22 =	vunpack.i.u.bf16.f32 v19;
	v19 =	vunpack.i.l.bf16.f32 v19  }
0x5b: {  	v17 =	vmul.bf16 v24, v17;
	v19 =	vadd.f32 v19, v22  }
0x5c: {  	v18 =	vunpack.i.u.bf16.f32 v18;
	v22 =	vunpack.i.u.bf16.f32 v21;
	v21 =	vunpack.i.l.bf16.f32 v21  }
0x5d: {  	v23 =	vunpack.i.u.bf16.f32 v17;
	v17 =	vunpack.i.l.bf16.f32 v17;
	v21 =	vadd.f32 v21, v22  }
0x5e: {  	v18 =	vadd.f32 v20, v18;
	v17 =	vadd.f32 v17, v23;
	_ =	sdelay $0x1  }
0x5f: {  	v18 =	vadd.f32 v18, v19;
	v17 =	vadd.f32 v21, v17;
	_ =	sdelay $0x1  }
0x60: {  	v17 =	vadd.f32 v18, v17;
	_ =	sdelay $0x1  }
0x61: {  	[tilespmem:s1+$0xFFFFFFF0] =	vst v17  }
0x62: {  	v17 =	vld [tilespmem:s5+$0x10]  }
0x63: {  	v18 =	vld [tilespmem:s17+$0x30]  }
0x64: {  	v19 =	vld [tilespmem:s17+$0x10]  }
0x65: {  	v20 =	vld [tilespmem:s5+$0x30]  }
0x66: {  	v21 =	vld [tilespmem:s17+$0x20]  }
0x67: {  	v22 =	vld [tilespmem:s5+$0x0]  }
0x68: {  	v23 =	vld [tilespmem:s17+$0x0]  }
0x69: {  	v17 =	vmul.bf16 v19, v17;
	v24 =	vld [tilespmem:s5+$0x20]  }
0x6a: {  	v18 =	vmul.bf16 v18, v20  }
.Ltmp0:
0x6b: {  	v25 =	vunpack.i.u.bf16.f32 v17;
	v26 =	vunpack.i.l.bf16.f32 v17;
	(pc) =	sbr.rel @p0 .LBB2_4-.Ltmp0, $4  }
0x6c: {  	v17 =	vunpack.i.u.bf16.f32 v18;
	v18 =	vunpack.i.l.bf16.f32 v18  }
0x6d: {  	v19 =	vmul.bf16 v23, v22;
	v17 =	vadd.f32 v18, v17  }
0x6e: {  	v21 =	vmul.bf16 v21, v24  }
0x6f: {  	s5 =	sadd.s32 $0x80, s5;
	v18 =	vadd.f32 v26, v25;
	v20 =	vunpack.i.u.bf16.f32 v19  }
0x70: {  	v19 =	vunpack.i.l.bf16.f32 v19;
	v22 =	vunpack.i.u.bf16.f32 v21;
	v53 =	vunpack.i.l.bf16.f32 v21  }
0x71: {  	v19 =	vadd.f32 v19, v20;
	v54 =	vadd.f32 v53, v22;
	_ =	sdelay $0x1  }
0x72: {  	v18 =	vadd.f32 v18, v19;
	v17 =	vadd.f32 v17, v54;
	_ =	sdelay $0x1  }
0x73: {  	v17 =	vadd.f32 v17, v18;
	_ =	sdelay $0x1  }
0x74: {  	[tilespmem:s9+$0x0] =	vst v17  }
0x75: {  	v17 =	vld.idx.msk [tilespmem:v0+s24+$0x0], $0xffff  }
0x76: {  	v18 =	vld.idx.msk [tilespmem:v1+s24+$0x0], $0xffff  }
0x77: {  	v19 =	vld.idx.msk [tilespmem:v2+s24+$0x0], $0xffff  }
0x78: {  	v55 =	vld.idx.msk [tilespmem:v3+s24+$0x0], $0xffff  }
0x79: {  	v56 =	vld.idx.msk [tilespmem:v4+s24+$0x0], $0xffff  }
0x7a: {  	v57 =	vld.idx.msk [tilespmem:v5+s24+$0x0], $0xffff  }
0x7b: {  	v23 =	vld.idx.msk [tilespmem:v6+s24+$0x0], $0xffff  }
0x7c: {  	v24 =	vld.idx.msk [tilespmem:v7+s24+$0x0], $0xffff  }
0x7d: {  	v25 =	vld.idx.msk [tilespmem:v8+s24+$0x0], $0xffff  }
0x7e: {  	v26 =	vld.idx.msk [tilespmem:v9+s24+$0x0], $0xffff  }
0x7f: {  	v27 =	vld.idx.msk [tilespmem:v10+s24+$0x0], $0xffff  }
0x80: {  	v28 =	vld.idx.msk [tilespmem:v11+s24+$0x0], $0xffff  }
0x81: {  	v29 =	vld.idx.msk [tilespmem:v12+s24+$0x0], $0xffff  }
0x82: {  	v30 =	vld.idx.msk [tilespmem:v13+s24+$0x0], $0xffff  }
0x83: {  	v31 =	vld.idx.msk [tilespmem:v14+s24+$0x0], $0xffff  }
0x84: {  	v32 =	vld.idx.msk [tilespmem:v15+s24+$0x0], $0xffff;
	_ =	sdelay $0x1  }
0x85: {  	v17 =	vadd.f32 v18, v17;
	v18 =	vadd.f32 v55, v19  }
0x86: {  	v19 =	vadd.f32 v57, v56;
	v58 =	vadd.f32 v24, v23  }
0x87: {  	v59 =	vadd.f32 v26, v25;
	v60 =	vadd.f32 v28, v27  }
0x88: {  	v61 =	vadd.f32 v30, v29;
	v62 =	vadd.f32 v32, v31  }
0x89: {  	v17 =	vadd.f32 v18, v17;
	v18 =	vadd.f32 v58, v19  }
0x8a: {  	s15 =	sadd.s32 $0x1, s15;
	v19 =	vadd.f32 v60, v59;
	v63 =	vadd.f32 v62, v61  }
0x8b: {  	p0 =	sne.s32 s15, $0x5  }
.Ltmp1:
0x8c: {  	v17 =	vadd.f32 v18, v17;
	v18 =	vadd.f32 v63, v19;
	(pc) =	sbr.rel @p0 .LBB2_3-.Ltmp1, $3  }
0x8d: {  	_ = 	snop  }
0x8e: {  	v17 =	vadd.f32 v18, v17;
	_ =	sdelay $0x1  }
0x8f: {  	s6 =	sadd.s32 $0x400, s6;
	s18 =	sadd.s32 $0x400, s18;
	[tilespmem:v16+s19+$0x0 ss:$0x1] =	vst.idx.msk $0xffff, v17  }
0x90: {  	_ =	swait.ge [sflag:s25], $0x1400  }
0x91: {  	[sflag:s25] =	ssyncset.done $0x0  }
0x92: {  	[sflag:s25] =	ssyncadd.s32 $0xFFFFEC00  }
0x93: {  	s15 =	smul.u32 $0x140, s13;
	_ =	swait.ge [sflag:s26], $0x1400  }
0x94: {  	[sflag:s26] =	ssyncset.done $0x0  }
0x95: {  	s1 =	sadd.s32 $0x140, s15;
	[sflag:s26] =	ssyncadd.s32 $0xFFFFEC00  }
0x96: {  	[tilespmem:s11], [sflag:$0x1] =	stream.indirect.gather [hbm4b:s3+s10], $0x40, s1, s10, $0xb8;
	[tilespmem:$0x11630] =	vst v63  }
0x97: {  	s19 =	sadd.s32 $0xEE70, s16;
	s18 =	sadd.s32 $0x2850, s15  }
0x98: {  	[tilespmem:s12], [sflag:$0x5] =	stream.indirect.gather [hbm4b:s3+s10], $0x40, s18, s10, $0xb8;
	[tilespmem:$0x11630] =	vst v63  }
0x99: {  	s17 =	simm.s32 $0x0;
	s7 =	simm.s32 $0xB290;
	v16 =	vmov s19;
	s18 =	simm.s32 $0x6290  }
.LBB2_7:
0x9a: {  	v17 =	vld [tilespmem:s18+$0xFFFFFF90]  }
0x9b: {  	v18 =	vld [tilespmem:s7+$0xFFFFFFC0]  }
0x9c: {  	v19 =	vld [tilespmem:s18+$0xFFFFFFC0]  }
0x9d: {  	v20 =	vld [tilespmem:s7+$0xFFFFFFB0]  }
0x9e: {  	v21 =	vld [tilespmem:s18+$0xFFFFFFB0]  }
0x9f: {  	v22 =	vld [tilespmem:s7+$0xFFFFFFA0]  }
0xa0: {  	v23 =	vld [tilespmem:s18+$0xFFFFFFA0]  }
0xa1: {  	v24 =	vld [tilespmem:s7+$0xFFFFFF90];
	_ =	sdelay $0x2  }
0xa2: {  	v20 =	vmul.bf16 v20, v21  }
0xa3: {  	v18 =	vmul.bf16 v18, v19  }
0xa4: {  	v19 =	vmul.bf16 v22, v23;
	v17 =	vmul.bf16 v24, v17;
	v21 =	vunpack.i.u.bf16.f32 v20  }
0xa5: {  	v20 =	vunpack.i.l.bf16.f32 v20;
	v22 =	vunpack.i.l.bf16.f32 v18;
	v18 =	vunpack.i.u.bf16.f32 v18  }
0xa6: {  	v23 =	vunpack.i.u.bf16.f32 v17;
	v17 =	vunpack.i.l.bf16.f32 v17;
	v20 =	vadd.f32 v20, v21  }
0xa7: {  	v21 =	vunpack.i.u.bf16.f32 v19;
	v19 =	vunpack.i.l.bf16.f32 v19;
	v17 =	vadd.f32 v17, v23  }
0xa8: {  	v18 =	vadd.f32 v22, v18;
	v19 =	vadd.f32 v19, v21;
	_ =	sdelay $0x1  }
0xa9: {  	v18 =	vadd.f32 v18, v20;
	v17 =	vadd.f32 v19, v17;
	_ =	sdelay $0x1  }
0xaa: {  	v17 =	vadd.f32 v18, v17  }
0xab: {  	s9 =	simm.s32 $0x11540  }
0xac: {  	[tilespmem:s9+$0xFFFFFFF0] =	vst v17  }
0xad: {  	v17 =	vld [tilespmem:s18+$0xFFFFFFE0]  }
0xae: {  	v18 =	vld [tilespmem:s7+$0x0]  }
0xaf: {  	v19 =	vld [tilespmem:s7+$0xFFFFFFE0]  }
0xb0: {  	v20 =	vld [tilespmem:s18+$0x0]  }
0xb1: {  	v21 =	vld [tilespmem:s18+$0xFFFFFFD0]  }
0xb2: {  	v22 =	vld [tilespmem:s7+$0xFFFFFFD0]  }
0xb3: {  	v23 =	vld [tilespmem:s7+$0xFFFFFFF0]  }
0xb4: {  	v63 =	vld [tilespmem:s18+$0xFFFFFFF0];
	_ =	sdelay $0x2  }
0xb5: {  	v18 =	vmul.bf16 v18, v20  }
0xb6: {  	v17 =	vmul.bf16 v19, v17  }
0xb7: {  	v19 =	vmul.bf16 v22, v21;
	v21 =	vmul.bf16 v23, v63;
	v20 =	vunpack.i.u.bf16.f32 v18  }
0xb8: {  	s1 =	sshll.u32 s17, $0x4;
	s4 =	simm.s32 $0x0;
	v18 =	vunpack.i.l.bf16.f32 v18;
	v22 =	vunpack.i.u.bf16.f32 v17;
	v25 =	vunpack.i.l.bf16.f32 v17  }
0xb9: {  	s5 =	simm.s32 $0x11560;
	s6 =	smov.u32 s18;
	s19 =	smov.u32 s7;
	v17 =	vadd.f32 v18, v20;
	v20 =	vunpack.i.u.bf16.f32 v19;
	v18 =	vadd.f32 v25, v22  }
.LBB2_8:
0xba: {  	s4 =	sadd.s32 $0x2, s4;
	v19 =	vunpack.i.l.bf16.f32 v19;
	v22 =	vunpack.i.u.bf16.f32 v21;
	v21 =	vunpack.i.l.bf16.f32 v21;
	s6 =	sadd.s32 $0x80, s6;
	s19 =	sadd.s32 $0x80, s19  }
0xbb: {  	p0 =	slt.u32 s4, $0xE;
	v19 =	vadd.f32 v19, v20;
	v20 =	vadd.f32 v21, v22;
	_ =	sdelay $0x1  }
0xbc: {  	v18 =	vadd.f32 v18, v19;
	v17 =	vadd.f32 v17, v20;
	_ =	sdelay $0x1  }
0xbd: {  	v17 =	vadd.f32 v17, v18;
	_ =	sdelay $0x1  }
0xbe: {  	[tilespmem:s9+$0x0] =	vst v17;
	s9 =	smov.u32 s5  }
0xbf: {  	v17 =	vld [tilespmem:s6+$0xFFFFFF90]  }
0xc0: {  	v18 =	vld [tilespmem:s19+$0xFFFFFFC0]  }
0xc1: {  	v19 =	vld [tilespmem:s6+$0xFFFFFFC0]  }
0xc2: {  	v20 =	vld [tilespmem:s19+$0xFFFFFFB0]  }
0xc3: {  	v21 =	vld [tilespmem:s6+$0xFFFFFFB0]  }
0xc4: {  	v22 =	vld [tilespmem:s19+$0xFFFFFFA0]  }
0xc5: {  	v23 =	vld [tilespmem:s6+$0xFFFFFFA0]  }
0xc6: {  	v24 =	vld [tilespmem:s19+$0xFFFFFF90];
	v18 =	vmul.bf16 v18, v19;
	_ =	sdelay $0x1  }
0xc7: {  	v19 =	vmul.bf16 v20, v21;
	v20 =	vunpack.i.l.bf16.f32 v18;
	_ =	sdelay $0x1  }
0xc8: {  	v21 =	vmul.bf16 v22, v23;
	v22 =	vunpack.i.u.bf16.f32 v19;
	v19 =	vunpack.i.l.bf16.f32 v19  }
0xc9: {  	v17 =	vmul.bf16 v24, v17;
	v19 =	vadd.f32 v19, v22  }
0xca: {  	v18 =	vunpack.i.u.bf16.f32 v18;
	v22 =	vunpack.i.u.bf16.f32 v21;
	v21 =	vunpack.i.l.bf16.f32 v21  }
0xcb: {  	v23 =	vunpack.i.u.bf16.f32 v17;
	v17 =	vunpack.i.l.bf16.f32 v17;
	v21 =	vadd.f32 v21, v22  }
0xcc: {  	v18 =	vadd.f32 v20, v18;
	v17 =	vadd.f32 v17, v23;
	_ =	sdelay $0x1  }
0xcd: {  	v18 =	vadd.f32 v18, v19;
	v17 =	vadd.f32 v21, v17;
	_ =	sdelay $0x1  }
0xce: {  	v17 =	vadd.f32 v18, v17;
	_ =	sdelay $0x1  }
0xcf: {  	[tilespmem:s5+$0xFFFFFFF0] =	vst v17  }
0xd0: {  	v17 =	vld [tilespmem:s6+$0xFFFFFFE0]  }
0xd1: {  	v18 =	vld [tilespmem:s19+$0x0]  }
0xd2: {  	v19 =	vld [tilespmem:s19+$0xFFFFFFE0]  }
0xd3: {  	v20 =	vld [tilespmem:s6+$0x0]  }
0xd4: {  	v21 =	vld [tilespmem:s19+$0xFFFFFFF0]  }
0xd5: {  	v22 =	vld [tilespmem:s6+$0xFFFFFFD0]  }
0xd6: {  	v23 =	vld [tilespmem:s19+$0xFFFFFFD0]  }
0xd7: {  	v17 =	vmul.bf16 v19, v17;
	v24 =	vld [tilespmem:s6+$0xFFFFFFF0]  }
0xd8: {  	v18 =	vmul.bf16 v18, v20  }
.Ltmp2:
0xd9: {  	v25 =	vunpack.i.u.bf16.f32 v17;
	v26 =	vunpack.i.l.bf16.f32 v17;
	(pc) =	sbr.rel @p0 .LBB2_8-.Ltmp2, $4  }
0xda: {  	v17 =	vunpack.i.u.bf16.f32 v18;
	v18 =	vunpack.i.l.bf16.f32 v18  }
0xdb: {  	v19 =	vmul.bf16 v23, v22;
	v17 =	vadd.f32 v18, v17  }
0xdc: {  	v21 =	vmul.bf16 v21, v24  }
0xdd: {  	s5 =	sadd.s32 $0x20, s5;
	v18 =	vadd.f32 v26, v25;
	v20 =	vunpack.i.u.bf16.f32 v19  }
0xde: {  	v19 =	vunpack.i.l.bf16.f32 v19;
	v22 =	vunpack.i.u.bf16.f32 v21;
	v53 =	vunpack.i.l.bf16.f32 v21  }
0xdf: {  	v19 =	vadd.f32 v19, v20;
	v54 =	vadd.f32 v53, v22;
	_ =	sdelay $0x1  }
0xe0: {  	v18 =	vadd.f32 v18, v19;
	v17 =	vadd.f32 v17, v54;
	_ =	sdelay $0x1  }
0xe1: {  	v17 =	vadd.f32 v17, v18;
	_ =	sdelay $0x1  }
0xe2: {  	[tilespmem:s9+$0x0] =	vst v17  }
0xe3: {  	v17 =	vld.idx.msk [tilespmem:v0+s24+$0x0], $0xffff  }
0xe4: {  	v18 =	vld.idx.msk [tilespmem:v1+s24+$0x0], $0xffff  }
0xe5: {  	v19 =	vld.idx.msk [tilespmem:v2+s24+$0x0], $0xffff  }
0xe6: {  	v55 =	vld.idx.msk [tilespmem:v3+s24+$0x0], $0xffff  }
0xe7: {  	v56 =	vld.idx.msk [tilespmem:v4+s24+$0x0], $0xffff  }
0xe8: {  	v57 =	vld.idx.msk [tilespmem:v5+s24+$0x0], $0xffff  }
0xe9: {  	v23 =	vld.idx.msk [tilespmem:v6+s24+$0x0], $0xffff  }
0xea: {  	v24 =	vld.idx.msk [tilespmem:v7+s24+$0x0], $0xffff  }
0xeb: {  	v25 =	vld.idx.msk [tilespmem:v8+s24+$0x0], $0xffff  }
0xec: {  	v26 =	vld.idx.msk [tilespmem:v9+s24+$0x0], $0xffff  }
0xed: {  	v27 =	vld.idx.msk [tilespmem:v10+s24+$0x0], $0xffff  }
0xee: {  	v28 =	vld.idx.msk [tilespmem:v11+s24+$0x0], $0xffff  }
0xef: {  	v29 =	vld.idx.msk [tilespmem:v12+s24+$0x0], $0xffff  }
0xf0: {  	v30 =	vld.idx.msk [tilespmem:v13+s24+$0x0], $0xffff  }
0xf1: {  	v31 =	vld.idx.msk [tilespmem:v14+s24+$0x0], $0xffff  }
0xf2: {  	v32 =	vld.idx.msk [tilespmem:v15+s24+$0x0], $0xffff;
	_ =	sdelay $0x1  }
0xf3: {  	v17 =	vadd.f32 v18, v17;
	v18 =	vadd.f32 v55, v19  }
0xf4: {  	v19 =	vadd.f32 v57, v56;
	v58 =	vadd.f32 v24, v23  }
0xf5: {  	v59 =	vadd.f32 v26, v25;
	v60 =	vadd.f32 v28, v27  }
0xf6: {  	v61 =	vadd.f32 v30, v29;
	v62 =	vadd.f32 v32, v31  }
0xf7: {  	v17 =	vadd.f32 v18, v17;
	v18 =	vadd.f32 v58, v19  }
0xf8: {  	s17 =	sadd.s32 $0x1, s17;
	v19 =	vadd.f32 v60, v59;
	v63 =	vadd.f32 v62, v61  }
0xf9: {  	p0 =	sne.s32 s17, $0x5  }
.Ltmp3:
0xfa: {  	v17 =	vadd.f32 v18, v17;
	v18 =	vadd.f32 v63, v19;
	(pc) =	sbr.rel @p0 .LBB2_7-.Ltmp3, $3  }
0xfb: {  	_ = 	snop  }
0xfc: {  	v17 =	vadd.f32 v18, v17;
	_ =	sdelay $0x1  }
0xfd: {  	s18 =	sadd.s32 $0x400, s18;
	s7 =	sadd.s32 $0x400, s7;
	[tilespmem:v16+s1+$0x0 ss:$0x1] =	vst.idx.msk $0xffff, v17  }
0xfe: {  	_ =	swait.ge [sflag:s28], $0x1400  }
0xff: {  	[sflag:s28] =	ssyncset.done $0x0  }
0x100: {  	p0 =	seq.s32 s13, $0x1E;
	[sflag:s28] =	ssyncadd.s32 $0xFFFFEC00  }
0x101: {  	s19 =	sadd.s32 $0xEEC0, s16;
	s16 =	simm.s32 $0x0;
	_ =	swait.ge [sflag:s29], $0x1400  }
0x102: {  	s17 =	simm.s32 $0x7690;
	s1 =	sadd.s32 @!p0 $0x190, s15;
	[sflag:s29] =	ssyncset.done $0x0  }
0x103: {  	s4 =	simm.s32 @!p0 $0x50;
	s5 =	simm.s32 @!p0 $0x6220;
	[sflag:s29] =	ssyncadd.s32 $0xFFFFEC00  }
0x104: {  	[tilespmem:s5], [sflag:$0x2] =	stream.indirect.gather @!p0 [hbm4b:s3+s4], $0x40, s1, s4, $0xb8;
	[tilespmem:$0x11630] =	vst v63  }
0x105: {  	s18 =	simm.s32 $0xC690;
	s1 =	sadd.s32 @!p0 $0x28A0, s15;
	s5 =	simm.s32 @!p0 $0xB220  }
0x106: {  	v16 =	vmov s19;
	[tilespmem:s5], [sflag:$0x6] =	stream.indirect.gather @!p0 [hbm4b:s3+s4], $0x40, s1, s4, $0xb8;
	[tilespmem:$0x11630] =	vst v63  }
.LBB2_11:
0x107: {  	v17 =	vld [tilespmem:s17+$0xFFFFFF90]  }
0x108: {  	v18 =	vld [tilespmem:s18+$0xFFFFFFC0]  }
0x109: {  	v19 =	vld [tilespmem:s17+$0xFFFFFFC0]  }
0x10a: {  	v20 =	vld [tilespmem:s18+$0xFFFFFFB0]  }
0x10b: {  	v21 =	vld [tilespmem:s17+$0xFFFFFFB0]  }
0x10c: {  	v22 =	vld [tilespmem:s18+$0xFFFFFFA0]  }
0x10d: {  	v23 =	vld [tilespmem:s17+$0xFFFFFFA0]  }
0x10e: {  	v24 =	vld [tilespmem:s18+$0xFFFFFF90];
	_ =	sdelay $0x2  }
0x10f: {  	v20 =	vmul.bf16 v20, v21  }
0x110: {  	v18 =	vmul.bf16 v18, v19  }
0x111: {  	v19 =	vmul.bf16 v22, v23;
	v17 =	vmul.bf16 v24, v17;
	v21 =	vunpack.i.u.bf16.f32 v20  }
0x112: {  	v20 =	vunpack.i.l.bf16.f32 v20;
	v22 =	vunpack.i.l.bf16.f32 v18;
	v18 =	vunpack.i.u.bf16.f32 v18  }
0x113: {  	v23 =	vunpack.i.u.bf16.f32 v17;
	v17 =	vunpack.i.l.bf16.f32 v17;
	v20 =	vadd.f32 v20, v21  }
0x114: {  	v21 =	vunpack.i.u.bf16.f32 v19;
	v19 =	vunpack.i.l.bf16.f32 v19;
	v17 =	vadd.f32 v17, v23  }
0x115: {  	v18 =	vadd.f32 v22, v18;
	v19 =	vadd.f32 v19, v21;
	_ =	sdelay $0x1  }
0x116: {  	v18 =	vadd.f32 v18, v20;
	v17 =	vadd.f32 v19, v17;
	_ =	sdelay $0x1  }
0x117: {  	v17 =	vadd.f32 v18, v17  }
0x118: {  	s9 =	simm.s32 $0x11540  }
0x119: {  	[tilespmem:s9+$0xFFFFFFF0] =	vst v17  }
0x11a: {  	v17 =	vld [tilespmem:s17+$0xFFFFFFE0]  }
0x11b: {  	v18 =	vld [tilespmem:s18+$0x0]  }
0x11c: {  	v19 =	vld [tilespmem:s18+$0xFFFFFFE0]  }
0x11d: {  	v20 =	vld [tilespmem:s17+$0x0]  }
0x11e: {  	v21 =	vld [tilespmem:s17+$0xFFFFFFD0]  }
0x11f: {  	v22 =	vld [tilespmem:s18+$0xFFFFFFD0]  }
0x120: {  	v23 =	vld [tilespmem:s18+$0xFFFFFFF0]  }
0x121: {  	v63 =	vld [tilespmem:s17+$0xFFFFFFF0];
	_ =	sdelay $0x2  }
0x122: {  	v18 =	vmul.bf16 v18, v20  }
0x123: {  	v17 =	vmul.bf16 v19, v17  }
0x124: {  	v19 =	vmul.bf16 v22, v21;
	v21 =	vmul.bf16 v23, v63;
	v20 =	vunpack.i.u.bf16.f32 v18  }
0x125: {  	s1 =	sshll.u32 s16, $0x4;
	s4 =	simm.s32 $0x0;
	v18 =	vunpack.i.l.bf16.f32 v18;
	v22 =	vunpack.i.u.bf16.f32 v17;
	v25 =	vunpack.i.l.bf16.f32 v17  }
0x126: {  	s5 =	simm.s32 $0x11560;
	s6 =	smov.u32 s17;
	s7 =	smov.u32 s18;
	v17 =	vadd.f32 v18, v20;
	v20 =	vunpack.i.u.bf16.f32 v19;
	v18 =	vadd.f32 v25, v22  }
.LBB2_12:
0x127: {  	s4 =	sadd.s32 $0x2, s4;
	v19 =	vunpack.i.l.bf16.f32 v19;
	v22 =	vunpack.i.u.bf16.f32 v21;
	v21 =	vunpack.i.l.bf16.f32 v21;
	s6 =	sadd.s32 $0x80, s6;
	s7 =	sadd.s32 $0x80, s7  }
0x128: {  	p1 =	slt.u32 s4, $0xE;
	v19 =	vadd.f32 v19, v20;
	v20 =	vadd.f32 v21, v22;
	_ =	sdelay $0x1  }
0x129: {  	v18 =	vadd.f32 v18, v19;
	v17 =	vadd.f32 v17, v20;
	_ =	sdelay $0x1  }
0x12a: {  	v17 =	vadd.f32 v17, v18;
	_ =	sdelay $0x1  }
0x12b: {  	[tilespmem:s9+$0x0] =	vst v17;
	s9 =	smov.u32 s5  }
0x12c: {  	v17 =	vld [tilespmem:s6+$0xFFFFFF90]  }
0x12d: {  	v18 =	vld [tilespmem:s7+$0xFFFFFFC0]  }
0x12e: {  	v19 =	vld [tilespmem:s6+$0xFFFFFFC0]  }
0x12f: {  	v20 =	vld [tilespmem:s7+$0xFFFFFFB0]  }
0x130: {  	v21 =	vld [tilespmem:s6+$0xFFFFFFB0]  }
0x131: {  	v22 =	vld [tilespmem:s7+$0xFFFFFFA0]  }
0x132: {  	v23 =	vld [tilespmem:s6+$0xFFFFFFA0]  }
0x133: {  	v24 =	vld [tilespmem:s7+$0xFFFFFF90];
	v18 =	vmul.bf16 v18, v19;
	_ =	sdelay $0x1  }
0x134: {  	v19 =	vmul.bf16 v20, v21;
	v20 =	vunpack.i.l.bf16.f32 v18;
	_ =	sdelay $0x1  }
0x135: {  	v21 =	vmul.bf16 v22, v23;
	v22 =	vunpack.i.u.bf16.f32 v19;
	v19 =	vunpack.i.l.bf16.f32 v19  }
0x136: {  	v17 =	vmul.bf16 v24, v17;
	v19 =	vadd.f32 v19, v22  }
0x137: {  	v18 =	vunpack.i.u.bf16.f32 v18;
	v22 =	vunpack.i.u.bf16.f32 v21;
	v21 =	vunpack.i.l.bf16.f32 v21  }
0x138: {  	v23 =	vunpack.i.u.bf16.f32 v17;
	v17 =	vunpack.i.l.bf16.f32 v17;
	v21 =	vadd.f32 v21, v22  }
0x139: {  	v18 =	vadd.f32 v20, v18;
	v17 =	vadd.f32 v17, v23;
	_ =	sdelay $0x1  }
0x13a: {  	v18 =	vadd.f32 v18, v19;
	v17 =	vadd.f32 v21, v17;
	_ =	sdelay $0x1  }
0x13b: {  	v17 =	vadd.f32 v18, v17;
	_ =	sdelay $0x1  }
0x13c: {  	[tilespmem:s5+$0xFFFFFFF0] =	vst v17  }
0x13d: {  	v17 =	vld [tilespmem:s6+$0xFFFFFFE0]  }
0x13e: {  	v18 =	vld [tilespmem:s7+$0x0]  }
0x13f: {  	v19 =	vld [tilespmem:s7+$0xFFFFFFE0]  }
0x140: {  	v20 =	vld [tilespmem:s6+$0x0]  }
0x141: {  	v21 =	vld [tilespmem:s7+$0xFFFFFFF0]  }
0x142: {  	v22 =	vld [tilespmem:s6+$0xFFFFFFD0]  }
0x143: {  	v23 =	vld [tilespmem:s7+$0xFFFFFFD0]  }
0x144: {  	v17 =	vmul.bf16 v19, v17;
	v24 =	vld [tilespmem:s6+$0xFFFFFFF0]  }
0x145: {  	v18 =	vmul.bf16 v18, v20  }
.Ltmp4:
0x146: {  	v25 =	vunpack.i.u.bf16.f32 v17;
	v26 =	vunpack.i.l.bf16.f32 v17;
	(pc) =	sbr.rel @p1 .LBB2_12-.Ltmp4, $4  }
0x147: {  	v17 =	vunpack.i.u.bf16.f32 v18;
	v18 =	vunpack.i.l.bf16.f32 v18  }
0x148: {  	v19 =	vmul.bf16 v23, v22;
	v17 =	vadd.f32 v18, v17  }
0x149: {  	v21 =	vmul.bf16 v21, v24  }
0x14a: {  	s5 =	sadd.s32 $0x20, s5;
	v18 =	vadd.f32 v26, v25;
	v20 =	vunpack.i.u.bf16.f32 v19  }
0x14b: {  	v19 =	vunpack.i.l.bf16.f32 v19;
	v22 =	vunpack.i.u.bf16.f32 v21;
	v53 =	vunpack.i.l.bf16.f32 v21  }
0x14c: {  	v19 =	vadd.f32 v19, v20;
	v54 =	vadd.f32 v53, v22;
	_ =	sdelay $0x1  }
0x14d: {  	v18 =	vadd.f32 v18, v19;
	v17 =	vadd.f32 v17, v54;
	_ =	sdelay $0x1  }
0x14e: {  	v17 =	vadd.f32 v17, v18;
	_ =	sdelay $0x1  }
0x14f: {  	[tilespmem:s9+$0x0] =	vst v17  }
0x150: {  	v17 =	vld.idx.msk [tilespmem:v0+s24+$0x0], $0xffff  }
0x151: {  	v18 =	vld.idx.msk [tilespmem:v1+s24+$0x0], $0xffff  }
0x152: {  	v19 =	vld.idx.msk [tilespmem:v2+s24+$0x0], $0xffff  }
0x153: {  	v55 =	vld.idx.msk [tilespmem:v3+s24+$0x0], $0xffff  }
0x154: {  	v56 =	vld.idx.msk [tilespmem:v4+s24+$0x0], $0xffff  }
0x155: {  	v57 =	vld.idx.msk [tilespmem:v5+s24+$0x0], $0xffff  }
0x156: {  	v23 =	vld.idx.msk [tilespmem:v6+s24+$0x0], $0xffff  }
0x157: {  	v24 =	vld.idx.msk [tilespmem:v7+s24+$0x0], $0xffff  }
0x158: {  	v25 =	vld.idx.msk [tilespmem:v8+s24+$0x0], $0xffff  }
0x159: {  	v26 =	vld.idx.msk [tilespmem:v9+s24+$0x0], $0xffff  }
0x15a: {  	v27 =	vld.idx.msk [tilespmem:v10+s24+$0x0], $0xffff  }
0x15b: {  	v28 =	vld.idx.msk [tilespmem:v11+s24+$0x0], $0xffff  }
0x15c: {  	v29 =	vld.idx.msk [tilespmem:v12+s24+$0x0], $0xffff  }
0x15d: {  	v30 =	vld.idx.msk [tilespmem:v13+s24+$0x0], $0xffff  }
0x15e: {  	v31 =	vld.idx.msk [tilespmem:v14+s24+$0x0], $0xffff  }
0x15f: {  	v32 =	vld.idx.msk [tilespmem:v15+s24+$0x0], $0xffff;
	_ =	sdelay $0x1  }
0x160: {  	v17 =	vadd.f32 v18, v17;
	v18 =	vadd.f32 v55, v19  }
0x161: {  	v19 =	vadd.f32 v57, v56;
	v58 =	vadd.f32 v24, v23  }
0x162: {  	v59 =	vadd.f32 v26, v25;
	v60 =	vadd.f32 v28, v27  }
0x163: {  	v61 =	vadd.f32 v30, v29;
	v62 =	vadd.f32 v32, v31  }
0x164: {  	v17 =	vadd.f32 v18, v17;
	v18 =	vadd.f32 v58, v19  }
0x165: {  	s16 =	sadd.s32 $0x1, s16;
	v19 =	vadd.f32 v60, v59;
	v63 =	vadd.f32 v62, v61  }
0x166: {  	p1 =	sne.s32 s16, $0x5  }
.Ltmp5:
0x167: {  	v17 =	vadd.f32 v18, v17;
	v18 =	vadd.f32 v63, v19;
	(pc) =	sbr.rel @p1 .LBB2_11-.Ltmp5, $3  }
0x168: {  	_ = 	snop  }
0x169: {  	v17 =	vadd.f32 v18, v17;
	_ =	sdelay $0x1  }
0x16a: {  	s17 =	sadd.s32 $0x400, s17;
	s18 =	sadd.s32 $0x400, s18;
	[tilespmem:v16+s1+$0x0 ss:$0x1] =	vst.idx.msk $0xffff, v17  }
0x16b: {  	_ =	swait.ge [sflag:s30], $0x1400  }
0x16c: {  	[sflag:s30] =	ssyncset.done $0x0  }
0x16d: {  	[sflag:s30] =	ssyncadd.s32 $0xFFFFEC00  }
0x16e: {  	_ =	swait.ge [sflag:s31], $0x1400  }
0x16f: {  	s1 =	sadd.s32 @!p0 $0x1E0, s15;
	s4 =	simm.s32 @!p0 $0x50;
	[sflag:s31] =	ssyncset.done $0x0  }
0x170: {  	s5 =	simm.s32 @!p0 $0x7620;
	s6 =	smul.u32 $0x140, s14;
	[sflag:s31] =	ssyncadd.s32 $0xFFFFEC00  }
0x171: {  	[tilespmem:s5], [sflag:$0x3] =	stream.indirect.gather @!p0 [hbm4b:s3+s4], $0x40, s1, s4, $0xb8;
	[tilespmem:$0x11630] =	vst v63  }
0x172: {  	s19 =	sshra.s32 s6, $0x2;
	s1 =	sadd.s32 @!p0 $0x28F0, s15;
	s5 =	simm.s32 @!p0 $0xC620  }
0x173: {  	[tilespmem:s5], [sflag:$0x7] =	stream.indirect.gather @!p0 [hbm4b:s3+s4], $0x40, s1, s4, $0xb8;
	[tilespmem:$0x11630] =	vst v63  }
0x174: {  	s1 =	sadd.s32 $0xEE20, s19  }
0x175: {  	s14 =	simm.s32 $0x0;
	s16 =	simm.s32 $0xDA90;
	s15 =	simm.s32 $0x8A90;
	v16 =	vmov s1  }
.LBB2_15:
0x176: {  	v17 =	vld [tilespmem:s15+$0xFFFFFF90]  }
0x177: {  	v18 =	vld [tilespmem:s16+$0xFFFFFFC0]  }
0x178: {  	v19 =	vld [tilespmem:s15+$0xFFFFFFC0]  }
0x179: {  	v20 =	vld [tilespmem:s16+$0xFFFFFFB0]  }
0x17a: {  	v21 =	vld [tilespmem:s15+$0xFFFFFFB0]  }
0x17b: {  	v22 =	vld [tilespmem:s16+$0xFFFFFFA0]  }
0x17c: {  	v23 =	vld [tilespmem:s15+$0xFFFFFFA0]  }
0x17d: {  	v24 =	vld [tilespmem:s16+$0xFFFFFF90];
	_ =	sdelay $0x2  }
0x17e: {  	v20 =	vmul.bf16 v20, v21  }
0x17f: {  	v18 =	vmul.bf16 v18, v19  }
0x180: {  	v19 =	vmul.bf16 v22, v23;
	v17 =	vmul.bf16 v24, v17;
	v21 =	vunpack.i.u.bf16.f32 v20  }
0x181: {  	v20 =	vunpack.i.l.bf16.f32 v20;
	v22 =	vunpack.i.l.bf16.f32 v18;
	v18 =	vunpack.i.u.bf16.f32 v18  }
0x182: {  	v23 =	vunpack.i.u.bf16.f32 v17;
	v17 =	vunpack.i.l.bf16.f32 v17;
	v20 =	vadd.f32 v20, v21  }
0x183: {  	v21 =	vunpack.i.u.bf16.f32 v19;
	v19 =	vunpack.i.l.bf16.f32 v19;
	v17 =	vadd.f32 v17, v23  }
0x184: {  	v18 =	vadd.f32 v22, v18;
	v19 =	vadd.f32 v19, v21;
	_ =	sdelay $0x1  }
0x185: {  	v18 =	vadd.f32 v18, v20;
	v17 =	vadd.f32 v19, v17;
	_ =	sdelay $0x1  }
0x186: {  	v17 =	vadd.f32 v18, v17  }
0x187: {  	s9 =	simm.s32 $0x11540  }
0x188: {  	[tilespmem:s9+$0xFFFFFFF0] =	vst v17  }
0x189: {  	v17 =	vld [tilespmem:s15+$0xFFFFFFE0]  }
0x18a: {  	v18 =	vld [tilespmem:s16+$0x0]  }
0x18b: {  	v19 =	vld [tilespmem:s16+$0xFFFFFFE0]  }
0x18c: {  	v20 =	vld [tilespmem:s15+$0x0]  }
0x18d: {  	v21 =	vld [tilespmem:s15+$0xFFFFFFD0]  }
0x18e: {  	v22 =	vld [tilespmem:s16+$0xFFFFFFD0]  }
0x18f: {  	v23 =	vld [tilespmem:s16+$0xFFFFFFF0]  }
0x190: {  	v63 =	vld [tilespmem:s15+$0xFFFFFFF0];
	_ =	sdelay $0x2  }
0x191: {  	v18 =	vmul.bf16 v18, v20  }
0x192: {  	v17 =	vmul.bf16 v19, v17  }
0x193: {  	v19 =	vmul.bf16 v22, v21;
	v21 =	vmul.bf16 v23, v63;
	v20 =	vunpack.i.u.bf16.f32 v18  }
0x194: {  	s1 =	sshll.u32 s14, $0x4;
	s4 =	simm.s32 $0x0;
	v18 =	vunpack.i.l.bf16.f32 v18;
	v22 =	vunpack.i.u.bf16.f32 v17;
	v25 =	vunpack.i.l.bf16.f32 v17  }
0x195: {  	s5 =	simm.s32 $0x11560;
	s6 =	smov.u32 s15;
	s7 =	smov.u32 s16;
	v17 =	vadd.f32 v18, v20;
	v20 =	vunpack.i.u.bf16.f32 v19;
	v18 =	vadd.f32 v25, v22  }
.LBB2_16:
0x196: {  	s4 =	sadd.s32 $0x2, s4;
	v19 =	vunpack.i.l.bf16.f32 v19;
	v22 =	vunpack.i.u.bf16.f32 v21;
	v21 =	vunpack.i.l.bf16.f32 v21;
	s6 =	sadd.s32 $0x80, s6;
	s7 =	sadd.s32 $0x80, s7  }
0x197: {  	p0 =	slt.u32 s4, $0xE;
	v19 =	vadd.f32 v19, v20;
	v20 =	vadd.f32 v21, v22;
	_ =	sdelay $0x1  }
0x198: {  	v18 =	vadd.f32 v18, v19;
	v17 =	vadd.f32 v17, v20;
	_ =	sdelay $0x1  }
0x199: {  	v17 =	vadd.f32 v17, v18;
	_ =	sdelay $0x1  }
0x19a: {  	[tilespmem:s9+$0x0] =	vst v17;
	s9 =	smov.u32 s5  }
0x19b: {  	v17 =	vld [tilespmem:s6+$0xFFFFFF90]  }
0x19c: {  	v18 =	vld [tilespmem:s7+$0xFFFFFFC0]  }
0x19d: {  	v19 =	vld [tilespmem:s6+$0xFFFFFFC0]  }
0x19e: {  	v20 =	vld [tilespmem:s7+$0xFFFFFFB0]  }
0x19f: {  	v21 =	vld [tilespmem:s6+$0xFFFFFFB0]  }
0x1a0: {  	v22 =	vld [tilespmem:s7+$0xFFFFFFA0]  }
0x1a1: {  	v23 =	vld [tilespmem:s6+$0xFFFFFFA0]  }
0x1a2: {  	v24 =	vld [tilespmem:s7+$0xFFFFFF90];
	v18 =	vmul.bf16 v18, v19;
	_ =	sdelay $0x1  }
0x1a3: {  	v19 =	vmul.bf16 v20, v21;
	v20 =	vunpack.i.l.bf16.f32 v18;
	_ =	sdelay $0x1  }
0x1a4: {  	v21 =	vmul.bf16 v22, v23;
	v22 =	vunpack.i.u.bf16.f32 v19;
	v19 =	vunpack.i.l.bf16.f32 v19  }
0x1a5: {  	v17 =	vmul.bf16 v24, v17;
	v19 =	vadd.f32 v19, v22  }
0x1a6: {  	v18 =	vunpack.i.u.bf16.f32 v18;
	v22 =	vunpack.i.u.bf16.f32 v21;
	v21 =	vunpack.i.l.bf16.f32 v21  }
0x1a7: {  	v23 =	vunpack.i.u.bf16.f32 v17;
	v17 =	vunpack.i.l.bf16.f32 v17;
	v21 =	vadd.f32 v21, v22  }
0x1a8: {  	v18 =	vadd.f32 v20, v18;
	v17 =	vadd.f32 v17, v23;
	_ =	sdelay $0x1  }
0x1a9: {  	v18 =	vadd.f32 v18, v19;
	v17 =	vadd.f32 v21, v17;
	_ =	sdelay $0x1  }
0x1aa: {  	v17 =	vadd.f32 v18, v17;
	_ =	sdelay $0x1  }
0x1ab: {  	[tilespmem:s5+$0xFFFFFFF0] =	vst v17  }
0x1ac: {  	v17 =	vld [tilespmem:s6+$0xFFFFFFE0]  }
0x1ad: {  	v18 =	vld [tilespmem:s7+$0x0]  }
0x1ae: {  	v19 =	vld [tilespmem:s7+$0xFFFFFFE0]  }
0x1af: {  	v20 =	vld [tilespmem:s6+$0x0]  }
0x1b0: {  	v21 =	vld [tilespmem:s7+$0xFFFFFFF0]  }
0x1b1: {  	v22 =	vld [tilespmem:s6+$0xFFFFFFD0]  }
0x1b2: {  	v23 =	vld [tilespmem:s7+$0xFFFFFFD0]  }
0x1b3: {  	v17 =	vmul.bf16 v19, v17;
	v24 =	vld [tilespmem:s6+$0xFFFFFFF0]  }
0x1b4: {  	v18 =	vmul.bf16 v18, v20  }
.Ltmp6:
0x1b5: {  	v25 =	vunpack.i.u.bf16.f32 v17;
	v26 =	vunpack.i.l.bf16.f32 v17;
	(pc) =	sbr.rel @p0 .LBB2_16-.Ltmp6, $4  }
0x1b6: {  	v17 =	vunpack.i.u.bf16.f32 v18;
	v18 =	vunpack.i.l.bf16.f32 v18  }
0x1b7: {  	v19 =	vmul.bf16 v23, v22;
	v17 =	vadd.f32 v18, v17  }
0x1b8: {  	v21 =	vmul.bf16 v21, v24  }
0x1b9: {  	s5 =	sadd.s32 $0x20, s5;
	v18 =	vadd.f32 v26, v25;
	v20 =	vunpack.i.u.bf16.f32 v19  }
0x1ba: {  	v19 =	vunpack.i.l.bf16.f32 v19;
	v22 =	vunpack.i.u.bf16.f32 v21;
	v53 =	vunpack.i.l.bf16.f32 v21  }
0x1bb: {  	v19 =	vadd.f32 v19, v20;
	v54 =	vadd.f32 v53, v22;
	_ =	sdelay $0x1  }
0x1bc: {  	v18 =	vadd.f32 v18, v19;
	v17 =	vadd.f32 v17, v54;
	_ =	sdelay $0x1  }
0x1bd: {  	v17 =	vadd.f32 v17, v18;
	_ =	sdelay $0x1  }
0x1be: {  	[tilespmem:s9+$0x0] =	vst v17  }
0x1bf: {  	v17 =	vld.idx.msk [tilespmem:v0+s24+$0x0], $0xffff  }
0x1c0: {  	v18 =	vld.idx.msk [tilespmem:v1+s24+$0x0], $0xffff  }
0x1c1: {  	v19 =	vld.idx.msk [tilespmem:v2+s24+$0x0], $0xffff  }
0x1c2: {  	v55 =	vld.idx.msk [tilespmem:v3+s24+$0x0], $0xffff  }
0x1c3: {  	v56 =	vld.idx.msk [tilespmem:v4+s24+$0x0], $0xffff  }
0x1c4: {  	v57 =	vld.idx.msk [tilespmem:v5+s24+$0x0], $0xffff  }
0x1c5: {  	v23 =	vld.idx.msk [tilespmem:v6+s24+$0x0], $0xffff  }
0x1c6: {  	v24 =	vld.idx.msk [tilespmem:v7+s24+$0x0], $0xffff  }
0x1c7: {  	v25 =	vld.idx.msk [tilespmem:v8+s24+$0x0], $0xffff  }
0x1c8: {  	v26 =	vld.idx.msk [tilespmem:v9+s24+$0x0], $0xffff  }
0x1c9: {  	v27 =	vld.idx.msk [tilespmem:v10+s24+$0x0], $0xffff  }
0x1ca: {  	v28 =	vld.idx.msk [tilespmem:v11+s24+$0x0], $0xffff  }
0x1cb: {  	v29 =	vld.idx.msk [tilespmem:v12+s24+$0x0], $0xffff  }
0x1cc: {  	v30 =	vld.idx.msk [tilespmem:v13+s24+$0x0], $0xffff  }
0x1cd: {  	v31 =	vld.idx.msk [tilespmem:v14+s24+$0x0], $0xffff  }
0x1ce: {  	v32 =	vld.idx.msk [tilespmem:v15+s24+$0x0], $0xffff;
	_ =	sdelay $0x1  }
0x1cf: {  	v17 =	vadd.f32 v18, v17;
	v18 =	vadd.f32 v55, v19  }
0x1d0: {  	v19 =	vadd.f32 v57, v56;
	v58 =	vadd.f32 v24, v23  }
0x1d1: {  	v59 =	vadd.f32 v26, v25;
	v60 =	vadd.f32 v28, v27  }
0x1d2: {  	v61 =	vadd.f32 v30, v29;
	v62 =	vadd.f32 v32, v31  }
0x1d3: {  	v17 =	vadd.f32 v18, v17;
	v18 =	vadd.f32 v58, v19  }
0x1d4: {  	s14 =	sadd.s32 $0x1, s14;
	v19 =	vadd.f32 v60, v59;
	v63 =	vadd.f32 v62, v61  }
0x1d5: {  	p0 =	sne.s32 s14, $0x5  }
.Ltmp7:
0x1d6: {  	v17 =	vadd.f32 v18, v17;
	v18 =	vadd.f32 v63, v19;
	(pc) =	sbr.rel @p0 .LBB2_15-.Ltmp7, $3  }
0x1d7: {  	_ = 	snop  }
0x1d8: {  	v17 =	vadd.f32 v18, v17;
	_ =	sdelay $0x1  }
0x1d9: {  	s15 =	sadd.s32 $0x400, s15;
	s16 =	sadd.s32 $0x400, s16;
	[tilespmem:v16+s1+$0x0 ss:$0x1] =	vst.idx.msk $0xffff, v17  }
0x1da: {  	s13 =	sadd.s32 $0x1, s13  }
0x1db: {  	p0 =	sne.s32 s13, $0x1F  }
.Ltmp8:
0x1dc: {  	_ = 	snop;
	(pc) =	sbr.rel @p0 .LBB2_2-.Ltmp8, $1  }
0x1dd: {  	_ =	sdelay $0x3  }
0x1de: {  	_ =	swait.ge [sflag:s20], $0x1400  }
0x1df: {  	[sflag:s20] =	ssyncset.done $0x0  }
0x1e0: {  	[sflag:s20] =	ssyncadd.s32 $0xFFFFEC00  }
0x1e1: {  	_ =	swait.ge [sflag:s21], $0x1400  }
0x1e2: {  	s13 =	simm.s32 $0x0;
	[sflag:s21] =	ssyncset.done $0x0  }
0x1e3: {  	s14 =	simm.s32 $0x9E60;
	s15 =	simm.s32 $0x4E60;
	[sflag:s21] =	ssyncadd.s32 $0xFFFFEC00  }
.LBB2_20:
0x1e4: {  	v16 =	vld [tilespmem:s15+$0xFFFFFFC0]  }
0x1e5: {  	v17 =	vld [tilespmem:s14+$0xFFFFFFF0]  }
0x1e6: {  	v18 =	vld [tilespmem:s15+$0xFFFFFFF0]  }
0x1e7: {  	v19 =	vld [tilespmem:s14+$0xFFFFFFE0]  }
0x1e8: {  	v20 =	vld [tilespmem:s15+$0xFFFFFFE0]  }
0x1e9: {  	v21 =	vld [tilespmem:s14+$0xFFFFFFD0]  }
0x1ea: {  	v22 =	vld [tilespmem:s15+$0xFFFFFFD0]  }
0x1eb: {  	v23 =	vld [tilespmem:s14+$0xFFFFFFC0];
	_ =	sdelay $0x2  }
0x1ec: {  	v19 =	vmul.bf16 v19, v20  }
0x1ed: {  	v17 =	vmul.bf16 v17, v18  }
0x1ee: {  	v18 =	vmul.bf16 v21, v22;
	v16 =	vmul.bf16 v23, v16;
	v20 =	vunpack.i.u.bf16.f32 v19  }
0x1ef: {  	v19 =	vunpack.i.l.bf16.f32 v19;
	v21 =	vunpack.i.l.bf16.f32 v17;
	v17 =	vunpack.i.u.bf16.f32 v17  }
0x1f0: {  	v22 =	vunpack.i.u.bf16.f32 v16;
	v16 =	vunpack.i.l.bf16.f32 v16;
	v19 =	vadd.f32 v19, v20  }
0x1f1: {  	v20 =	vunpack.i.u.bf16.f32 v18;
	v18 =	vunpack.i.l.bf16.f32 v18;
	v16 =	vadd.f32 v16, v22  }
0x1f2: {  	v17 =	vadd.f32 v21, v17;
	v18 =	vadd.f32 v18, v20;
	_ =	sdelay $0x1  }
0x1f3: {  	v17 =	vadd.f32 v17, v19;
	v16 =	vadd.f32 v18, v16;
	_ =	sdelay $0x1  }
0x1f4: {  	v16 =	vadd.f32 v17, v16  }
0x1f5: {  	s1 =	simm.s32 $0x11540  }
0x1f6: {  	[tilespmem:s1+$0xFFFFFFF0] =	vst v16  }
0x1f7: {  	v16 =	vld [tilespmem:s15+$0x10]  }
0x1f8: {  	v17 =	vld [tilespmem:s14+$0x30]  }
0x1f9: {  	v18 =	vld [tilespmem:s14+$0x10]  }
0x1fa: {  	v19 =	vld [tilespmem:s15+$0x30]  }
0x1fb: {  	v20 =	vld [tilespmem:s15+$0x0]  }
0x1fc: {  	v21 =	vld [tilespmem:s14+$0x0]  }
0x1fd: {  	v22 =	vld [tilespmem:s14+$0x20]  }
0x1fe: {  	v23 =	vld [tilespmem:s15+$0x20];
	_ =	sdelay $0x2  }
0x1ff: {  	v17 =	vmul.bf16 v17, v19  }
0x200: {  	v16 =	vmul.bf16 v18, v16  }
0x201: {  	v18 =	vmul.bf16 v21, v20;
	v20 =	vmul.bf16 v22, v23;
	v19 =	vunpack.i.u.bf16.f32 v17  }
0x202: {  	s16 =	sshll.u32 s13, $0x4;
	s4 =	simm.s32 $0x0;
	v17 =	vunpack.i.l.bf16.f32 v17;
	v21 =	vunpack.i.u.bf16.f32 v16;
	v24 =	vunpack.i.l.bf16.f32 v16  }
0x203: {  	s5 =	sadd.s32 $0x80, s15;
	s6 =	smov.u32 s14;
	s9 =	simm.s32 $0x11540;
	v16 =	vadd.f32 v17, v19;
	v19 =	vunpack.i.u.bf16.f32 v18;
	v17 =	vadd.f32 v24, v21  }
.LBB2_21:
0x204: {  	s4 =	sadd.s32 $0x2, s4;
	v18 =	vunpack.i.l.bf16.f32 v18;
	v21 =	vunpack.i.u.bf16.f32 v20;
	v20 =	vunpack.i.l.bf16.f32 v20;
	s1 =	sadd.s32 $0x20, s1;
	s6 =	sadd.s32 $0x80, s6  }
0x205: {  	p0 =	slt.u32 s4, $0xE;
	v18 =	vadd.f32 v18, v19;
	v19 =	vadd.f32 v20, v21;
	_ =	sdelay $0x1  }
0x206: {  	v17 =	vadd.f32 v17, v18;
	v16 =	vadd.f32 v16, v19;
	_ =	sdelay $0x1  }
0x207: {  	v16 =	vadd.f32 v16, v17;
	_ =	sdelay $0x1  }
0x208: {  	[tilespmem:s9+$0x0] =	vst v16;
	s9 =	smov.u32 s1  }
0x209: {  	v16 =	vld [tilespmem:s5+$0xFFFFFFC0]  }
0x20a: {  	v17 =	vld [tilespmem:s6+$0xFFFFFFF0]  }
0x20b: {  	v18 =	vld [tilespmem:s5+$0xFFFFFFF0]  }
0x20c: {  	v19 =	vld [tilespmem:s6+$0xFFFFFFE0]  }
0x20d: {  	v20 =	vld [tilespmem:s5+$0xFFFFFFE0]  }
0x20e: {  	v21 =	vld [tilespmem:s6+$0xFFFFFFD0]  }
0x20f: {  	v22 =	vld [tilespmem:s5+$0xFFFFFFD0]  }
0x210: {  	v23 =	vld [tilespmem:s6+$0xFFFFFFC0];
	v17 =	vmul.bf16 v17, v18;
	_ =	sdelay $0x1  }
0x211: {  	v18 =	vmul.bf16 v19, v20;
	v19 =	vunpack.i.l.bf16.f32 v17;
	_ =	sdelay $0x1  }
0x212: {  	v20 =	vmul.bf16 v21, v22;
	v21 =	vunpack.i.u.bf16.f32 v18;
	v18 =	vunpack.i.l.bf16.f32 v18  }
0x213: {  	v16 =	vmul.bf16 v23, v16;
	v18 =	vadd.f32 v18, v21  }
0x214: {  	v17 =	vunpack.i.u.bf16.f32 v17;
	v21 =	vunpack.i.u.bf16.f32 v20;
	v20 =	vunpack.i.l.bf16.f32 v20  }
0x215: {  	v22 =	vunpack.i.u.bf16.f32 v16;
	v16 =	vunpack.i.l.bf16.f32 v16;
	v20 =	vadd.f32 v20, v21  }
0x216: {  	v17 =	vadd.f32 v19, v17;
	v16 =	vadd.f32 v16, v22;
	_ =	sdelay $0x1  }
0x217: {  	v17 =	vadd.f32 v17, v18;
	v16 =	vadd.f32 v20, v16;
	_ =	sdelay $0x1  }
0x218: {  	v16 =	vadd.f32 v17, v16;
	_ =	sdelay $0x1  }
0x219: {  	[tilespmem:s1+$0xFFFFFFF0] =	vst v16  }
0x21a: {  	v16 =	vld [tilespmem:s5+$0x10]  }
0x21b: {  	v17 =	vld [tilespmem:s6+$0x30]  }
0x21c: {  	v18 =	vld [tilespmem:s6+$0x10]  }
0x21d: {  	v19 =	vld [tilespmem:s5+$0x30]  }
0x21e: {  	v20 =	vld [tilespmem:s6+$0x20]  }
0x21f: {  	v21 =	vld [tilespmem:s5+$0x0]  }
0x220: {  	v22 =	vld [tilespmem:s6+$0x0]  }
0x221: {  	v16 =	vmul.bf16 v18, v16;
	v23 =	vld [tilespmem:s5+$0x20]  }
0x222: {  	v17 =	vmul.bf16 v17, v19  }
.Ltmp9:
0x223: {  	v24 =	vunpack.i.u.bf16.f32 v16;
	v25 =	vunpack.i.l.bf16.f32 v16;
	(pc) =	sbr.rel @p0 .LBB2_21-.Ltmp9, $4  }
0x224: {  	v16 =	vunpack.i.u.bf16.f32 v17;
	v17 =	vunpack.i.l.bf16.f32 v17  }
0x225: {  	v18 =	vmul.bf16 v22, v21;
	v16 =	vadd.f32 v17, v16  }
0x226: {  	v20 =	vmul.bf16 v20, v23  }
0x227: {  	s5 =	sadd.s32 $0x80, s5;
	v17 =	vadd.f32 v25, v24;
	v19 =	vunpack.i.u.bf16.f32 v18  }
0x228: {  	v18 =	vunpack.i.l.bf16.f32 v18;
	v21 =	vunpack.i.u.bf16.f32 v20;
	v50 =	vunpack.i.l.bf16.f32 v20  }
0x229: {  	v18 =	vadd.f32 v18, v19;
	v51 =	vadd.f32 v50, v21;
	_ =	sdelay $0x1  }
0x22a: {  	v17 =	vadd.f32 v17, v18;
	v16 =	vadd.f32 v16, v51;
	_ =	sdelay $0x1  }
0x22b: {  	v16 =	vadd.f32 v16, v17;
	_ =	sdelay $0x1  }
0x22c: {  	[tilespmem:s9+$0x0] =	vst v16  }
0x22d: {  	v16 =	vld.idx.msk [tilespmem:v0+s24+$0x0], $0xffff  }
0x22e: {  	v17 =	vld.idx.msk [tilespmem:v1+s24+$0x0], $0xffff  }
0x22f: {  	v52 =	vld.idx.msk [tilespmem:v2+s24+$0x0], $0xffff  }
0x230: {  	v53 =	vld.idx.msk [tilespmem:v3+s24+$0x0], $0xffff  }
0x231: {  	v54 =	vld.idx.msk [tilespmem:v4+s24+$0x0], $0xffff  }
0x232: {  	v55 =	vld.idx.msk [tilespmem:v5+s24+$0x0], $0xffff  }
0x233: {  	v22 =	vld.idx.msk [tilespmem:v6+s24+$0x0], $0xffff  }
0x234: {  	v23 =	vld.idx.msk [tilespmem:v7+s24+$0x0], $0xffff  }
0x235: {  	v24 =	vld.idx.msk [tilespmem:v8+s24+$0x0], $0xffff  }
0x236: {  	v25 =	vld.idx.msk [tilespmem:v9+s24+$0x0], $0xffff  }
0x237: {  	v26 =	vld.idx.msk [tilespmem:v10+s24+$0x0], $0xffff  }
0x238: {  	v27 =	vld.idx.msk [tilespmem:v11+s24+$0x0], $0xffff  }
0x239: {  	v28 =	vld.idx.msk [tilespmem:v12+s24+$0x0], $0xffff  }
0x23a: {  	v29 =	vld.idx.msk [tilespmem:v13+s24+$0x0], $0xffff  }
0x23b: {  	v30 =	vld.idx.msk [tilespmem:v14+s24+$0x0], $0xffff  }
0x23c: {  	v31 =	vld.idx.msk [tilespmem:v15+s24+$0x0], $0xffff;
	_ =	sdelay $0x1  }
0x23d: {  	v16 =	vadd.f32 v17, v16;
	v17 =	vadd.f32 v53, v52  }
0x23e: {  	v56 =	vadd.f32 v55, v54;
	v57 =	vadd.f32 v23, v22  }
0x23f: {  	v58 =	vadd.f32 v25, v24;
	v59 =	vadd.f32 v27, v26  }
0x240: {  	v60 =	vadd.f32 v29, v28;
	v61 =	vadd.f32 v31, v30  }
0x241: {  	v16 =	vadd.f32 v17, v16;
	v17 =	vadd.f32 v57, v56  }
0x242: {  	s13 =	sadd.s32 $0x1, s13;
	v62 =	vadd.f32 v59, v58;
	v63 =	vadd.f32 v61, v60  }
0x243: {  	p0 =	sne.s32 s13, $0x5  }
.Ltmp10:
0x244: {  	v16 =	vadd.f32 v17, v16;
	v17 =	vadd.f32 v63, v62;
	(pc) =	sbr.rel @p0 .LBB2_20-.Ltmp10, $3  }
0x245: {  	_ = 	snop  }
0x246: {  	v16 =	vadd.f32 v17, v16;
	_ =	sdelay $0x1  }
0x247: {  	s14 =	sadd.s32 $0x400, s14;
	s15 =	sadd.s32 $0x400, s15;
	[tilespmem:s16+$0x114E0] =	vst v16  }
0x248: {  	s1 =	rddreg [dreg:$0x5];
	s4 =	simm.s32 $0xEE20  }
0x249: {  	[hbm4b:s1+s2] =	stream.linear.scatter [tilespmem:s4], [sflag:$0x9], $0x2710, $0x38;
	[tilespmem:$0x11630] =	vst v63  }
0x24a: {  	_ =	swait.ge [sflag:s8], $0x2710  }
0x24b: {  	s0 =	sadd.s32 $0x1, s0;
	s19 =	rddreg [dreg:$0x6]  }
0x24c: {  	p0 =	sne.s32 s0, s19  }
.Ltmp11:
0x24d: {  	_ = 	snop;
	(pc) =	sbr.rel @p0 .LBB2_1-.Ltmp11, $3  }
0x24e: {  	_ =	sdelay $0x1  }
0x24f: {  	[sflag:s8] =	ssyncset.done $0x0  }
0x250: {  	[sflag:s8] =	ssyncadd.s32 $0xFFFFD8F0  }
0x251: {  	_ =	sfence.sel $0x180000  }
0x252: {  	[bflag:$0x0] =	sbarrier.arrive $0xFFFF  }
0x253: {  	_ =	strace $0x90000047  }
0x254: {  	s0 =	stileid.u32;
	[bflag:$0x2] =	sbarrier.arrive $0xFFFF  }
0x255: {  	p0 =	sne.s32 s0, $0x0;
	s0 =	rddreg [dreg:$0x2]  }
0x256: {  	s0 =	sadd.s32 @!p0 $0x100000, s0  }
0x257: {  	[sflag:s0] =	ssyncadd.tile.s32 @!p0 $0x1;
	_ =	shalt  }
.Lfunc_end2:
_tile_overlayer_lowered:
.L_overlay_start_2:
0x258: {  	(tag) =	ssettag $0x2  }
0x259: {  	s0 =	rddreg [dreg:$0x0];
	s2 =	stileid.u32  }
0x25a: {  	s1 =	rddreg [dreg:$0x1];
	p0 =	sne.s32 s2, $0x0  }
0x25b: {  	s3 =	rddreg [dreg:$0x2];
	[bflag:$0x3] =	sbarrier.arrive $0xFFFF;
	s2 =	simm.s32 @!p0 $0x1C09  }
0x25c: {  	[timem:s3], [sflag:s2] =	dma.local @!p0 [hbm:s0], s1  }
0x25d: {  	s0 =	simm.s32 @!p0 $0x9  }
0x25e: {  	_ =	swait.ge @!p0 [sflag:s0], s1  }
0x25f: {  	s1 =	ssub.s32 @!p0 $0x0, s1;
	[sflag:s0] =	ssyncset.done @!p0 $0x0  }
0x260: {  	[sflag:s0] =	ssyncadd.s32 @!p0 s1  }
0x261: {  	[bflag:$0x3] =	sbarrier.arrive $0xFFFF  }
0x262: {  	_ =	shalt  }

</sc_bundles>
